<compile_context>
chip_gen: v7x
topology: tpu7x:2x2x1
jax: 0.10.2.dev20260603
libtpu: 0.0.44.dev20260713+nightly
codegen_flags: <defaults>
</compile_context>

<pallas_src>
import functools

import jax
import jax.numpy as jnp
from jax import lax
from jax.experimental import pallas as pl
from jax.experimental.pallas import tpu as pltpu
from jax.experimental.pallas import tpu_sc as plsc

N = 10000
D = 128
NC = 2
NS = 16
NW = NC * NS

N_PAD = 10240
NODE_CHUNK = N_PAD // NS
TRASH = N
EB = 128
SUP = 16
_CORE1_FRAC = 0.4

_mesh = plsc.VectorSubcoreMesh(core_axis_name="c", subcore_axis_name="s")


def _deg_body(nchunks, src_h, tgt_h, z1_h, out_h, srcb, tgtb, wb, tgt2d, deg_sh):
    c = lax.axis_index("c")
    s = lax.axis_index("s")
    wid = c * NS + s
    epw = nchunks * EB
    base = wid * epw
    pltpu.sync_copy(z1_h.at[pl.ds(s * NODE_CHUNK, NODE_CHUNK)],
                    deg_sh.at[pl.ds(s * NODE_CHUNK, NODE_CHUNK)])
    pltpu.sync_copy(src_h.at[pl.ds(base, epw)], srcb)
    pltpu.sync_copy(tgt_h.at[pl.ds(base, epw)], tgtb)

    def compute(j, carry):
        for g in range(EB // 16):
            off = j * EB + g * 16
            sv = srcb[pl.ds(off, 16)]
            tv = tgtb[pl.ds(off, 16)]
            wb[pl.ds(off, 16)] = jnp.where(sv != tv, 1.0, 0.0).astype(jnp.float32)
            tgt2d[j, pl.ds(g * 16, 16)] = tv
        return carry

    lax.fori_loop(0, nchunks, compute, 0)
    plsc.subcore_barrier()

    def scat(j, carry):
        pltpu.sync_copy(wb.at[pl.ds(j * EB, EB)],
                        deg_sh.at[tgt2d.at[j]], add=True)
        return carry

    lax.fori_loop(0, nchunks, scat, 0)
    plsc.subcore_barrier()
    pltpu.sync_copy(deg_sh.at[pl.ds(s * NODE_CHUNK, NODE_CHUNK)],
                    out_h.at[c, pl.ds(s * NODE_CHUNK, NODE_CHUNK)])


def _msg_body(ns0, ns1, src_h, tgt_h, h2_h, out_h,
              idx_s, idx_t, rows, sem_is, sem_it, sem0, sem1, acc_sh):
    c = lax.axis_index("c")
    s = lax.axis_index("s")
    nsup_c = jnp.where(c == 0, ns0, ns1)
    row0 = jnp.where(c == 0, s * (ns0 * SUP), NS * (ns0 * SUP) + s * (ns1 * SUP))

    def zrow(i, carry):
        for g in range(D // 16):
            rows[0, i, pl.ds(g * 16, 16)] = jnp.zeros((16,), jnp.float32)
        return carry

    lax.fori_loop(0, EB, zrow, 0)
    for k in range(NODE_CHUNK // EB):
        pltpu.sync_copy(rows.at[0],
                        acc_sh.at[pl.ds(s * NODE_CHUNK + k * EB, EB)])
    @pl.when(nsup_c > 0)
    def _():
        pltpu.sync_copy(src_h.at[pl.ds(row0, SUP)], idx_s.at[0])
        pltpu.sync_copy(tgt_h.at[pl.ds(row0, SUP)], idx_t.at[0])

    plsc.subcore_barrier()

    @pl.when(nsup_c > 0)
    def _():
        pltpu.async_copy(h2_h.at[idx_s.at[0, 0]], rows.at[0], sem0)

    npairs = SUP // 2

    def sup_body(o, carry):
        par = lax.rem(o, 2)
        nxt = 1 - par

        @pl.when(o + 1 < nsup_c)
        def _():
            pltpu.async_copy(src_h.at[pl.ds(row0 + (o + 1) * SUP, SUP)],
                             idx_s.at[nxt], sem_is)
            pltpu.async_copy(tgt_h.at[pl.ds(row0 + (o + 1) * SUP, SUP)],
                             idx_t.at[nxt], sem_it)

        def edge_pair(p, carry2):
            c0 = 2 * p
            c1 = 2 * p + 1
            pltpu.make_async_copy(
                h2_h.at[idx_s.at[par, c0]], rows.at[0], sem0).wait()
            pltpu.async_copy(h2_h.at[idx_s.at[par, c1]], rows.at[1], sem1)
            pltpu.sync_copy(rows.at[0], acc_sh.at[idx_t.at[par, c0]], add=True)
            pltpu.make_async_copy(
                h2_h.at[idx_s.at[par, c1]], rows.at[1], sem1).wait()

            @pl.when(p < npairs - 1)
            def _():
                pltpu.async_copy(
                    h2_h.at[idx_s.at[par, c0 + 2]], rows.at[0], sem0)

            pltpu.sync_copy(rows.at[1], acc_sh.at[idx_t.at[par, c1]], add=True)
            return carry2

        lax.fori_loop(0, npairs, edge_pair, 0)

        @pl.when(o + 1 < nsup_c)
        def _():
            pltpu.make_async_copy(src_h.at[pl.ds(row0 + (o + 1) * SUP, SUP)],
                                  idx_s.at[nxt], sem_is).wait()
            pltpu.make_async_copy(tgt_h.at[pl.ds(row0 + (o + 1) * SUP, SUP)],
                                  idx_t.at[nxt], sem_it).wait()
            pltpu.async_copy(h2_h.at[idx_s.at[nxt, 0]], rows.at[0], sem0)

        return carry

    lax.fori_loop(0, nsup_c, sup_body, 0)
    plsc.subcore_barrier()
    pltpu.sync_copy(acc_sh.at[pl.ds(s * NODE_CHUNK, NODE_CHUNK)],
                    out_h.at[c, pl.ds(s * NODE_CHUNK, NODE_CHUNK)])


def _make_deg(nchunks):
    epw = nchunks * EB
    return pl.kernel(
        functools.partial(_deg_body, nchunks),
        out_type=jax.ShapeDtypeStruct((NC, N_PAD), jnp.float32),
        mesh=_mesh,
        scratch_types=[
            pltpu.VMEM((epw,), jnp.int32),
            pltpu.VMEM((epw,), jnp.int32),
            pltpu.VMEM((epw,), jnp.float32),
            pltpu.VMEM((nchunks, EB), jnp.int32),
            pltpu.VMEM_SHARED((N_PAD,), jnp.float32),
        ],
    )


def _make_msg(ns0, ns1):
    return pl.kernel(
        functools.partial(_msg_body, ns0, ns1),
        out_type=jax.ShapeDtypeStruct((NC, N_PAD, D), jnp.float32),
        mesh=_mesh,
        scratch_types=[
            pltpu.VMEM((2, SUP, EB), jnp.int32),
            pltpu.VMEM((2, SUP, EB), jnp.int32),
            pltpu.VMEM((2, EB, D), jnp.float32),
            pltpu.SemaphoreType.DMA,
            pltpu.SemaphoreType.DMA,
            pltpu.SemaphoreType.DMA,
            pltpu.SemaphoreType.DMA,
            pltpu.VMEM_SHARED((N_PAD, D), jnp.float32),
        ],
    )


def _mask_body(src_ref, tgt_ref, out_ref):
    lane = lax.broadcasted_iota(jnp.int32, out_ref.shape, 1)
    out_ref[...] = jnp.where(src_ref[...] == tgt_ref[...],
                             TRASH + lane, tgt_ref[...])


def _linear_body(x_ref, p0_ref, p1_ref, w_ref, b_ref, h2_ref, base_ref, dis_ref):
    h = jnp.dot(x_ref[...], w_ref[...], preferred_element_type=jnp.float32)
    deg = 1.0 + p0_ref[...] + p1_ref[...]
    dis = lax.rsqrt(deg)
    h2_ref[...] = dis * h
    base_ref[...] = h * (1.0 / deg) + b_ref[...]
    dis_ref[...] = dis


def _final_body(q0_ref, q1_ref, base_ref, dis_ref, out_ref):
    out_ref[...] = dis_ref[...] * (q0_ref[...] + q1_ref[...]) + base_ref[...]


_ROWS_BLK = 400
_GRID = N // _ROWS_BLK

_linear_call = pl.pallas_call(
    _linear_body,
    grid=(_GRID,),
    in_specs=[
        pl.BlockSpec((_ROWS_BLK, D), lambda i: (i, 0)),
        pl.BlockSpec((_ROWS_BLK, 1), lambda i: (i, 0)),
        pl.BlockSpec((_ROWS_BLK, 1), lambda i: (i, 0)),
        pl.BlockSpec((D, D), lambda i: (0, 0)),
        pl.BlockSpec((1, D), lambda i: (0, 0)),
    ],
    out_specs=[
        pl.BlockSpec((_ROWS_BLK, D), lambda i: (i, 0)),
        pl.BlockSpec((_ROWS_BLK, D), lambda i: (i, 0)),
        pl.BlockSpec((_ROWS_BLK, 1), lambda i: (i, 0)),
    ],
    out_shape=[
        jax.ShapeDtypeStruct((N, D), jnp.float32),
        jax.ShapeDtypeStruct((N, D), jnp.float32),
        jax.ShapeDtypeStruct((N, 1), jnp.float32),
    ],
)

_final_call = pl.pallas_call(
    _final_body,
    grid=(_GRID,),
    in_specs=[
        pl.BlockSpec((_ROWS_BLK, D), lambda i: (i, 0)),
        pl.BlockSpec((_ROWS_BLK, D), lambda i: (i, 0)),
        pl.BlockSpec((_ROWS_BLK, D), lambda i: (i, 0)),
        pl.BlockSpec((_ROWS_BLK, 1), lambda i: (i, 0)),
    ],
    out_specs=pl.BlockSpec((_ROWS_BLK, D), lambda i: (i, 0)),
    out_shape=jax.ShapeDtypeStruct((N, D), jnp.float32),
)


def kernel(x, edge_index, W, b):
    e = edge_index.shape[1]
    nsup = -(-e // (NW * SUP * EB))
    nchunks = nsup * SUP
    e_pad = nchunks * NW * EB
    src = jnp.zeros((e_pad,), jnp.int32).at[:e].set(edge_index[0].astype(jnp.int32))
    tgt = jnp.zeros((e_pad,), jnp.int32).at[:e].set(edge_index[1].astype(jnp.int32))

    z1 = jnp.zeros((N_PAD,), jnp.float32)

    deg_parts = _make_deg(nchunks)(src, tgt, z1)
    p0 = deg_parts[0, :N, None]
    p1 = deg_parts[1, :N, None]

    h2, base, dis = _linear_call(x, p0, p1, W, b.reshape(1, D))

    erows = e_pad // EB
    tgtm = pl.pallas_call(
        _mask_body,
        grid=(erows // 256,),
        in_specs=[pl.BlockSpec((256, EB), lambda i: (i, 0)),
                  pl.BlockSpec((256, EB), lambda i: (i, 0))],
        out_specs=pl.BlockSpec((256, EB), lambda i: (i, 0)),
        out_shape=jax.ShapeDtypeStruct((erows, EB), jnp.int32),
    )(src.reshape(erows, EB), tgt.reshape(erows, EB))

    ns1 = min(2 * nsup - 1, max(0, round(2 * nsup * _CORE1_FRAC)))
    ns0 = 2 * nsup - ns1
    src2 = src.reshape(erows, EB)
    tgt2 = tgtm.reshape(erows, EB)
    acc_parts = _make_msg(ns0, ns1)(src2, tgt2, h2)
    out = _final_call(acc_parts[0, :N, :], acc_parts[1, :N, :], base, dis)
    return out

# --- scband reference (transcript-rebuilt; emitter-appended) ---
"""Pipeline reference for scband-rea-rea-conv-28492813041739 (READ-ONLY COPY).

The authoritative reference and input builder live on the scoring server;
editing this copy changes nothing except your own understanding.
"""

import jax, jax.numpy as jnp
import numpy as np

N = 10000
E = 320000
D_IN = 128
D_OUT = 128


def setup_inputs(seed: int = 0) -> dict:
    key = jax.random.key(seed)
    k1, k2, k3 = jax.random.split(key, 3)
    x = jax.random.normal(k1, (N, D_IN), dtype=jnp.float32)
    edge_index = jax.random.randint(k2, (2, E), 0, N)
    # glorot-uniform linear weight (in, out); torch Linear stores (out, in) but
    # x @ W here equals x @ weight.T there.
    limit = float(np.sqrt(6.0 / (D_IN + D_OUT)))
    W = jax.random.uniform(k3, (D_IN, D_OUT), minval=-limit, maxval=limit, dtype=jnp.float32)
    b = jnp.zeros((D_OUT,), dtype=jnp.float32)  # bias initialized with zeros()
    return {"x": x, "edge_index": edge_index, "W": W, "b": b}


def reference(x, edge_index, W, b):
    n = x.shape[0]
    src0, tgt0 = edge_index[0], edge_index[1]
    # add_self_loops=True: strip existing self-loops, add exactly one per node
    non_self = src0 != tgt0
    loops = jnp.arange(n, dtype=edge_index.dtype)
    src = jnp.concatenate([src0, loops])
    tgt = jnp.concatenate([tgt0, loops])
    w = jnp.concatenate(
        [non_self.astype(jnp.float32), jnp.ones((n,), dtype=jnp.float32)]
    )
    # symmetric GCN normalization D^{-1/2} A D^{-1/2}
    deg = jnp.zeros((n,), dtype=jnp.float32).at[tgt].add(w)
    deg_inv_sqrt = jnp.where(deg > 0, deg ** -0.5, 0.0)
    norm = deg_inv_sqrt[src] * deg_inv_sqrt[tgt] * w
    # use_disc=False path: single linear transform, GCN propagate, add bias
    h = x @ W
    msg = norm[:, None] * jnp.take(h, src, axis=0)
    out = jnp.zeros((n, h.shape[1]), dtype=h.dtype).at[tgt].add(msg)
    return out + b

if __name__ == "__main__":
    import jax
    _d = setup_inputs()
    print(jax.jit(kernel)(*tuple(_d.values())))

</pallas_src>

<mosaic_0001>
#map = affine_map<(d0, d1) -> (0)>
#map1 = affine_map<(d0, d1) -> (0, 0)>
module attributes {stable_mosaic.version = 14 : i64} {
  func.func @_deg_body(%arg0: i32, %arg1: i32, %arg2: memref<327680xi32, #tpu.memory_space<hbm>>, %arg3: memref<327680xi32, #tpu.memory_space<hbm>>, %arg4: memref<10240xf32, #tpu.memory_space<hbm>>, %arg5: memref<2x10240xf32, #tpu.memory_space<hbm>>, %arg6: memref<10240xi32, #tpu.memory_space<vmem>>, %arg7: memref<10240xi32, #tpu.memory_space<vmem>>, %arg8: memref<10240xf32, #tpu.memory_space<vmem>>, %arg9: memref<80x128xi32, #tpu.memory_space<vmem>>, %arg10: memref<10240xf32, #tpu.memory_space<vmem_shared>>) attributes {dimension_semantics = [#tpu.dimension_semantics<core_parallel>, #tpu.dimension_semantics<subcore_parallel>], iteration_bounds = array<i64: 2, 16>, scalar_prefetch = 0 : i64, scratch_operands = 5 : i64, tpu.core_type = #tpu.core_type<sc_vector_subcore>, window_params = [{transform_indices = #map}, {transform_indices = #map}, {transform_indices = #map}, {transform_indices = #map1}]} {
    %mul3A = arith.constant 16 : i32
    %mul3A_0 = arith.muli %arg0, %mul3A : i32
    %add3A = arith.addi %mul3A_0, %arg1 : i32
    %mul3A_1 = arith.constant 10240 : i32
    %mul3A_2 = arith.muli %add3A, %mul3A_1 : i32
    %mul3A_3 = arith.constant 640 : i32
    %mul3A_4 = arith.muli %arg1, %mul3A_3 : i32
    %mul3A_5 = arith.constant 640 : i32
    %mul3A_6 = arith.muli %arg1, %mul3A_5 : i32
    "tpu.region"() ({
      %run_scoped3A = tpu.sem_alloc : memref<!tpu.dma_semaphore, #tpu.memory_space<semaphore_mem>>
      %dma_start3A = tpu.memref_slice %arg10[%mul3A_6] : memref<10240xf32, #tpu.memory_space<vmem_shared>> -> memref<640xf32, #tpu.memory_space<vmem_shared>>
      %dma_start3A_23 = tpu.memref_slice %arg4[%mul3A_4] : memref<10240xf32, #tpu.memory_space<hbm>> -> memref<640xf32, #tpu.memory_space<hbm>>
      tpu.enqueue_dma source(%dma_start3A_23 : memref<640xf32, #tpu.memory_space<hbm>>) target(%dma_start3A : memref<640xf32, #tpu.memory_space<vmem_shared>>) target_semaphore(%run_scoped3A : memref<!tpu.dma_semaphore, #tpu.memory_space<semaphore_mem>>)
      %dma_wait3A = tpu.memref_slice %arg10[%mul3A_6] : memref<10240xf32, #tpu.memory_space<vmem_shared>> -> memref<640xf32, #tpu.memory_space<vmem_shared>>
      %dma_wait3A_24 = tpu.memref_slice %arg4[%mul3A_4] : memref<10240xf32, #tpu.memory_space<hbm>> -> memref<640xf32, #tpu.memory_space<hbm>>
      tpu.wait_dma2 semaphore(%run_scoped3A : memref<!tpu.dma_semaphore, #tpu.memory_space<semaphore_mem>>) src(%dma_wait3A_24 : memref<640xf32, #tpu.memory_space<hbm>>) dst(%dma_wait3A : memref<640xf32, #tpu.memory_space<vmem_shared>>)
      tpu.yield
    }) : () -> ()
    "tpu.region"() ({
      %run_scoped3A = tpu.sem_alloc : memref<!tpu.dma_semaphore, #tpu.memory_space<semaphore_mem>>
      %dma_start3A = tpu.memref_slice %arg2[%mul3A_2] : memref<327680xi32, #tpu.memory_space<hbm>> -> memref<10240xi32, #tpu.memory_space<hbm>>
      %dma_start3A_23 = tpu.memref_slice %arg2[%mul3A_2] : memref<327680xi32, #tpu.memory_space<hbm>> -> memref<10240xi32, #tpu.memory_space<hbm>>
      tpu.enqueue_dma source(%dma_start3A_23 : memref<10240xi32, #tpu.memory_space<hbm>>) target(%arg6 : memref<10240xi32, #tpu.memory_space<vmem>>) target_semaphore(%run_scoped3A : memref<!tpu.dma_semaphore, #tpu.memory_space<semaphore_mem>>)
      %dma_wait3A = tpu.memref_slice %arg2[%mul3A_2] : memref<327680xi32, #tpu.memory_space<hbm>> -> memref<10240xi32, #tpu.memory_space<hbm>>
      %dma_wait3A_24 = tpu.memref_slice %arg2[%mul3A_2] : memref<327680xi32, #tpu.memory_space<hbm>> -> memref<10240xi32, #tpu.memory_space<hbm>>
      tpu.wait_dma2 semaphore(%run_scoped3A : memref<!tpu.dma_semaphore, #tpu.memory_space<semaphore_mem>>) src(%dma_wait3A_24 : memref<10240xi32, #tpu.memory_space<hbm>>) dst(%arg6 : memref<10240xi32, #tpu.memory_space<vmem>>)
      tpu.yield
    }) : () -> ()
    "tpu.region"() ({
      %run_scoped3A = tpu.sem_alloc : memref<!tpu.dma_semaphore, #tpu.memory_space<semaphore_mem>>
      %dma_start3A = tpu.memref_slice %arg3[%mul3A_2] : memref<327680xi32, #tpu.memory_space<hbm>> -> memref<10240xi32, #tpu.memory_space<hbm>>
      %dma_start3A_23 = tpu.memref_slice %arg3[%mul3A_2] : memref<327680xi32, #tpu.memory_space<hbm>> -> memref<10240xi32, #tpu.memory_space<hbm>>
      tpu.enqueue_dma source(%dma_start3A_23 : memref<10240xi32, #tpu.memory_space<hbm>>) target(%arg7 : memref<10240xi32, #tpu.memory_space<vmem>>) target_semaphore(%run_scoped3A : memref<!tpu.dma_semaphore, #tpu.memory_space<semaphore_mem>>)
      %dma_wait3A = tpu.memref_slice %arg3[%mul3A_2] : memref<327680xi32, #tpu.memory_space<hbm>> -> memref<10240xi32, #tpu.memory_space<hbm>>
      %dma_wait3A_24 = tpu.memref_slice %arg3[%mul3A_2] : memref<327680xi32, #tpu.memory_space<hbm>> -> memref<10240xi32, #tpu.memory_space<hbm>>
      tpu.wait_dma2 semaphore(%run_scoped3A : memref<!tpu.dma_semaphore, #tpu.memory_space<semaphore_mem>>) src(%dma_wait3A_24 : memref<10240xi32, #tpu.memory_space<hbm>>) dst(%arg7 : memref<10240xi32, #tpu.memory_space<vmem>>)
      tpu.yield
    }) : () -> ()
    %scan3A = arith.constant 0 : i32
    %scan3A_7 = arith.constant 0 : i32
    %scan3A_8 = arith.constant 80 : i32
    %scan3A_9 = arith.addi %scan3A_7, %scan3A_8 : i32
    %scan3A_10 = arith.constant 1 : i32
    scf.for %scan3A_23 = %scan3A_7 to %scan3A_9 step %scan3A_10  : i32 {
      %mul3A_24 = arith.constant 128 : i32
      %mul3A_25 = arith.muli %scan3A_23, %mul3A_24 : i32
      %add3A_26 = arith.constant 0 : i32
      %add3A_27 = arith.addi %mul3A_25, %add3A_26 : i32
      %get3A = arith.index_cast %add3A_27 : i32 to index
      %get3A_28 = tpu.vector_load %arg6[%get3A] {strides = array<i32>} : memref<10240xi32, #tpu.memory_space<vmem>>, vector<16xi32>,
      %get3A_29 = vector.shape_cast %get3A_28 : vector<16xi32> to vector<16xi32>
      %get3A_30 = arith.index_cast %add3A_27 : i32 to index
      %get3A_31 = tpu.vector_load %arg7[%get3A_30] {strides = array<i32>} : memref<10240xi32, #tpu.memory_space<vmem>>, vector<16xi32>,
      %get3A_32 = vector.shape_cast %get3A_31 : vector<16xi32> to vector<16xi32>
      %ne3A = arith.cmpi ne, %get3A_29, %get3A_32 : vector<16xi32>
      %jit3A = arith.constant 1.000000e+00 : f32
      %jit3A_33 = arith.constant 0.000000e+00 : f32
      %broadcast_in_dim3A = vector.broadcast %jit3A : f32 to vector<16xf32>
      %broadcast_in_dim3A_34 = vector.broadcast %jit3A_33 : f32 to vector<16xf32>
      %select_n3A = arith.select %ne3A, %broadcast_in_dim3A, %broadcast_in_dim3A_34 : vector<16xi1>, vector<16xf32>
      %swap3A = arith.index_cast %add3A_27 : i32 to index
      %swap3A_35 = tpu.vector_load %arg8[%swap3A] {strides = array<i32>} : memref<10240xf32, #tpu.memory_space<vmem>>, vector<16xf32>,
      %swap3A_36 = vector.shape_cast %swap3A_35 : vector<16xf32> to vector<16xf32>
      %swap3A_37 = vector.shape_cast %select_n3A : vector<16xf32> to vector<16xf32>
      tpu.vector_store %arg8[%swap3A], %swap3A_37 {strides = array<i32>} : memref<10240xf32, #tpu.memory_space<vmem>>, vector<16xf32>,
      %swap3A_38 = arith.index_cast %scan3A_23 : i32 to index
      %swap3A_39 = arith.constant 0 : index
      %swap3A_40 = tpu.vector_load %arg9[%swap3A_38, %swap3A_39] {strides = array<i32>} : memref<80x128xi32, #tpu.memory_space<vmem>>, vector<1x16xi32>,
      %swap3A_41 = vector.shape_cast %swap3A_40 : vector<1x16xi32> to vector<16xi32>
      %swap3A_42 = vector.shape_cast %get3A_32 : vector<16xi32> to vector<1x16xi32>
      tpu.vector_store %arg9[%swap3A_38, %swap3A_39], %swap3A_42 {strides = array<i32>} : memref<80x128xi32, #tpu.memory_space<vmem>>, vector<1x16xi32>,
      %mul3A_43 = arith.constant 128 : i32
      %mul3A_44 = arith.muli %scan3A_23, %mul3A_43 : i32
      %add3A_45 = arith.constant 16 : i32
      %add3A_46 = arith.addi %mul3A_44, %add3A_45 : i32
      %get3A_47 = arith.index_cast %add3A_46 : i32 to index
      %get3A_48 = tpu.vector_load %arg6[%get3A_47] {strides = array<i32>} : memref<10240xi32, #tpu.memory_space<vmem>>, vector<16xi32>,
      %get3A_49 = vector.shape_cast %get3A_48 : vector<16xi32> to vector<16xi32>
      %get3A_50 = arith.index_cast %add3A_46 : i32 to index
      %get3A_51 = tpu.vector_load %arg7[%get3A_50] {strides = array<i32>} : memref<10240xi32, #tpu.memory_space<vmem>>, vector<16xi32>,
      %get3A_52 = vector.shape_cast %get3A_51 : vector<16xi32> to vector<16xi32>
      %ne3A_53 = arith.cmpi ne, %get3A_49, %get3A_52 : vector<16xi32>
      %jit3A_54 = arith.constant 1.000000e+00 : f32
      %jit3A_55 = arith.constant 0.000000e+00 : f32
      %broadcast_in_dim3A_56 = vector.broadcast %jit3A_54 : f32 to vector<16xf32>
      %broadcast_in_dim3A_57 = vector.broadcast %jit3A_55 : f32 to vector<16xf32>
      %select_n3A_58 = arith.select %ne3A_53, %broadcast_in_dim3A_56, %broadcast_in_dim3A_57 : vector<16xi1>, vector<16xf32>
      %swap3A_59 = arith.index_cast %add3A_46 : i32 to index
      %swap3A_60 = tpu.vector_load %arg8[%swap3A_59] {strides = array<i32>} : memref<10240xf32, #tpu.memory_space<vmem>>, vector<16xf32>,
      %swap3A_61 = vector.shape_cast %swap3A_60 : vector<16xf32> to vector<16xf32>
      %swap3A_62 = vector.shape_cast %select_n3A_58 : vector<16xf32> to vector<16xf32>
      tpu.vector_store %arg8[%swap3A_59], %swap3A_62 {strides = array<i32>} : memref<10240xf32, #tpu.memory_space<vmem>>, vector<16xf32>,
      %swap3A_63 = arith.index_cast %scan3A_23 : i32 to index
      %swap3A_64 = arith.constant 16 : index
      %swap3A_65 = tpu.vector_load %arg9[%swap3A_63, %swap3A_64] {strides = array<i32>} : memref<80x128xi32, #tpu.memory_space<vmem>>, vector<1x16xi32>,
      %swap3A_66 = vector.shape_cast %swap3A_65 : vector<1x16xi32> to vector<16xi32>
      %swap3A_67 = vector.shape_cast %get3A_52 : vector<16xi32> to vector<1x16xi32>
      tpu.vector_store %arg9[%swap3A_63, %swap3A_64], %swap3A_67 {strides = array<i32>} : memref<80x128xi32, #tpu.memory_space<vmem>>, vector<1x16xi32>,
      %mul3A_68 = arith.constant 128 : i32
      %mul3A_69 = arith.muli %scan3A_23, %mul3A_68 : i32
      %add3A_70 = arith.constant 32 : i32
      %add3A_71 = arith.addi %mul3A_69, %add3A_70 : i32
      %get3A_72 = arith.index_cast %add3A_71 : i32 to index
      %get3A_73 = tpu.vector_load %arg6[%get3A_72] {strides = array<i32>} : memref<10240xi32, #tpu.memory_space<vmem>>, vector<16xi32>,
      %get3A_74 = vector.shape_cast %get3A_73 : vector<16xi32> to vector<16xi32>
      %get3A_75 = arith.index_cast %add3A_71 : i32 to index
      %get3A_76 = tpu.vector_load %arg7[%get3A_75] {strides = array<i32>} : memref<10240xi32, #tpu.memory_space<vmem>>, vector<16xi32>,
      %get3A_77 = vector.shape_cast %get3A_76 : vector<16xi32> to vector<16xi32>
      %ne3A_78 = arith.cmpi ne, %get3A_74, %get3A_77 : vector<16xi32>
      %jit3A_79 = arith.constant 1.000000e+00 : f32
      %jit3A_80 = arith.constant 0.000000e+00 : f32
      %broadcast_in_dim3A_81 = vector.broadcast %jit3A_79 : f32 to vector<16xf32>
      %broadcast_in_dim3A_82 = vector.broadcast %jit3A_80 : f32 to vector<16xf32>
      %select_n3A_83 = arith.select %ne3A_78, %broadcast_in_dim3A_81, %broadcast_in_dim3A_82 : vector<16xi1>, vector<16xf32>
      %swap3A_84 = arith.index_cast %add3A_71 : i32 to index
      %swap3A_85 = tpu.vector_load %arg8[%swap3A_84] {strides = array<i32>} : memref<10240xf32, #tpu.memory_space<vmem>>, vector<16xf32>,
      %swap3A_86 = vector.shape_cast %swap3A_85 : vector<16xf32> to vector<16xf32>
      %swap3A_87 = vector.shape_cast %select_n3A_83 : vector<16xf32> to vector<16xf32>
      tpu.vector_store %arg8[%swap3A_84], %swap3A_87 {strides = array<i32>} : memref<10240xf32, #tpu.memory_space<vmem>>, vector<16xf32>,
      %swap3A_88 = arith.index_cast %scan3A_23 : i32 to index
      %swap3A_89 = arith.constant 32 : index
      %swap3A_90 = tpu.vector_load %arg9[%swap3A_88, %swap3A_89] {strides = array<i32>} : memref<80x128xi32, #tpu.memory_space<vmem>>, vector<1x16xi32>,
      %swap3A_91 = vector.shape_cast %swap3A_90 : vector<1x16xi32> to vector<16xi32>
      %swap3A_92 = vector.shape_cast %get3A_77 : vector<16xi32> to vector<1x16xi32>
      tpu.vector_store %arg9[%swap3A_88, %swap3A_89], %swap3A_92 {strides = array<i32>} : memref<80x128xi32, #tpu.memory_space<vmem>>, vector<1x16xi32>,
      %mul3A_93 = arith.constant 128 : i32
      %mul3A_94 = arith.muli %scan3A_23, %mul3A_93 : i32
      %add3A_95 = arith.constant 48 : i32
      %add3A_96 = arith.addi %mul3A_94, %add3A_95 : i32
      %get3A_97 = arith.index_cast %add3A_96 : i32 to index
      %get3A_98 = tpu.vector_load %arg6[%get3A_97] {strides = array<i32>} : memref<10240xi32, #tpu.memory_space<vmem>>, vector<16xi32>,
      %get3A_99 = vector.shape_cast %get3A_98 : vector<16xi32> to vector<16xi32>
      %get3A_100 = arith.index_cast %add3A_96 : i32 to index
      %get3A_101 = tpu.vector_load %arg7[%get3A_100] {strides = array<i32>} : memref<10240xi32, #tpu.memory_space<vmem>>, vector<16xi32>,
      %get3A_102 = vector.shape_cast %get3A_101 : vector<16xi32> to vector<16xi32>
      %ne3A_103 = arith.cmpi ne, %get3A_99, %get3A_102 : vector<16xi32>
      %jit3A_104 = arith.constant 1.000000e+00 : f32
      %jit3A_105 = arith.constant 0.000000e+00 : f32
      %broadcast_in_dim3A_106 = vector.broadcast %jit3A_104 : f32 to vector<16xf32>
      %broadcast_in_dim3A_107 = vector.broadcast %jit3A_105 : f32 to vector<16xf32>
      %select_n3A_108 = arith.select %ne3A_103, %broadcast_in_dim3A_106, %broadcast_in_dim3A_107 : vector<16xi1>, vector<16xf32>
      %swap3A_109 = arith.index_cast %add3A_96 : i32 to index
      %swap3A_110 = tpu.vector_load %arg8[%swap3A_109] {strides = array<i32>} : memref<10240xf32, #tpu.memory_space<vmem>>, vector<16xf32>,
      %swap3A_111 = vector.shape_cast %swap3A_110 : vector<16xf32> to vector<16xf32>
      %swap3A_112 = vector.shape_cast %select_n3A_108 : vector<16xf32> to vector<16xf32>
      tpu.vector_store %arg8[%swap3A_109], %swap3A_112 {strides = array<i32>} : memref<10240xf32, #tpu.memory_space<vmem>>, vector<16xf32>,
      %swap3A_113 = arith.index_cast %scan3A_23 : i32 to index
      %swap3A_114 = arith.constant 48 : index
      %swap3A_115 = tpu.vector_load %arg9[%swap3A_113, %swap3A_114] {strides = array<i32>} : memref<80x128xi32, #tpu.memory_space<vmem>>, vector<1x16xi32>,
      %swap3A_116 = vector.shape_cast %swap3A_115 : vector<1x16xi32> to vector<16xi32>
      %swap3A_117 = vector.shape_cast %get3A_102 : vector<16xi32> to vector<1x16xi32>
      tpu.vector_store %arg9[%swap3A_113, %swap3A_114], %swap3A_117 {strides = array<i32>} : memref<80x128xi32, #tpu.memory_space<vmem>>, vector<1x16xi32>,
      %mul3A_118 = arith.constant 128 : i32
      %mul3A_119 = arith.muli %scan3A_23, %mul3A_118 : i32
      %add3A_120 = arith.constant 64 : i32
      %add3A_121 = arith.addi %mul3A_119, %add3A_120 : i32
      %get3A_122 = arith.index_cast %add3A_121 : i32 to index
      %get3A_123 = tpu.vector_load %arg6[%get3A_122] {strides = array<i32>} : memref<10240xi32, #tpu.memory_space<vmem>>, vector<16xi32>,
      %get3A_124 = vector.shape_cast %get3A_123 : vector<16xi32> to vector<16xi32>
      %get3A_125 = arith.index_cast %add3A_121 : i32 to index
      %get3A_126 = tpu.vector_load %arg7[%get3A_125] {strides = array<i32>} : memref<10240xi32, #tpu.memory_space<vmem>>, vector<16xi32>,
      %get3A_127 = vector.shape_cast %get3A_126 : vector<16xi32> to vector<16xi32>
      %ne3A_128 = arith.cmpi ne, %get3A_124, %get3A_127 : vector<16xi32>
      %jit3A_129 = arith.constant 1.000000e+00 : f32
      %jit3A_130 = arith.constant 0.000000e+00 : f32
      %broadcast_in_dim3A_131 = vector.broadcast %jit3A_129 : f32 to vector<16xf32>
      %broadcast_in_dim3A_132 = vector.broadcast %jit3A_130 : f32 to vector<16xf32>
      %select_n3A_133 = arith.select %ne3A_128, %broadcast_in_dim3A_131, %broadcast_in_dim3A_132 : vector<16xi1>, vector<16xf32>
      %swap3A_134 = arith.index_cast %add3A_121 : i32 to index
      %swap3A_135 = tpu.vector_load %arg8[%swap3A_134] {strides = array<i32>} : memref<10240xf32, #tpu.memory_space<vmem>>, vector<16xf32>,
      %swap3A_136 = vector.shape_cast %swap3A_135 : vector<16xf32> to vector<16xf32>
      %swap3A_137 = vector.shape_cast %select_n3A_133 : vector<16xf32> to vector<16xf32>
      tpu.vector_store %arg8[%swap3A_134], %swap3A_137 {strides = array<i32>} : memref<10240xf32, #tpu.memory_space<vmem>>, vector<16xf32>,
      %swap3A_138 = arith.index_cast %scan3A_23 : i32 to index
      %swap3A_139 = arith.constant 64 : index
      %swap3A_140 = tpu.vector_load %arg9[%swap3A_138, %swap3A_139] {strides = array<i32>} : memref<80x128xi32, #tpu.memory_space<vmem>>, vector<1x16xi32>,
      %swap3A_141 = vector.shape_cast %swap3A_140 : vector<1x16xi32> to vector<16xi32>
      %swap3A_142 = vector.shape_cast %get3A_127 : vector<16xi32> to vector<1x16xi32>
      tpu.vector_store %arg9[%swap3A_138, %swap3A_139], %swap3A_142 {strides = array<i32>} : memref<80x128xi32, #tpu.memory_space<vmem>>, vector<1x16xi32>,
      %mul3A_143 = arith.constant 128 : i32
      %mul3A_144 = arith.muli %scan3A_23, %mul3A_143 : i32
      %add3A_145 = arith.constant 80 : i32
      %add3A_146 = arith.addi %mul3A_144, %add3A_145 : i32
      %get3A_147 = arith.index_cast %add3A_146 : i32 to index
      %get3A_148 = tpu.vector_load %arg6[%get3A_147] {strides = array<i32>} : memref<10240xi32, #tpu.memory_space<vmem>>, vector<16xi32>,
      %get3A_149 = vector.shape_cast %get3A_148 : vector<16xi32> to vector<16xi32>
      %get3A_150 = arith.index_cast %add3A_146 : i32 to index
      %get3A_151 = tpu.vector_load %arg7[%get3A_150] {strides = array<i32>} : memref<10240xi32, #tpu.memory_space<vmem>>, vector<16xi32>,
      %get3A_152 = vector.shape_cast %get3A_151 : vector<16xi32> to vector<16xi32>
      %ne3A_153 = arith.cmpi ne, %get3A_149, %get3A_152 : vector<16xi32>
      %jit3A_154 = arith.constant 1.000000e+00 : f32
      %jit3A_155 = arith.constant 0.000000e+00 : f32
      %broadcast_in_dim3A_156 = vector.broadcast %jit3A_154 : f32 to vector<16xf32>
      %broadcast_in_dim3A_157 = vector.broadcast %jit3A_155 : f32 to vector<16xf32>
      %select_n3A_158 = arith.select %ne3A_153, %broadcast_in_dim3A_156, %broadcast_in_dim3A_157 : vector<16xi1>, vector<16xf32>
      %swap3A_159 = arith.index_cast %add3A_146 : i32 to index
      %swap3A_160 = tpu.vector_load %arg8[%swap3A_159] {strides = array<i32>} : memref<10240xf32, #tpu.memory_space<vmem>>, vector<16xf32>,
      %swap3A_161 = vector.shape_cast %swap3A_160 : vector<16xf32> to vector<16xf32>
      %swap3A_162 = vector.shape_cast %select_n3A_158 : vector<16xf32> to vector<16xf32>
      tpu.vector_store %arg8[%swap3A_159], %swap3A_162 {strides = array<i32>} : memref<10240xf32, #tpu.memory_space<vmem>>, vector<16xf32>,
      %swap3A_163 = arith.index_cast %scan3A_23 : i32 to index
      %swap3A_164 = arith.constant 80 : index
      %swap3A_165 = tpu.vector_load %arg9[%swap3A_163, %swap3A_164] {strides = array<i32>} : memref<80x128xi32, #tpu.memory_space<vmem>>, vector<1x16xi32>,
      %swap3A_166 = vector.shape_cast %swap3A_165 : vector<1x16xi32> to vector<16xi32>
      %swap3A_167 = vector.shape_cast %get3A_152 : vector<16xi32> to vector<1x16xi32>
      tpu.vector_store %arg9[%swap3A_163, %swap3A_164], %swap3A_167 {strides = array<i32>} : memref<80x128xi32, #tpu.memory_space<vmem>>, vector<1x16xi32>,
      %mul3A_168 = arith.constant 128 : i32
      %mul3A_169 = arith.muli %scan3A_23, %mul3A_168 : i32
      %add3A_170 = arith.constant 96 : i32
      %add3A_171 = arith.addi %mul3A_169, %add3A_170 : i32
      %get3A_172 = arith.index_cast %add3A_171 : i32 to index
      %get3A_173 = tpu.vector_load %arg6[%get3A_172] {strides = array<i32>} : memref<10240xi32, #tpu.memory_space<vmem>>, vector<16xi32>,
      %get3A_174 = vector.shape_cast %get3A_173 : vector<16xi32> to vector<16xi32>
      %get3A_175 = arith.index_cast %add3A_171 : i32 to index
      %get3A_176 = tpu.vector_load %arg7[%get3A_175] {strides = array<i32>} : memref<10240xi32, #tpu.memory_space<vmem>>, vector<16xi32>,
      %get3A_177 = vector.shape_cast %get3A_176 : vector<16xi32> to vector<16xi32>
      %ne3A_178 = arith.cmpi ne, %get3A_174, %get3A_177 : vector<16xi32>
      %jit3A_179 = arith.constant 1.000000e+00 : f32
      %jit3A_180 = arith.constant 0.000000e+00 : f32
      %broadcast_in_dim3A_181 = vector.broadcast %jit3A_179 : f32 to vector<16xf32>
      %broadcast_in_dim3A_182 = vector.broadcast %jit3A_180 : f32 to vector<16xf32>
      %select_n3A_183 = arith.select %ne3A_178, %broadcast_in_dim3A_181, %broadcast_in_dim3A_182 : vector<16xi1>, vector<16xf32>
      %swap3A_184 = arith.index_cast %add3A_171 : i32 to index
      %swap3A_185 = tpu.vector_load %arg8[%swap3A_184] {strides = array<i32>} : memref<10240xf32, #tpu.memory_space<vmem>>, vector<16xf32>,
      %swap3A_186 = vector.shape_cast %swap3A_185 : vector<16xf32> to vector<16xf32>
      %swap3A_187 = vector.shape_cast %select_n3A_183 : vector<16xf32> to vector<16xf32>
      tpu.vector_store %arg8[%swap3A_184], %swap3A_187 {strides = array<i32>} : memref<10240xf32, #tpu.memory_space<vmem>>, vector<16xf32>,
      %swap3A_188 = arith.index_cast %scan3A_23 : i32 to index
      %swap3A_189 = arith.constant 96 : index
      %swap3A_190 = tpu.vector_load %arg9[%swap3A_188, %swap3A_189] {strides = array<i32>} : memref<80x128xi32, #tpu.memory_space<vmem>>, vector<1x16xi32>,
      %swap3A_191 = vector.shape_cast %swap3A_190 : vector<1x16xi32> to vector<16xi32>
      %swap3A_192 = vector.shape_cast %get3A_177 : vector<16xi32> to vector<1x16xi32>
      tpu.vector_store %arg9[%swap3A_188, %swap3A_189], %swap3A_192 {strides = array<i32>} : memref<80x128xi32, #tpu.memory_space<vmem>>, vector<1x16xi32>,
      %mul3A_193 = arith.constant 128 : i32
      %mul3A_194 = arith.muli %scan3A_23, %mul3A_193 : i32
      %add3A_195 = arith.constant 112 : i32
      %add3A_196 = arith.addi %mul3A_194, %add3A_195 : i32
      %get3A_197 = arith.index_cast %add3A_196 : i32 to index
      %get3A_198 = tpu.vector_load %arg6[%get3A_197] {strides = array<i32>} : memref<10240xi32, #tpu.memory_space<vmem>>, vector<16xi32>,
      %get3A_199 = vector.shape_cast %get3A_198 : vector<16xi32> to vector<16xi32>
      %get3A_200 = arith.index_cast %add3A_196 : i32 to index
      %get3A_201 = tpu.vector_load %arg7[%get3A_200] {strides = array<i32>} : memref<10240xi32, #tpu.memory_space<vmem>>, vector<16xi32>,
      %get3A_202 = vector.shape_cast %get3A_201 : vector<16xi32> to vector<16xi32>
      %ne3A_203 = arith.cmpi ne, %get3A_199, %get3A_202 : vector<16xi32>
      %jit3A_204 = arith.constant 1.000000e+00 : f32
      %jit3A_205 = arith.constant 0.000000e+00 : f32
      %broadcast_in_dim3A_206 = vector.broadcast %jit3A_204 : f32 to vector<16xf32>
      %broadcast_in_dim3A_207 = vector.broadcast %jit3A_205 : f32 to vector<16xf32>
      %select_n3A_208 = arith.select %ne3A_203, %broadcast_in_dim3A_206, %broadcast_in_dim3A_207 : vector<16xi1>, vector<16xf32>
      %swap3A_209 = arith.index_cast %add3A_196 : i32 to index
      %swap3A_210 = tpu.vector_load %arg8[%swap3A_209] {strides = array<i32>} : memref<10240xf32, #tpu.memory_space<vmem>>, vector<16xf32>,
      %swap3A_211 = vector.shape_cast %swap3A_210 : vector<16xf32> to vector<16xf32>
      %swap3A_212 = vector.shape_cast %select_n3A_208 : vector<16xf32> to vector<16xf32>
      tpu.vector_store %arg8[%swap3A_209], %swap3A_212 {strides = array<i32>} : memref<10240xf32, #tpu.memory_space<vmem>>, vector<16xf32>,
      %swap3A_213 = arith.index_cast %scan3A_23 : i32 to index
      %swap3A_214 = arith.constant 112 : index
      %swap3A_215 = tpu.vector_load %arg9[%swap3A_213, %swap3A_214] {strides = array<i32>} : memref<80x128xi32, #tpu.memory_space<vmem>>, vector<1x16xi32>,
      %swap3A_216 = vector.shape_cast %swap3A_215 : vector<1x16xi32> to vector<16xi32>
      %swap3A_217 = vector.shape_cast %get3A_202 : vector<16xi32> to vector<1x16xi32>
      tpu.vector_store %arg9[%swap3A_213, %swap3A_214], %swap3A_217 {strides = array<i32>} : memref<80x128xi32, #tpu.memory_space<vmem>>, vector<1x16xi32>,
    }
    %scan3A_11 = arith.constant 80 : i32
    %barrier3A = arith.constant 0 : index
    tpu.barrier barrier_id(%barrier3A)
    %scan3A_12 = arith.constant 0 : i32
    %scan3A_13 = arith.constant 0 : i32
    %scan3A_14 = arith.constant 80 : i32
    %scan3A_15 = arith.addi %scan3A_13, %scan3A_14 : i32
    %scan3A_16 = arith.constant 1 : i32
    scf.for %scan3A_23 = %scan3A_13 to %scan3A_15 step %scan3A_16  : i32 {
      %mul3A_24 = arith.constant 128 : i32
      %mul3A_25 = arith.muli %scan3A_23, %mul3A_24 : i32
      "tpu.region"() ({
        %run_scoped3A = tpu.sem_alloc : memref<!tpu.dma_semaphore, #tpu.memory_space<semaphore_mem>>
        %dma_start3A = tpu.memref_slice %arg8[%mul3A_25] : memref<10240xf32, #tpu.memory_space<vmem>> -> memref<128xf32, #tpu.memory_space<vmem>>
        %dma_start3A_26 = arith.constant 0 : i32
        %dma_start3A_27 = tpu.memref_slice %arg9[%scan3A_23, %dma_start3A_26] : memref<80x128xi32, #tpu.memory_space<vmem>> -> memref<1x128xi32, #tpu.memory_space<vmem>>
        %dma_start3A_28 = tpu.memref_squeeze %dma_start3A_27 : memref<1x128xi32, #tpu.memory_space<vmem>> -> memref<128xi32, #tpu.memory_space<vmem>>
        %dma_start3A_29 = arith.constant 0 : i32
        %dma_start3A_30 = tpu.memref_slice %arg10[%dma_start3A_29] : memref<10240xf32, #tpu.memory_space<vmem_shared>> -> memref<10240xf32, #tpu.memory_space<vmem_shared>>
        tpu.enqueue_indirect_dma source(%dma_start3A : memref<128xf32, #tpu.memory_space<vmem>>) target(%dma_start3A_30 : memref<10240xf32, #tpu.memory_space<vmem_shared>>) offsets(%dma_start3A_28 : memref<128xi32, #tpu.memory_space<vmem>>) semaphore(%run_scoped3A : memref<!tpu.dma_semaphore, #tpu.memory_space<semaphore_mem>>) {add = true}
        %dma_wait3A = tpu.memref_slice %arg8[%mul3A_25] : memref<10240xf32, #tpu.memory_space<vmem>> -> memref<128xf32, #tpu.memory_space<vmem>>
        %dma_wait3A_31 = arith.constant 0 : i32
        %dma_wait3A_32 = tpu.memref_slice %arg9[%scan3A_23, %dma_wait3A_31] : memref<80x128xi32, #tpu.memory_space<vmem>> -> memref<1x128xi32, #tpu.memory_space<vmem>>
        %dma_wait3A_33 = tpu.memref_squeeze %dma_wait3A_32 : memref<1x128xi32, #tpu.memory_space<vmem>> -> memref<128xi32, #tpu.memory_space<vmem>>
        %dma_wait3A_34 = arith.constant 0 : i32
        %dma_wait3A_35 = tpu.memref_slice %arg10[%dma_wait3A_34] : memref<10240xf32, #tpu.memory_space<vmem_shared>> -> memref<10240xf32, #tpu.memory_space<vmem_shared>>
        tpu.wait_indirect_dma semaphore(%run_scoped3A : memref<!tpu.dma_semaphore, #tpu.memory_space<semaphore_mem>>) src(%dma_wait3A : memref<128xf32, #tpu.memory_space<vmem>>) dst(%dma_wait3A_35 : memref<10240xf32, #tpu.memory_space<vmem_shared>>)
        tpu.yield
      }) : () -> ()
    }
    %scan3A_17 = arith.constant 80 : i32
    %barrier3A_18 = arith.constant 0 : index
    tpu.barrier barrier_id(%barrier3A_18)
    %mul3A_19 = arith.constant 640 : i32
    %mul3A_20 = arith.muli %arg1, %mul3A_19 : i32
    %mul3A_21 = arith.constant 640 : i32
    %mul3A_22 = arith.muli %arg1, %mul3A_21 : i32
    "tpu.region"() ({
      %run_scoped3A = tpu.sem_alloc : memref<!tpu.dma_semaphore, #tpu.memory_space<semaphore_mem>>
      %dma_start3A = tpu.memref_slice %arg5[%arg0, %mul3A_22] : memref<2x10240xf32, #tpu.memory_space<hbm>> -> memref<1x640xf32, #tpu.memory_space<hbm>>
      %dma_start3A_23 = tpu.memref_squeeze %dma_start3A : memref<1x640xf32, #tpu.memory_space<hbm>> -> memref<640xf32, #tpu.memory_space<hbm>>
      %dma_start3A_24 = tpu.memref_slice %arg10[%mul3A_20] : memref<10240xf32, #tpu.memory_space<vmem_shared>> -> memref<640xf32, #tpu.memory_space<vmem_shared>>
      tpu.enqueue_dma source(%dma_start3A_24 : memref<640xf32, #tpu.memory_space<vmem_shared>>) target(%dma_start3A_23 : memref<640xf32, #tpu.memory_space<hbm>>) target_semaphore(%run_scoped3A : memref<!tpu.dma_semaphore, #tpu.memory_space<semaphore_mem>>)
      %dma_wait3A = tpu.memref_slice %arg5[%arg0, %mul3A_22] : memref<2x10240xf32, #tpu.memory_space<hbm>> -> memref<1x640xf32, #tpu.memory_space<hbm>>
      %dma_wait3A_25 = tpu.memref_squeeze %dma_wait3A : memref<1x640xf32, #tpu.memory_space<hbm>> -> memref<640xf32, #tpu.memory_space<hbm>>
      %dma_wait3A_26 = tpu.memref_slice %arg10[%mul3A_20] : memref<10240xf32, #tpu.memory_space<vmem_shared>> -> memref<640xf32, #tpu.memory_space<vmem_shared>>
      tpu.wait_dma2 semaphore(%run_scoped3A : memref<!tpu.dma_semaphore, #tpu.memory_space<semaphore_mem>>) src(%dma_wait3A_26 : memref<640xf32, #tpu.memory_space<vmem_shared>>) dst(%dma_wait3A_25 : memref<640xf32, #tpu.memory_space<hbm>>)
      tpu.yield
    }) : () -> ()
    return
  }
}

#map = affine_map<(d0, d1) -> (0, 0)>
#map1 = affine_map<(d0, d1) -> (0, 0, 0)>
module attributes {stable_mosaic.version = 14 : i64} {
  func.func @_msg_body(%arg0: i32, %arg1: i32, %arg2: memref<2560x128xi32, #tpu.memory_space<hbm>>, %arg3: memref<2560x128xi32, #tpu.memory_space<hbm>>, %arg4: memref<10000x128xf32, #tpu.memory_space<hbm>>, %arg5: memref<2x10240x128xf32, #tpu.memory_space<hbm>>, %arg6: memref<2x16x128xi32, #tpu.memory_space<vmem>>, %arg7: memref<2x16x128xi32, #tpu.memory_space<vmem>>, %arg8: memref<2x128x128xf32, #tpu.memory_space<vmem>>, %arg9: memref<!tpu.dma_semaphore, #tpu.memory_space<semaphore_mem>>, %arg10: memref<!tpu.dma_semaphore, #tpu.memory_space<semaphore_mem>>, %arg11: memref<!tpu.dma_semaphore, #tpu.memory_space<semaphore_mem>>, %arg12: memref<!tpu.dma_semaphore, #tpu.memory_space<semaphore_mem>>, %arg13: memref<10240x128xf32, #tpu.memory_space<vmem_shared>>) attributes {dimension_semantics = [#tpu.dimension_semantics<core_parallel>, #tpu.dimension_semantics<subcore_parallel>], iteration_bounds = array<i64: 2, 16>, scalar_prefetch = 0 : i64, scratch_operands = 8 : i64, tpu.core_type = #tpu.core_type<sc_vector_subcore>, window_params = [{transform_indices = #map}, {transform_indices = #map}, {transform_indices = #map}, {transform_indices = #map1}]} {
    %eq3A = arith.constant 0 : i32
    %eq3A_0 = arith.cmpi eq, %arg0, %eq3A : i32
    %jit3A = arith.constant 6 : i32
    %jit3A_1 = arith.constant 4 : i32
    %select_n3A = arith.select %eq3A_0, %jit3A, %jit3A_1 : i32
    %eq3A_2 = arith.constant 0 : i32
    %eq3A_3 = arith.cmpi eq, %arg0, %eq3A_2 : i32
    %mul3A = arith.constant 96 : i32
    %mul3A_4 = arith.muli %arg1, %mul3A : i32
    %mul3A_5 = arith.constant 64 : i32
    %mul3A_6 = arith.muli %arg1, %mul3A_5 : i32
    %add3A = arith.constant 1536 : i32
    %add3A_7 = arith.addi %add3A, %mul3A_6 : i32
    %select_n3A_8 = arith.select %eq3A_3, %mul3A_4, %add3A_7 : i32
    %scan3A = arith.constant 0 : i32
    %scan3A_9 = arith.constant 0 : i32
    %scan3A_10 = arith.constant 128 : i32
    %scan3A_11 = arith.addi %scan3A_9, %scan3A_10 : i32
    %scan3A_12 = arith.constant 1 : i32
    scf.for %scan3A_59 = %scan3A_9 to %scan3A_11 step %scan3A_12  : i32 {
      %broadcast_in_dim3A = arith.constant 0.000000e+00 : f32
      %broadcast_in_dim3A_60 = vector.broadcast %broadcast_in_dim3A : f32 to vector<16xf32>
      %swap3A = arith.constant 0 : i32
      %swap3A_61 = arith.index_cast %swap3A : i32 to index
      %swap3A_62 = arith.index_cast %scan3A_59 : i32 to index
      %swap3A_63 = arith.constant 0 : index
      %swap3A_64 = tpu.vector_load %arg8[%swap3A_61, %swap3A_62, %swap3A_63] {strides = array<i32>} : memref<2x128x128xf32, #tpu.memory_space<vmem>>, vector<1x1x16xf32>,
      %swap3A_65 = vector.shape_cast %swap3A_64 : vector<1x1x16xf32> to vector<16xf32>
      %swap3A_66 = vector.shape_cast %broadcast_in_dim3A_60 : vector<16xf32> to vector<1x1x16xf32>
      tpu.vector_store %arg8[%swap3A_61, %swap3A_62, %swap3A_63], %swap3A_66 {strides = array<i32>} : memref<2x128x128xf32, #tpu.memory_space<vmem>>, vector<1x1x16xf32>,
      %broadcast_in_dim3A_67 = arith.constant 0.000000e+00 : f32
      %broadcast_in_dim3A_68 = vector.broadcast %broadcast_in_dim3A_67 : f32 to vector<16xf32>
      %swap3A_69 = arith.constant 0 : i32
      %swap3A_70 = arith.index_cast %swap3A_69 : i32 to index
      %swap3A_71 = arith.index_cast %scan3A_59 : i32 to index
      %swap3A_72 = arith.constant 16 : index
      %swap3A_73 = tpu.vector_load %arg8[%swap3A_70, %swap3A_71, %swap3A_72] {strides = array<i32>} : memref<2x128x128xf32, #tpu.memory_space<vmem>>, vector<1x1x16xf32>,
      %swap3A_74 = vector.shape_cast %swap3A_73 : vector<1x1x16xf32> to vector<16xf32>
      %swap3A_75 = vector.shape_cast %broadcast_in_dim3A_68 : vector<16xf32> to vector<1x1x16xf32>
      tpu.vector_store %arg8[%swap3A_70, %swap3A_71, %swap3A_72], %swap3A_75 {strides = array<i32>} : memref<2x128x128xf32, #tpu.memory_space<vmem>>, vector<1x1x16xf32>,
      %broadcast_in_dim3A_76 = arith.constant 0.000000e+00 : f32
      %broadcast_in_dim3A_77 = vector.broadcast %broadcast_in_dim3A_76 : f32 to vector<16xf32>
      %swap3A_78 = arith.constant 0 : i32
      %swap3A_79 = arith.index_cast %swap3A_78 : i32 to index
      %swap3A_80 = arith.index_cast %scan3A_59 : i32 to index
      %swap3A_81 = arith.constant 32 : index
      %swap3A_82 = tpu.vector_load %arg8[%swap3A_79, %swap3A_80, %swap3A_81] {strides = array<i32>} : memref<2x128x128xf32, #tpu.memory_space<vmem>>, vector<1x1x16xf32>,
      %swap3A_83 = vector.shape_cast %swap3A_82 : vector<1x1x16xf32> to vector<16xf32>
      %swap3A_84 = vector.shape_cast %broadcast_in_dim3A_77 : vector<16xf32> to vector<1x1x16xf32>
      tpu.vector_store %arg8[%swap3A_79, %swap3A_80, %swap3A_81], %swap3A_84 {strides = array<i32>} : memref<2x128x128xf32, #tpu.memory_space<vmem>>, vector<1x1x16xf32>,
      %broadcast_in_dim3A_85 = arith.constant 0.000000e+00 : f32
      %broadcast_in_dim3A_86 = vector.broadcast %broadcast_in_dim3A_85 : f32 to vector<16xf32>
      %swap3A_87 = arith.constant 0 : i32
      %swap3A_88 = arith.index_cast %swap3A_87 : i32 to index
      %swap3A_89 = arith.index_cast %scan3A_59 : i32 to index
      %swap3A_90 = arith.constant 48 : index
      %swap3A_91 = tpu.vector_load %arg8[%swap3A_88, %swap3A_89, %swap3A_90] {strides = array<i32>} : memref<2x128x128xf32, #tpu.memory_space<vmem>>, vector<1x1x16xf32>,
      %swap3A_92 = vector.shape_cast %swap3A_91 : vector<1x1x16xf32> to vector<16xf32>
      %swap3A_93 = vector.shape_cast %broadcast_in_dim3A_86 : vector<16xf32> to vector<1x1x16xf32>
      tpu.vector_store %arg8[%swap3A_88, %swap3A_89, %swap3A_90], %swap3A_93 {strides = array<i32>} : memref<2x128x128xf32, #tpu.memory_space<vmem>>, vector<1x1x16xf32>,
      %broadcast_in_dim3A_94 = arith.constant 0.000000e+00 : f32
      %broadcast_in_dim3A_95 = vector.broadcast %broadcast_in_dim3A_94 : f32 to vector<16xf32>
      %swap3A_96 = arith.constant 0 : i32
      %swap3A_97 = arith.index_cast %swap3A_96 : i32 to index
      %swap3A_98 = arith.index_cast %scan3A_59 : i32 to index
      %swap3A_99 = arith.constant 64 : index
      %swap3A_100 = tpu.vector_load %arg8[%swap3A_97, %swap3A_98, %swap3A_99] {strides = array<i32>} : memref<2x128x128xf32, #tpu.memory_space<vmem>>, vector<1x1x16xf32>,
      %swap3A_101 = vector.shape_cast %swap3A_100 : vector<1x1x16xf32> to vector<16xf32>
      %swap3A_102 = vector.shape_cast %broadcast_in_dim3A_95 : vector<16xf32> to vector<1x1x16xf32>
      tpu.vector_store %arg8[%swap3A_97, %swap3A_98, %swap3A_99], %swap3A_102 {strides = array<i32>} : memref<2x128x128xf32, #tpu.memory_space<vmem>>, vector<1x1x16xf32>,
      %broadcast_in_dim3A_103 = arith.constant 0.000000e+00 : f32
      %broadcast_in_dim3A_104 = vector.broadcast %broadcast_in_dim3A_103 : f32 to vector<16xf32>
      %swap3A_105 = arith.constant 0 : i32
      %swap3A_106 = arith.index_cast %swap3A_105 : i32 to index
      %swap3A_107 = arith.index_cast %scan3A_59 : i32 to index
      %swap3A_108 = arith.constant 80 : index
      %swap3A_109 = tpu.vector_load %arg8[%swap3A_106, %swap3A_107, %swap3A_108] {strides = array<i32>} : memref<2x128x128xf32, #tpu.memory_space<vmem>>, vector<1x1x16xf32>,
      %swap3A_110 = vector.shape_cast %swap3A_109 : vector<1x1x16xf32> to vector<16xf32>
      %swap3A_111 = vector.shape_cast %broadcast_in_dim3A_104 : vector<16xf32> to vector<1x1x16xf32>
      tpu.vector_store %arg8[%swap3A_106, %swap3A_107, %swap3A_108], %swap3A_111 {strides = array<i32>} : memref<2x128x128xf32, #tpu.memory_space<vmem>>, vector<1x1x16xf32>,
      %broadcast_in_dim3A_112 = arith.constant 0.000000e+00 : f32
      %broadcast_in_dim3A_113 = vector.broadcast %broadcast_in_dim3A_112 : f32 to vector<16xf32>
      %swap3A_114 = arith.constant 0 : i32
      %swap3A_115 = arith.index_cast %swap3A_114 : i32 to index
      %swap3A_116 = arith.index_cast %scan3A_59 : i32 to index
      %swap3A_117 = arith.constant 96 : index
      %swap3A_118 = tpu.vector_load %arg8[%swap3A_115, %swap3A_116, %swap3A_117] {strides = array<i32>} : memref<2x128x128xf32, #tpu.memory_space<vmem>>, vector<1x1x16xf32>,
      %swap3A_119 = vector.shape_cast %swap3A_118 : vector<1x1x16xf32> to vector<16xf32>
      %swap3A_120 = vector.shape_cast %broadcast_in_dim3A_113 : vector<16xf32> to vector<1x1x16xf32>
      tpu.vector_store %arg8[%swap3A_115, %swap3A_116, %swap3A_117], %swap3A_120 {strides = array<i32>} : memref<2x128x128xf32, #tpu.memory_space<vmem>>, vector<1x1x16xf32>,
      %broadcast_in_dim3A_121 = arith.constant 0.000000e+00 : f32
      %broadcast_in_dim3A_122 = vector.broadcast %broadcast_in_dim3A_121 : f32 to vector<16xf32>
      %swap3A_123 = arith.constant 0 : i32
      %swap3A_124 = arith.index_cast %swap3A_123 : i32 to index
      %swap3A_125 = arith.index_cast %scan3A_59 : i32 to index
      %swap3A_126 = arith.constant 112 : index
      %swap3A_127 = tpu.vector_load %arg8[%swap3A_124, %swap3A_125, %swap3A_126] {strides = array<i32>} : memref<2x128x128xf32, #tpu.memory_space<vmem>>, vector<1x1x16xf32>,
      %swap3A_128 = vector.shape_cast %swap3A_127 : vector<1x1x16xf32> to vector<16xf32>
      %swap3A_129 = vector.shape_cast %broadcast_in_dim3A_122 : vector<16xf32> to vector<1x1x16xf32>
      tpu.vector_store %arg8[%swap3A_124, %swap3A_125, %swap3A_126], %swap3A_129 {strides = array<i32>} : memref<2x128x128xf32, #tpu.memory_space<vmem>>, vector<1x1x16xf32>,
    }
    %scan3A_13 = arith.constant 128 : i32
    %mul3A_14 = arith.constant 640 : i32
    %mul3A_15 = arith.muli %arg1, %mul3A_14 : i32
    %add3A_16 = arith.constant 0 : i32
    %add3A_17 = arith.addi %mul3A_15, %add3A_16 : i32
    %run_scoped3A = arith.constant 0 : i32
    "tpu.region"() ({
      %run_scoped3A_59 = tpu.sem_alloc : memref<!tpu.dma_semaphore, #tpu.memory_space<semaphore_mem>>
      %dma_start3A = arith.constant 0 : i32
      %dma_start3A_60 = arith.constant 0 : i32
      %dma_start3A_61 = tpu.memref_slice %arg8[%run_scoped3A, %dma_start3A, %dma_start3A_60] : memref<2x128x128xf32, #tpu.memory_space<vmem>> -> memref<1x128x128xf32, #tpu.memory_space<vmem>>
      %dma_start3A_62 = tpu.memref_squeeze %dma_start3A_61 : memref<1x128x128xf32, #tpu.memory_space<vmem>> -> memref<128x128xf32, #tpu.memory_space<vmem>>
      %dma_start3A_63 = arith.constant 0 : i32
      %dma_start3A_64 = tpu.memref_slice %arg13[%add3A_17, %dma_start3A_63] : memref<10240x128xf32, #tpu.memory_space<vmem_shared>> -> memref<128x128xf32, #tpu.memory_space<vmem_shared>>
      %dma_start3A_65 = arith.constant 0 : i32
      %dma_start3A_66 = tpu.memref_slice %arg13[%add3A_17, %dma_start3A_65] : memref<10240x128xf32, #tpu.memory_space<vmem_shared>> -> memref<128x128xf32, #tpu.memory_space<vmem_shared>>
      %dma_start3A_67 = arith.constant 0 : i32
      %dma_start3A_68 = arith.constant 0 : i32
      %dma_start3A_69 = tpu.memref_slice %arg8[%run_scoped3A, %dma_start3A_67, %dma_start3A_68] : memref<2x128x128xf32, #tpu.memory_space<vmem>> -> memref<1x128x128xf32, #tpu.memory_space<vmem>>
      %dma_start3A_70 = tpu.memref_squeeze %dma_start3A_69 : memref<1x128x128xf32, #tpu.memory_space<vmem>> -> memref<128x128xf32, #tpu.memory_space<vmem>>
      tpu.enqueue_dma source(%dma_start3A_70 : memref<128x128xf32, #tpu.memory_space<vmem>>) target(%dma_start3A_66 : memref<128x128xf32, #tpu.memory_space<vmem_shared>>) target_semaphore(%run_scoped3A_59 : memref<!tpu.dma_semaphore, #tpu.memory_space<semaphore_mem>>)
      %dma_wait3A = arith.constant 0 : i32
      %dma_wait3A_71 = arith.constant 0 : i32
      %dma_wait3A_72 = tpu.memref_slice %arg8[%run_scoped3A, %dma_wait3A, %dma_wait3A_71] : memref<2x128x128xf32, #tpu.memory_space<vmem>> -> memref<1x128x128xf32, #tpu.memory_space<vmem>>
      %dma_wait3A_73 = tpu.memref_squeeze %dma_wait3A_72 : memref<1x128x128xf32, #tpu.memory_space<vmem>> -> memref<128x128xf32, #tpu.memory_space<vmem>>
      %dma_wait3A_74 = arith.constant 0 : i32
      %dma_wait3A_75 = tpu.memref_slice %arg13[%add3A_17, %dma_wait3A_74] : memref<10240x128xf32, #tpu.memory_space<vmem_shared>> -> memref<128x128xf32, #tpu.memory_space<vmem_shared>>
      %dma_wait3A_76 = arith.constant 0 : i32
      %dma_wait3A_77 = tpu.memref_slice %arg13[%add3A_17, %dma_wait3A_76] : memref<10240x128xf32, #tpu.memory_space<vmem_shared>> -> memref<128x128xf32, #tpu.memory_space<vmem_shared>>
      %dma_wait3A_78 = arith.constant 0 : i32
      %dma_wait3A_79 = arith.constant 0 : i32
      %dma_wait3A_80 = tpu.memref_slice %arg8[%run_scoped3A, %dma_wait3A_78, %dma_wait3A_79] : memref<2x128x128xf32, #tpu.memory_space<vmem>> -> memref<1x128x128xf32, #tpu.memory_space<vmem>>
      %dma_wait3A_81 = tpu.memref_squeeze %dma_wait3A_80 : memref<1x128x128xf32, #tpu.memory_space<vmem>> -> memref<128x128xf32, #tpu.memory_space<vmem>>
      tpu.wait_dma2 semaphore(%run_scoped3A_59 : memref<!tpu.dma_semaphore, #tpu.memory_space<semaphore_mem>>) src(%dma_wait3A_81 : memref<128x128xf32, #tpu.memory_space<vmem>>) dst(%dma_wait3A_77 : memref<128x128xf32, #tpu.memory_space<vmem_shared>>)
      tpu.yield
    }) : () -> ()
    %mul3A_18 = arith.constant 640 : i32
    %mul3A_19 = arith.muli %arg1, %mul3A_18 : i32
    %add3A_20 = arith.constant 128 : i32
    %add3A_21 = arith.addi %mul3A_19, %add3A_20 : i32
    %run_scoped3A_22 = arith.constant 0 : i32
    "tpu.region"() ({
      %run_scoped3A_59 = tpu.sem_alloc : memref<!tpu.dma_semaphore, #tpu.memory_space<semaphore_mem>>
      %dma_start3A = arith.constant 0 : i32
      %dma_start3A_60 = arith.constant 0 : i32
      %dma_start3A_61 = tpu.memref_slice %arg8[%run_scoped3A_22, %dma_start3A, %dma_start3A_60] : memref<2x128x128xf32, #tpu.memory_space<vmem>> -> memref<1x128x128xf32, #tpu.memory_space<vmem>>
      %dma_start3A_62 = tpu.memref_squeeze %dma_start3A_61 : memref<1x128x128xf32, #tpu.memory_space<vmem>> -> memref<128x128xf32, #tpu.memory_space<vmem>>
      %dma_start3A_63 = arith.constant 0 : i32
      %dma_start3A_64 = tpu.memref_slice %arg13[%add3A_21, %dma_start3A_63] : memref<10240x128xf32, #tpu.memory_space<vmem_shared>> -> memref<128x128xf32, #tpu.memory_space<vmem_shared>>
      %dma_start3A_65 = arith.constant 0 : i32
      %dma_start3A_66 = tpu.memref_slice %arg13[%add3A_21, %dma_start3A_65] : memref<10240x128xf32, #tpu.memory_space<vmem_shared>> -> memref<128x128xf32, #tpu.memory_space<vmem_shared>>
      %dma_start3A_67 = arith.constant 0 : i32
      %dma_start3A_68 = arith.constant 0 : i32
      %dma_start3A_69 = tpu.memref_slice %arg8[%run_scoped3A_22, %dma_start3A_67, %dma_start3A_68] : memref<2x128x128xf32, #tpu.memory_space<vmem>> -> memref<1x128x128xf32, #tpu.memory_space<vmem>>
      %dma_start3A_70 = tpu.memref_squeeze %dma_start3A_69 : memref<1x128x128xf32, #tpu.memory_space<vmem>> -> memref<128x128xf32, #tpu.memory_space<vmem>>
      tpu.enqueue_dma source(%dma_start3A_70 : memref<128x128xf32, #tpu.memory_space<vmem>>) target(%dma_start3A_66 : memref<128x128xf32, #tpu.memory_space<vmem_shared>>) target_semaphore(%run_scoped3A_59 : memref<!tpu.dma_semaphore, #tpu.memory_space<semaphore_mem>>)
      %dma_wait3A = arith.constant 0 : i32
      %dma_wait3A_71 = arith.constant 0 : i32
      %dma_wait3A_72 = tpu.memref_slice %arg8[%run_scoped3A_22, %dma_wait3A, %dma_wait3A_71] : memref<2x128x128xf32, #tpu.memory_space<vmem>> -> memref<1x128x128xf32, #tpu.memory_space<vmem>>
      %dma_wait3A_73 = tpu.memref_squeeze %dma_wait3A_72 : memref<1x128x128xf32, #tpu.memory_space<vmem>> -> memref<128x128xf32, #tpu.memory_space<vmem>>
      %dma_wait3A_74 = arith.constant 0 : i32
      %dma_wait3A_75 = tpu.memref_slice %arg13[%add3A_21, %dma_wait3A_74] : memref<10240x128xf32, #tpu.memory_space<vmem_shared>> -> memref<128x128xf32, #tpu.memory_space<vmem_shared>>
      %dma_wait3A_76 = arith.constant 0 : i32
      %dma_wait3A_77 = tpu.memref_slice %arg13[%add3A_21, %dma_wait3A_76] : memref<10240x128xf32, #tpu.memory_space<vmem_shared>> -> memref<128x128xf32, #tpu.memory_space<vmem_shared>>
      %dma_wait3A_78 = arith.constant 0 : i32
      %dma_wait3A_79 = arith.constant 0 : i32
      %dma_wait3A_80 = tpu.memref_slice %arg8[%run_scoped3A_22, %dma_wait3A_78, %dma_wait3A_79] : memref<2x128x128xf32, #tpu.memory_space<vmem>> -> memref<1x128x128xf32, #tpu.memory_space<vmem>>
      %dma_wait3A_81 = tpu.memref_squeeze %dma_wait3A_80 : memref<1x128x128xf32, #tpu.memory_space<vmem>> -> memref<128x128xf32, #tpu.memory_space<vmem>>
      tpu.wait_dma2 semaphore(%run_scoped3A_59 : memref<!tpu.dma_semaphore, #tpu.memory_space<semaphore_mem>>) src(%dma_wait3A_81 : memref<128x128xf32, #tpu.memory_space<vmem>>) dst(%dma_wait3A_77 : memref<128x128xf32, #tpu.memory_space<vmem_shared>>)
      tpu.yield
    }) : () -> ()
    %mul3A_23 = arith.constant 640 : i32
    %mul3A_24 = arith.muli %arg1, %mul3A_23 : i32
    %add3A_25 = arith.constant 256 : i32
    %add3A_26 = arith.addi %mul3A_24, %add3A_25 : i32
    %run_scoped3A_27 = arith.constant 0 : i32
    "tpu.region"() ({
      %run_scoped3A_59 = tpu.sem_alloc : memref<!tpu.dma_semaphore, #tpu.memory_space<semaphore_mem>>
      %dma_start3A = arith.constant 0 : i32
      %dma_start3A_60 = arith.constant 0 : i32
      %dma_start3A_61 = tpu.memref_slice %arg8[%run_scoped3A_27, %dma_start3A, %dma_start3A_60] : memref<2x128x128xf32, #tpu.memory_space<vmem>> -> memref<1x128x128xf32, #tpu.memory_space<vmem>>
      %dma_start3A_62 = tpu.memref_squeeze %dma_start3A_61 : memref<1x128x128xf32, #tpu.memory_space<vmem>> -> memref<128x128xf32, #tpu.memory_space<vmem>>
      %dma_start3A_63 = arith.constant 0 : i32
      %dma_start3A_64 = tpu.memref_slice %arg13[%add3A_26, %dma_start3A_63] : memref<10240x128xf32, #tpu.memory_space<vmem_shared>> -> memref<128x128xf32, #tpu.memory_space<vmem_shared>>
      %dma_start3A_65 = arith.constant 0 : i32
      %dma_start3A_66 = tpu.memref_slice %arg13[%add3A_26, %dma_start3A_65] : memref<10240x128xf32, #tpu.memory_space<vmem_shared>> -> memref<128x128xf32, #tpu.memory_space<vmem_shared>>
      %dma_start3A_67 = arith.constant 0 : i32
      %dma_start3A_68 = arith.constant 0 : i32
      %dma_start3A_69 = tpu.memref_slice %arg8[%run_scoped3A_27, %dma_start3A_67, %dma_start3A_68] : memref<2x128x128xf32, #tpu.memory_space<vmem>> -> memref<1x128x128xf32, #tpu.memory_space<vmem>>
      %dma_start3A_70 = tpu.memref_squeeze %dma_start3A_69 : memref<1x128x128xf32, #tpu.memory_space<vmem>> -> memref<128x128xf32, #tpu.memory_space<vmem>>
      tpu.enqueue_dma source(%dma_start3A_70 : memref<128x128xf32, #tpu.memory_space<vmem>>) target(%dma_start3A_66 : memref<128x128xf32, #tpu.memory_space<vmem_shared>>) target_semaphore(%run_scoped3A_59 : memref<!tpu.dma_semaphore, #tpu.memory_space<semaphore_mem>>)
      %dma_wait3A = arith.constant 0 : i32
      %dma_wait3A_71 = arith.constant 0 : i32
      %dma_wait3A_72 = tpu.memref_slice %arg8[%run_scoped3A_27, %dma_wait3A, %dma_wait3A_71] : memref<2x128x128xf32, #tpu.memory_space<vmem>> -> memref<1x128x128xf32, #tpu.memory_space<vmem>>
      %dma_wait3A_73 = tpu.memref_squeeze %dma_wait3A_72 : memref<1x128x128xf32, #tpu.memory_space<vmem>> -> memref<128x128xf32, #tpu.memory_space<vmem>>
      %dma_wait3A_74 = arith.constant 0 : i32
      %dma_wait3A_75 = tpu.memref_slice %arg13[%add3A_26, %dma_wait3A_74] : memref<10240x128xf32, #tpu.memory_space<vmem_shared>> -> memref<128x128xf32, #tpu.memory_space<vmem_shared>>
      %dma_wait3A_76 = arith.constant 0 : i32
      %dma_wait3A_77 = tpu.memref_slice %arg13[%add3A_26, %dma_wait3A_76] : memref<10240x128xf32, #tpu.memory_space<vmem_shared>> -> memref<128x128xf32, #tpu.memory_space<vmem_shared>>
      %dma_wait3A_78 = arith.constant 0 : i32
      %dma_wait3A_79 = arith.constant 0 : i32
      %dma_wait3A_80 = tpu.memref_slice %arg8[%run_scoped3A_27, %dma_wait3A_78, %dma_wait3A_79] : memref<2x128x128xf32, #tpu.memory_space<vmem>> -> memref<1x128x128xf32, #tpu.memory_space<vmem>>
      %dma_wait3A_81 = tpu.memref_squeeze %dma_wait3A_80 : memref<1x128x128xf32, #tpu.memory_space<vmem>> -> memref<128x128xf32, #tpu.memory_space<vmem>>
      tpu.wait_dma2 semaphore(%run_scoped3A_59 : memref<!tpu.dma_semaphore, #tpu.memory_space<semaphore_mem>>) src(%dma_wait3A_81 : memref<128x128xf32, #tpu.memory_space<vmem>>) dst(%dma_wait3A_77 : memref<128x128xf32, #tpu.memory_space<vmem_shared>>)
      tpu.yield
    }) : () -> ()
    %mul3A_28 = arith.constant 640 : i32
    %mul3A_29 = arith.muli %arg1, %mul3A_28 : i32
    %add3A_30 = arith.constant 384 : i32
    %add3A_31 = arith.addi %mul3A_29, %add3A_30 : i32
    %run_scoped3A_32 = arith.constant 0 : i32
    "tpu.region"() ({
      %run_scoped3A_59 = tpu.sem_alloc : memref<!tpu.dma_semaphore, #tpu.memory_space<semaphore_mem>>
      %dma_start3A = arith.constant 0 : i32
      %dma_start3A_60 = arith.constant 0 : i32
      %dma_start3A_61 = tpu.memref_slice %arg8[%run_scoped3A_32, %dma_start3A, %dma_start3A_60] : memref<2x128x128xf32, #tpu.memory_space<vmem>> -> memref<1x128x128xf32, #tpu.memory_space<vmem>>
      %dma_start3A_62 = tpu.memref_squeeze %dma_start3A_61 : memref<1x128x128xf32, #tpu.memory_space<vmem>> -> memref<128x128xf32, #tpu.memory_space<vmem>>
      %dma_start3A_63 = arith.constant 0 : i32
      %dma_start3A_64 = tpu.memref_slice %arg13[%add3A_31, %dma_start3A_63] : memref<10240x128xf32, #tpu.memory_space<vmem_shared>> -> memref<128x128xf32, #tpu.memory_space<vmem_shared>>
      %dma_start3A_65 = arith.constant 0 : i32
      %dma_start3A_66 = tpu.memref_slice %arg13[%add3A_31, %dma_start3A_65] : memref<10240x128xf32, #tpu.memory_space<vmem_shared>> -> memref<128x128xf32, #tpu.memory_space<vmem_shared>>
      %dma_start3A_67 = arith.constant 0 : i32
      %dma_start3A_68 = arith.constant 0 : i32
      %dma_start3A_69 = tpu.memref_slice %arg8[%run_scoped3A_32, %dma_start3A_67, %dma_start3A_68] : memref<2x128x128xf32, #tpu.memory_space<vmem>> -> memref<1x128x128xf32, #tpu.memory_space<vmem>>
      %dma_start3A_70 = tpu.memref_squeeze %dma_start3A_69 : memref<1x128x128xf32, #tpu.memory_space<vmem>> -> memref<128x128xf32, #tpu.memory_space<vmem>>
      tpu.enqueue_dma source(%dma_start3A_70 : memref<128x128xf32, #tpu.memory_space<vmem>>) target(%dma_start3A_66 : memref<128x128xf32, #tpu.memory_space<vmem_shared>>) target_semaphore(%run_scoped3A_59 : memref<!tpu.dma_semaphore, #tpu.memory_space<semaphore_mem>>)
      %dma_wait3A = arith.constant 0 : i32
      %dma_wait3A_71 = arith.constant 0 : i32
      %dma_wait3A_72 = tpu.memref_slice %arg8[%run_scoped3A_32, %dma_wait3A, %dma_wait3A_71] : memref<2x128x128xf32, #tpu.memory_space<vmem>> -> memref<1x128x128xf32, #tpu.memory_space<vmem>>
      %dma_wait3A_73 = tpu.memref_squeeze %dma_wait3A_72 : memref<1x128x128xf32, #tpu.memory_space<vmem>> -> memref<128x128xf32, #tpu.memory_space<vmem>>
      %dma_wait3A_74 = arith.constant 0 : i32
      %dma_wait3A_75 = tpu.memref_slice %arg13[%add3A_31, %dma_wait3A_74] : memref<10240x128xf32, #tpu.memory_space<vmem_shared>> -> memref<128x128xf32, #tpu.memory_space<vmem_shared>>
      %dma_wait3A_76 = arith.constant 0 : i32
      %dma_wait3A_77 = tpu.memref_slice %arg13[%add3A_31, %dma_wait3A_76] : memref<10240x128xf32, #tpu.memory_space<vmem_shared>> -> memref<128x128xf32, #tpu.memory_space<vmem_shared>>
      %dma_wait3A_78 = arith.constant 0 : i32
      %dma_wait3A_79 = arith.constant 0 : i32
      %dma_wait3A_80 = tpu.memref_slice %arg8[%run_scoped3A_32, %dma_wait3A_78, %dma_wait3A_79] : memref<2x128x128xf32, #tpu.memory_space<vmem>> -> memref<1x128x128xf32, #tpu.memory_space<vmem>>
      %dma_wait3A_81 = tpu.memref_squeeze %dma_wait3A_80 : memref<1x128x128xf32, #tpu.memory_space<vmem>> -> memref<128x128xf32, #tpu.memory_space<vmem>>
      tpu.wait_dma2 semaphore(%run_scoped3A_59 : memref<!tpu.dma_semaphore, #tpu.memory_space<semaphore_mem>>) src(%dma_wait3A_81 : memref<128x128xf32, #tpu.memory_space<vmem>>) dst(%dma_wait3A_77 : memref<128x128xf32, #tpu.memory_space<vmem_shared>>)
      tpu.yield
    }) : () -> ()
    %mul3A_33 = arith.constant 640 : i32
    %mul3A_34 = arith.muli %arg1, %mul3A_33 : i32
    %add3A_35 = arith.constant 512 : i32
    %add3A_36 = arith.addi %mul3A_34, %add3A_35 : i32
    %run_scoped3A_37 = arith.constant 0 : i32
    "tpu.region"() ({
      %run_scoped3A_59 = tpu.sem_alloc : memref<!tpu.dma_semaphore, #tpu.memory_space<semaphore_mem>>
      %dma_start3A = arith.constant 0 : i32
      %dma_start3A_60 = arith.constant 0 : i32
      %dma_start3A_61 = tpu.memref_slice %arg8[%run_scoped3A_37, %dma_start3A, %dma_start3A_60] : memref<2x128x128xf32, #tpu.memory_space<vmem>> -> memref<1x128x128xf32, #tpu.memory_space<vmem>>
      %dma_start3A_62 = tpu.memref_squeeze %dma_start3A_61 : memref<1x128x128xf32, #tpu.memory_space<vmem>> -> memref<128x128xf32, #tpu.memory_space<vmem>>
      %dma_start3A_63 = arith.constant 0 : i32
      %dma_start3A_64 = tpu.memref_slice %arg13[%add3A_36, %dma_start3A_63] : memref<10240x128xf32, #tpu.memory_space<vmem_shared>> -> memref<128x128xf32, #tpu.memory_space<vmem_shared>>
      %dma_start3A_65 = arith.constant 0 : i32
      %dma_start3A_66 = tpu.memref_slice %arg13[%add3A_36, %dma_start3A_65] : memref<10240x128xf32, #tpu.memory_space<vmem_shared>> -> memref<128x128xf32, #tpu.memory_space<vmem_shared>>
      %dma_start3A_67 = arith.constant 0 : i32
      %dma_start3A_68 = arith.constant 0 : i32
      %dma_start3A_69 = tpu.memref_slice %arg8[%run_scoped3A_37, %dma_start3A_67, %dma_start3A_68] : memref<2x128x128xf32, #tpu.memory_space<vmem>> -> memref<1x128x128xf32, #tpu.memory_space<vmem>>
      %dma_start3A_70 = tpu.memref_squeeze %dma_start3A_69 : memref<1x128x128xf32, #tpu.memory_space<vmem>> -> memref<128x128xf32, #tpu.memory_space<vmem>>
      tpu.enqueue_dma source(%dma_start3A_70 : memref<128x128xf32, #tpu.memory_space<vmem>>) target(%dma_start3A_66 : memref<128x128xf32, #tpu.memory_space<vmem_shared>>) target_semaphore(%run_scoped3A_59 : memref<!tpu.dma_semaphore, #tpu.memory_space<semaphore_mem>>)
      %dma_wait3A = arith.constant 0 : i32
      %dma_wait3A_71 = arith.constant 0 : i32
      %dma_wait3A_72 = tpu.memref_slice %arg8[%run_scoped3A_37, %dma_wait3A, %dma_wait3A_71] : memref<2x128x128xf32, #tpu.memory_space<vmem>> -> memref<1x128x128xf32, #tpu.memory_space<vmem>>
      %dma_wait3A_73 = tpu.memref_squeeze %dma_wait3A_72 : memref<1x128x128xf32, #tpu.memory_space<vmem>> -> memref<128x128xf32, #tpu.memory_space<vmem>>
      %dma_wait3A_74 = arith.constant 0 : i32
      %dma_wait3A_75 = tpu.memref_slice %arg13[%add3A_36, %dma_wait3A_74] : memref<10240x128xf32, #tpu.memory_space<vmem_shared>> -> memref<128x128xf32, #tpu.memory_space<vmem_shared>>
      %dma_wait3A_76 = arith.constant 0 : i32
      %dma_wait3A_77 = tpu.memref_slice %arg13[%add3A_36, %dma_wait3A_76] : memref<10240x128xf32, #tpu.memory_space<vmem_shared>> -> memref<128x128xf32, #tpu.memory_space<vmem_shared>>
      %dma_wait3A_78 = arith.constant 0 : i32
      %dma_wait3A_79 = arith.constant 0 : i32
      %dma_wait3A_80 = tpu.memref_slice %arg8[%run_scoped3A_37, %dma_wait3A_78, %dma_wait3A_79] : memref<2x128x128xf32, #tpu.memory_space<vmem>> -> memref<1x128x128xf32, #tpu.memory_space<vmem>>
      %dma_wait3A_81 = tpu.memref_squeeze %dma_wait3A_80 : memref<1x128x128xf32, #tpu.memory_space<vmem>> -> memref<128x128xf32, #tpu.memory_space<vmem>>
      tpu.wait_dma2 semaphore(%run_scoped3A_59 : memref<!tpu.dma_semaphore, #tpu.memory_space<semaphore_mem>>) src(%dma_wait3A_81 : memref<128x128xf32, #tpu.memory_space<vmem>>) dst(%dma_wait3A_77 : memref<128x128xf32, #tpu.memory_space<vmem_shared>>)
      tpu.yield
    }) : () -> ()
    %gt3A = arith.constant 0 : i32
    %gt3A_38 = arith.cmpi sgt, %select_n3A, %gt3A : i32
    %convert_element_type3A = arith.extui %gt3A_38 : i1 to i32
    %cond3A = arith.constant 0 : i32
    %cond3A_39 = arith.cmpi ne, %convert_element_type3A, %cond3A : i32
    scf.if %cond3A_39 {
      %run_scoped3A_59 = arith.constant 0 : i32
      "tpu.region"() ({
        %run_scoped3A_61 = tpu.sem_alloc : memref<!tpu.dma_semaphore, #tpu.memory_space<semaphore_mem>>
        %dma_start3A = arith.constant 0 : i32
        %dma_start3A_62 = arith.constant 0 : i32
        %dma_start3A_63 = tpu.memref_slice %arg6[%run_scoped3A_59, %dma_start3A, %dma_start3A_62] : memref<2x16x128xi32, #tpu.memory_space<vmem>> -> memref<1x16x128xi32, #tpu.memory_space<vmem>>
        %dma_start3A_64 = tpu.memref_squeeze %dma_start3A_63 : memref<1x16x128xi32, #tpu.memory_space<vmem>> -> memref<16x128xi32, #tpu.memory_space<vmem>>
        %dma_start3A_65 = arith.constant 0 : i32
        %dma_start3A_66 = tpu.memref_slice %arg2[%select_n3A_8, %dma_start3A_65] : memref<2560x128xi32, #tpu.memory_space<hbm>> -> memref<16x128xi32, #tpu.memory_space<hbm>>
        %dma_start3A_67 = arith.constant 0 : i32
        %dma_start3A_68 = arith.constant 0 : i32
        %dma_start3A_69 = tpu.memref_slice %arg6[%run_scoped3A_59, %dma_start3A_67, %dma_start3A_68] : memref<2x16x128xi32, #tpu.memory_space<vmem>> -> memref<1x16x128xi32, #tpu.memory_space<vmem>>
        %dma_start3A_70 = tpu.memref_squeeze %dma_start3A_69 : memref<1x16x128xi32, #tpu.memory_space<vmem>> -> memref<16x128xi32, #tpu.memory_space<vmem>>
        %dma_start3A_71 = arith.constant 0 : i32
        %dma_start3A_72 = tpu.memref_slice %arg2[%select_n3A_8, %dma_start3A_71] : memref<2560x128xi32, #tpu.memory_space<hbm>> -> memref<16x128xi32, #tpu.memory_space<hbm>>
        tpu.enqueue_dma source(%dma_start3A_72 : memref<16x128xi32, #tpu.memory_space<hbm>>) target(%dma_start3A_70 : memref<16x128xi32, #tpu.memory_space<vmem>>) target_semaphore(%run_scoped3A_61 : memref<!tpu.dma_semaphore, #tpu.memory_space<semaphore_mem>>)
        %dma_wait3A = arith.constant 0 : i32
        %dma_wait3A_73 = arith.constant 0 : i32
        %dma_wait3A_74 = tpu.memref_slice %arg6[%run_scoped3A_59, %dma_wait3A, %dma_wait3A_73] : memref<2x16x128xi32, #tpu.memory_space<vmem>> -> memref<1x16x128xi32, #tpu.memory_space<vmem>>
        %dma_wait3A_75 = tpu.memref_squeeze %dma_wait3A_74 : memref<1x16x128xi32, #tpu.memory_space<vmem>> -> memref<16x128xi32, #tpu.memory_space<vmem>>
        %dma_wait3A_76 = arith.constant 0 : i32
        %dma_wait3A_77 = tpu.memref_slice %arg2[%select_n3A_8, %dma_wait3A_76] : memref<2560x128xi32, #tpu.memory_space<hbm>> -> memref<16x128xi32, #tpu.memory_space<hbm>>
        %dma_wait3A_78 = arith.constant 0 : i32
        %dma_wait3A_79 = arith.constant 0 : i32
        %dma_wait3A_80 = tpu.memref_slice %arg6[%run_scoped3A_59, %dma_wait3A_78, %dma_wait3A_79] : memref<2x16x128xi32, #tpu.memory_space<vmem>> -> memref<1x16x128xi32, #tpu.memory_space<vmem>>
        %dma_wait3A_81 = tpu.memref_squeeze %dma_wait3A_80 : memref<1x16x128xi32, #tpu.memory_space<vmem>> -> memref<16x128xi32, #tpu.memory_space<vmem>>
        %dma_wait3A_82 = arith.constant 0 : i32
        %dma_wait3A_83 = tpu.memref_slice %arg2[%select_n3A_8, %dma_wait3A_82] : memref<2560x128xi32, #tpu.memory_space<hbm>> -> memref<16x128xi32, #tpu.memory_space<hbm>>
        tpu.wait_dma2 semaphore(%run_scoped3A_61 : memref<!tpu.dma_semaphore, #tpu.memory_space<semaphore_mem>>) src(%dma_wait3A_83 : memref<16x128xi32, #tpu.memory_space<hbm>>) dst(%dma_wait3A_81 : memref<16x128xi32, #tpu.memory_space<vmem>>)
        tpu.yield
      }) : () -> ()
      %run_scoped3A_60 = arith.constant 0 : i32
      "tpu.region"() ({
        %run_scoped3A_61 = tpu.sem_alloc : memref<!tpu.dma_semaphore, #tpu.memory_space<semaphore_mem>>
        %dma_start3A = arith.constant 0 : i32
        %dma_start3A_62 = arith.constant 0 : i32
        %dma_start3A_63 = tpu.memref_slice %arg7[%run_scoped3A_60, %dma_start3A, %dma_start3A_62] : memref<2x16x128xi32, #tpu.memory_space<vmem>> -> memref<1x16x128xi32, #tpu.memory_space<vmem>>
        %dma_start3A_64 = tpu.memref_squeeze %dma_start3A_63 : memref<1x16x128xi32, #tpu.memory_space<vmem>> -> memref<16x128xi32, #tpu.memory_space<vmem>>
        %dma_start3A_65 = arith.constant 0 : i32
        %dma_start3A_66 = tpu.memref_slice %arg3[%select_n3A_8, %dma_start3A_65] : memref<2560x128xi32, #tpu.memory_space<hbm>> -> memref<16x128xi32, #tpu.memory_space<hbm>>
        %dma_start3A_67 = arith.constant 0 : i32
        %dma_start3A_68 = arith.constant 0 : i32
        %dma_start3A_69 = tpu.memref_slice %arg7[%run_scoped3A_60, %dma_start3A_67, %dma_start3A_68] : memref<2x16x128xi32, #tpu.memory_space<vmem>> -> memref<1x16x128xi32, #tpu.memory_space<vmem>>
        %dma_start3A_70 = tpu.memref_squeeze %dma_start3A_69 : memref<1x16x128xi32, #tpu.memory_space<vmem>> -> memref<16x128xi32, #tpu.memory_space<vmem>>
        %dma_start3A_71 = arith.constant 0 : i32
        %dma_start3A_72 = tpu.memref_slice %arg3[%select_n3A_8, %dma_start3A_71] : memref<2560x128xi32, #tpu.memory_space<hbm>> -> memref<16x128xi32, #tpu.memory_space<hbm>>
        tpu.enqueue_dma source(%dma_start3A_72 : memref<16x128xi32, #tpu.memory_space<hbm>>) target(%dma_start3A_70 : memref<16x128xi32, #tpu.memory_space<vmem>>) target_semaphore(%run_scoped3A_61 : memref<!tpu.dma_semaphore, #tpu.memory_space<semaphore_mem>>)
        %dma_wait3A = arith.constant 0 : i32
        %dma_wait3A_73 = arith.constant 0 : i32
        %dma_wait3A_74 = tpu.memref_slice %arg7[%run_scoped3A_60, %dma_wait3A, %dma_wait3A_73] : memref<2x16x128xi32, #tpu.memory_space<vmem>> -> memref<1x16x128xi32, #tpu.memory_space<vmem>>
        %dma_wait3A_75 = tpu.memref_squeeze %dma_wait3A_74 : memref<1x16x128xi32, #tpu.memory_space<vmem>> -> memref<16x128xi32, #tpu.memory_space<vmem>>
        %dma_wait3A_76 = arith.constant 0 : i32
        %dma_wait3A_77 = tpu.memref_slice %arg3[%select_n3A_8, %dma_wait3A_76] : memref<2560x128xi32, #tpu.memory_space<hbm>> -> memref<16x128xi32, #tpu.memory_space<hbm>>
        %dma_wait3A_78 = arith.constant 0 : i32
        %dma_wait3A_79 = arith.constant 0 : i32
        %dma_wait3A_80 = tpu.memref_slice %arg7[%run_scoped3A_60, %dma_wait3A_78, %dma_wait3A_79] : memref<2x16x128xi32, #tpu.memory_space<vmem>> -> memref<1x16x128xi32, #tpu.memory_space<vmem>>
        %dma_wait3A_81 = tpu.memref_squeeze %dma_wait3A_80 : memref<1x16x128xi32, #tpu.memory_space<vmem>> -> memref<16x128xi32, #tpu.memory_space<vmem>>
        %dma_wait3A_82 = arith.constant 0 : i32
        %dma_wait3A_83 = tpu.memref_slice %arg3[%select_n3A_8, %dma_wait3A_82] : memref<2560x128xi32, #tpu.memory_space<hbm>> -> memref<16x128xi32, #tpu.memory_space<hbm>>
        tpu.wait_dma2 semaphore(%run_scoped3A_61 : memref<!tpu.dma_semaphore, #tpu.memory_space<semaphore_mem>>) src(%dma_wait3A_83 : memref<16x128xi32, #tpu.memory_space<hbm>>) dst(%dma_wait3A_81 : memref<16x128xi32, #tpu.memory_space<vmem>>)
        tpu.yield
      }) : () -> ()
    } else {
    }
    %barrier3A = arith.constant 0 : index
    tpu.barrier barrier_id(%barrier3A)
    %gt3A_40 = arith.constant 0 : i32
    %gt3A_41 = arith.cmpi sgt, %select_n3A, %gt3A_40 : i32
    %convert_element_type3A_42 = arith.extui %gt3A_41 : i1 to i32
    %cond3A_43 = arith.constant 0 : i32
    %cond3A_44 = arith.cmpi ne, %convert_element_type3A_42, %cond3A_43 : i32
    scf.if %cond3A_44 {
      %dma_start3A = arith.constant 0 : i32
      %dma_start3A_59 = arith.constant 0 : i32
      %dma_start3A_60 = arith.constant 0 : i32
      %dma_start3A_61 = arith.constant 0 : i32
      %dma_start3A_62 = arith.constant 0 : i32
      %dma_start3A_63 = tpu.memref_slice %arg8[%dma_start3A_60, %dma_start3A_61, %dma_start3A_62] : memref<2x128x128xf32, #tpu.memory_space<vmem>> -> memref<1x128x128xf32, #tpu.memory_space<vmem>>
      %dma_start3A_64 = tpu.memref_squeeze %dma_start3A_63 : memref<1x128x128xf32, #tpu.memory_space<vmem>> -> memref<128x128xf32, #tpu.memory_space<vmem>>
      %dma_start3A_65 = arith.constant 0 : i32
      %dma_start3A_66 = tpu.memref_slice %arg6[%dma_start3A, %dma_start3A_59, %dma_start3A_65] : memref<2x16x128xi32, #tpu.memory_space<vmem>> -> memref<1x1x128xi32, #tpu.memory_space<vmem>>
      %dma_start3A_67 = tpu.memref_squeeze %dma_start3A_66 : memref<1x1x128xi32, #tpu.memory_space<vmem>> -> memref<128xi32, #tpu.memory_space<vmem>>
      %dma_start3A_68 = arith.constant 0 : i32
      %dma_start3A_69 = arith.constant 0 : i32
      %dma_start3A_70 = tpu.memref_slice %arg4[%dma_start3A_68, %dma_start3A_69] : memref<10000x128xf32, #tpu.memory_space<hbm>> -> memref<10000x128xf32, #tpu.memory_space<hbm>>
      tpu.enqueue_indirect_dma source(%dma_start3A_70 : memref<10000x128xf32, #tpu.memory_space<hbm>>) target(%dma_start3A_64 : memref<128x128xf32, #tpu.memory_space<vmem>>) offsets(%dma_start3A_67 : memref<128xi32, #tpu.memory_space<vmem>>) semaphore(%arg11 : memref<!tpu.dma_semaphore, #tpu.memory_space<semaphore_mem>>)
    } else {
    }
    %while3A = arith.constant 0 : i32
    %while3A_45 = arith.constant 0 : i32
    %while3A_46 = arith.subi %select_n3A, %while3A_45 : i32
    %while3A_47 = arith.addi %while3A_45, %while3A_46 : i32
    %while3A_48 = arith.constant 1 : i32
    %while3A_49 = arith.divsi %while3A_46, %while3A_48 : i32
    %while3A_50 = arith.muli %while3A_49, %while3A_48 : i32
    %while3A_51 = arith.addi %while3A_45, %while3A_50 : i32
    %while3A_52 = arith.constant 1 : i32
    scf.for %while3A_59 = %while3A_45 to %while3A_51 step %while3A_52  : i32 {
      %rem3A = arith.constant 2 : i32
      %rem3A_60 = arith.remsi %while3A_59, %rem3A : i32
      %sub3A = arith.constant 1 : i32
      %sub3A_61 = arith.subi %sub3A, %rem3A_60 : i32
      %add3A_62 = arith.constant 1 : i32
      %add3A_63 = arith.addi %while3A_59, %add3A_62 : i32
      %lt3A = arith.cmpi slt, %add3A_63, %select_n3A : i32
      %convert_element_type3A_64 = arith.extui %lt3A : i1 to i32
      %cond3A_65 = arith.constant 0 : i32
      %cond3A_66 = arith.cmpi ne, %convert_element_type3A_64, %cond3A_65 : i32
      scf.if %cond3A_66 {
        %add3A_79 = arith.constant 1 : i32
        %add3A_80 = arith.addi %while3A_59, %add3A_79 : i32
        %mul3A_81 = arith.constant 16 : i32
        %mul3A_82 = arith.muli %add3A_80, %mul3A_81 : i32
        %add3A_83 = arith.addi %select_n3A_8, %mul3A_82 : i32
        %dma_start3A = arith.constant 0 : i32
        %dma_start3A_84 = arith.constant 0 : i32
        %dma_start3A_85 = tpu.memref_slice %arg6[%sub3A_61, %dma_start3A, %dma_start3A_84] : memref<2x16x128xi32, #tpu.memory_space<vmem>> -> memref<1x16x128xi32, #tpu.memory_space<vmem>>
        %dma_start3A_86 = tpu.memref_squeeze %dma_start3A_85 : memref<1x16x128xi32, #tpu.memory_space<vmem>> -> memref<16x128xi32, #tpu.memory_space<vmem>>
        %dma_start3A_87 = arith.constant 0 : i32
        %dma_start3A_88 = tpu.memref_slice %arg2[%add3A_83, %dma_start3A_87] : memref<2560x128xi32, #tpu.memory_space<hbm>> -> memref<16x128xi32, #tpu.memory_space<hbm>>
        %dma_start3A_89 = arith.constant 0 : i32
        %dma_start3A_90 = arith.constant 0 : i32
        %dma_start3A_91 = tpu.memref_slice %arg6[%sub3A_61, %dma_start3A_89, %dma_start3A_90] : memref<2x16x128xi32, #tpu.memory_space<vmem>> -> memref<1x16x128xi32, #tpu.memory_space<vmem>>
        %dma_start3A_92 = tpu.memref_squeeze %dma_start3A_91 : memref<1x16x128xi32, #tpu.memory_space<vmem>> -> memref<16x128xi32, #tpu.memory_space<vmem>>
        %dma_start3A_93 = arith.constant 0 : i32
        %dma_start3A_94 = tpu.memref_slice %arg2[%add3A_83, %dma_start3A_93] : memref<2560x128xi32, #tpu.memory_space<hbm>> -> memref<16x128xi32, #tpu.memory_space<hbm>>
        tpu.enqueue_dma source(%dma_start3A_94 : memref<16x128xi32, #tpu.memory_space<hbm>>) target(%dma_start3A_92 : memref<16x128xi32, #tpu.memory_space<vmem>>) target_semaphore(%arg9 : memref<!tpu.dma_semaphore, #tpu.memory_space<semaphore_mem>>)
        %add3A_95 = arith.constant 1 : i32
        %add3A_96 = arith.addi %while3A_59, %add3A_95 : i32
        %mul3A_97 = arith.constant 16 : i32
        %mul3A_98 = arith.muli %add3A_96, %mul3A_97 : i32
        %add3A_99 = arith.addi %select_n3A_8, %mul3A_98 : i32
        %dma_start3A_100 = arith.constant 0 : i32
        %dma_start3A_101 = arith.constant 0 : i32
        %dma_start3A_102 = tpu.memref_slice %arg7[%sub3A_61, %dma_start3A_100, %dma_start3A_101] : memref<2x16x128xi32, #tpu.memory_space<vmem>> -> memref<1x16x128xi32, #tpu.memory_space<vmem>>
        %dma_start3A_103 = tpu.memref_squeeze %dma_start3A_102 : memref<1x16x128xi32, #tpu.memory_space<vmem>> -> memref<16x128xi32, #tpu.memory_space<vmem>>
        %dma_start3A_104 = arith.constant 0 : i32
        %dma_start3A_105 = tpu.memref_slice %arg3[%add3A_99, %dma_start3A_104] : memref<2560x128xi32, #tpu.memory_space<hbm>> -> memref<16x128xi32, #tpu.memory_space<hbm>>
        %dma_start3A_106 = arith.constant 0 : i32
        %dma_start3A_107 = arith.constant 0 : i32
        %dma_start3A_108 = tpu.memref_slice %arg7[%sub3A_61, %dma_start3A_106, %dma_start3A_107] : memref<2x16x128xi32, #tpu.memory_space<vmem>> -> memref<1x16x128xi32, #tpu.memory_space<vmem>>
        %dma_start3A_109 = tpu.memref_squeeze %dma_start3A_108 : memref<1x16x128xi32, #tpu.memory_space<vmem>> -> memref<16x128xi32, #tpu.memory_space<vmem>>
        %dma_start3A_110 = arith.constant 0 : i32
        %dma_start3A_111 = tpu.memref_slice %arg3[%add3A_99, %dma_start3A_110] : memref<2560x128xi32, #tpu.memory_space<hbm>> -> memref<16x128xi32, #tpu.memory_space<hbm>>
        tpu.enqueue_dma source(%dma_start3A_111 : memref<16x128xi32, #tpu.memory_space<hbm>>) target(%dma_start3A_109 : memref<16x128xi32, #tpu.memory_space<vmem>>) target_semaphore(%arg10 : memref<!tpu.dma_semaphore, #tpu.memory_space<semaphore_mem>>)
      } else {
      }
      %scan3A_67 = arith.constant 0 : i32
      %scan3A_68 = arith.constant 0 : i32
      %scan3A_69 = arith.constant 8 : i32
      %scan3A_70 = arith.addi %scan3A_68, %scan3A_69 : i32
      %scan3A_71 = arith.constant 1 : i32
      scf.for %scan3A_79 = %scan3A_68 to %scan3A_70 step %scan3A_71  : i32 {
        %mul3A_80 = arith.constant 2 : i32
        %mul3A_81 = arith.muli %mul3A_80, %scan3A_79 : i32
        %mul3A_82 = arith.constant 2 : i32
        %mul3A_83 = arith.muli %mul3A_82, %scan3A_79 : i32
        %add3A_84 = arith.constant 1 : i32
        %add3A_85 = arith.addi %mul3A_83, %add3A_84 : i32
        %dma_wait3A = arith.constant 0 : i32
        %dma_wait3A_86 = arith.constant 0 : i32
        %dma_wait3A_87 = arith.constant 0 : i32
        %dma_wait3A_88 = tpu.memref_slice %arg8[%dma_wait3A, %dma_wait3A_86, %dma_wait3A_87] : memref<2x128x128xf32, #tpu.memory_space<vmem>> -> memref<1x128x128xf32, #tpu.memory_space<vmem>>
        %dma_wait3A_89 = tpu.memref_squeeze %dma_wait3A_88 : memref<1x128x128xf32, #tpu.memory_space<vmem>> -> memref<128x128xf32, #tpu.memory_space<vmem>>
        %dma_wait3A_90 = arith.constant 0 : i32
        %dma_wait3A_91 = tpu.memref_slice %arg6[%rem3A_60, %mul3A_81, %dma_wait3A_90] : memref<2x16x128xi32, #tpu.memory_space<vmem>> -> memref<1x1x128xi32, #tpu.memory_space<vmem>>
        %dma_wait3A_92 = tpu.memref_squeeze %dma_wait3A_91 : memref<1x1x128xi32, #tpu.memory_space<vmem>> -> memref<128xi32, #tpu.memory_space<vmem>>
        %dma_wait3A_93 = arith.constant 0 : i32
        %dma_wait3A_94 = arith.constant 0 : i32
        %dma_wait3A_95 = tpu.memref_slice %arg4[%dma_wait3A_93, %dma_wait3A_94] : memref<10000x128xf32, #tpu.memory_space<hbm>> -> memref<10000x128xf32, #tpu.memory_space<hbm>>
        tpu.wait_indirect_dma semaphore(%arg11 : memref<!tpu.dma_semaphore, #tpu.memory_space<semaphore_mem>>) src(%dma_wait3A_95 : memref<10000x128xf32, #tpu.memory_space<hbm>>) dst(%dma_wait3A_89 : memref<128x128xf32, #tpu.memory_space<vmem>>)
        %dma_start3A = arith.constant 1 : i32
        %dma_start3A_96 = arith.constant 0 : i32
        %dma_start3A_97 = arith.constant 0 : i32
        %dma_start3A_98 = tpu.memref_slice %arg8[%dma_start3A, %dma_start3A_96, %dma_start3A_97] : memref<2x128x128xf32, #tpu.memory_space<vmem>> -> memref<1x128x128xf32, #tpu.memory_space<vmem>>
        %dma_start3A_99 = tpu.memref_squeeze %dma_start3A_98 : memref<1x128x128xf32, #tpu.memory_space<vmem>> -> memref<128x128xf32, #tpu.memory_space<vmem>>
        %dma_start3A_100 = arith.constant 0 : i32
        %dma_start3A_101 = tpu.memref_slice %arg6[%rem3A_60, %add3A_85, %dma_start3A_100] : memref<2x16x128xi32, #tpu.memory_space<vmem>> -> memref<1x1x128xi32, #tpu.memory_space<vmem>>
        %dma_start3A_102 = tpu.memref_squeeze %dma_start3A_101 : memref<1x1x128xi32, #tpu.memory_space<vmem>> -> memref<128xi32, #tpu.memory_space<vmem>>
        %dma_start3A_103 = arith.constant 0 : i32
        %dma_start3A_104 = arith.constant 0 : i32
        %dma_start3A_105 = tpu.memref_slice %arg4[%dma_start3A_103, %dma_start3A_104] : memref<10000x128xf32, #tpu.memory_space<hbm>> -> memref<10000x128xf32, #tpu.memory_space<hbm>>
        tpu.enqueue_indirect_dma source(%dma_start3A_105 : memref<10000x128xf32, #tpu.memory_space<hbm>>) target(%dma_start3A_99 : memref<128x128xf32, #tpu.memory_space<vmem>>) offsets(%dma_start3A_102 : memref<128xi32, #tpu.memory_space<vmem>>) semaphore(%arg12 : memref<!tpu.dma_semaphore, #tpu.memory_space<semaphore_mem>>)
        %run_scoped3A_106 = arith.constant 0 : i32
        "tpu.region"() ({
          %run_scoped3A_124 = tpu.sem_alloc : memref<!tpu.dma_semaphore, #tpu.memory_space<semaphore_mem>>
          %dma_start3A_125 = arith.constant 0 : i32
          %dma_start3A_126 = arith.constant 0 : i32
          %dma_start3A_127 = tpu.memref_slice %arg8[%run_scoped3A_106, %dma_start3A_125, %dma_start3A_126] : memref<2x128x128xf32, #tpu.memory_space<vmem>> -> memref<1x128x128xf32, #tpu.memory_space<vmem>>
          %dma_start3A_128 = tpu.memref_squeeze %dma_start3A_127 : memref<1x128x128xf32, #tpu.memory_space<vmem>> -> memref<128x128xf32, #tpu.memory_space<vmem>>
          %dma_start3A_129 = arith.constant 0 : i32
          %dma_start3A_130 = tpu.memref_slice %arg7[%rem3A_60, %mul3A_81, %dma_start3A_129] : memref<2x16x128xi32, #tpu.memory_space<vmem>> -> memref<1x1x128xi32, #tpu.memory_space<vmem>>
          %dma_start3A_131 = tpu.memref_squeeze %dma_start3A_130 : memref<1x1x128xi32, #tpu.memory_space<vmem>> -> memref<128xi32, #tpu.memory_space<vmem>>
          %dma_start3A_132 = arith.constant 0 : i32
          %dma_start3A_133 = arith.constant 0 : i32
          %dma_start3A_134 = tpu.memref_slice %arg13[%dma_start3A_132, %dma_start3A_133] : memref<10240x128xf32, #tpu.memory_space<vmem_shared>> -> memref<10240x128xf32, #tpu.memory_space<vmem_shared>>
          tpu.enqueue_indirect_dma source(%dma_start3A_128 : memref<128x128xf32, #tpu.memory_space<vmem>>) target(%dma_start3A_134 : memref<10240x128xf32, #tpu.memory_space<vmem_shared>>) offsets(%dma_start3A_131 : memref<128xi32, #tpu.memory_space<vmem>>) semaphore(%run_scoped3A_124 : memref<!tpu.dma_semaphore, #tpu.memory_space<semaphore_mem>>) {add = true}
          %dma_wait3A_135 = arith.constant 0 : i32
          %dma_wait3A_136 = arith.constant 0 : i32
          %dma_wait3A_137 = tpu.memref_slice %arg8[%run_scoped3A_106, %dma_wait3A_135, %dma_wait3A_136] : memref<2x128x128xf32, #tpu.memory_space<vmem>> -> memref<1x128x128xf32, #tpu.memory_space<vmem>>
          %dma_wait3A_138 = tpu.memref_squeeze %dma_wait3A_137 : memref<1x128x128xf32, #tpu.memory_space<vmem>> -> memref<128x128xf32, #tpu.memory_space<vmem>>
          %dma_wait3A_139 = arith.constant 0 : i32
          %dma_wait3A_140 = tpu.memref_slice %arg7[%rem3A_60, %mul3A_81, %dma_wait3A_139] : memref<2x16x128xi32, #tpu.memory_space<vmem>> -> memref<1x1x128xi32, #tpu.memory_space<vmem>>
          %dma_wait3A_141 = tpu.memref_squeeze %dma_wait3A_140 : memref<1x1x128xi32, #tpu.memory_space<vmem>> -> memref<128xi32, #tpu.memory_space<vmem>>
          %dma_wait3A_142 = arith.constant 0 : i32
          %dma_wait3A_143 = arith.constant 0 : i32
          %dma_wait3A_144 = tpu.memref_slice %arg13[%dma_wait3A_142, %dma_wait3A_143] : memref<10240x128xf32, #tpu.memory_space<vmem_shared>> -> memref<10240x128xf32, #tpu.memory_space<vmem_shared>>
          tpu.wait_indirect_dma semaphore(%run_scoped3A_124 : memref<!tpu.dma_semaphore, #tpu.memory_space<semaphore_mem>>) src(%dma_wait3A_138 : memref<128x128xf32, #tpu.memory_space<vmem>>) dst(%dma_wait3A_144 : memref<10240x128xf32, #tpu.memory_space<vmem_shared>>)
          tpu.yield
        }) : () -> ()
        %dma_wait3A_107 = arith.constant 1 : i32
        %dma_wait3A_108 = arith.constant 0 : i32
        %dma_wait3A_109 = arith.constant 0 : i32
        %dma_wait3A_110 = tpu.memref_slice %arg8[%dma_wait3A_107, %dma_wait3A_108, %dma_wait3A_109] : memref<2x128x128xf32, #tpu.memory_space<vmem>> -> memref<1x128x128xf32, #tpu.memory_space<vmem>>
        %dma_wait3A_111 = tpu.memref_squeeze %dma_wait3A_110 : memref<1x128x128xf32, #tpu.memory_space<vmem>> -> memref<128x128xf32, #tpu.memory_space<vmem>>
        %dma_wait3A_112 = arith.constant 0 : i32
        %dma_wait3A_113 = tpu.memref_slice %arg6[%rem3A_60, %add3A_85, %dma_wait3A_112] : memref<2x16x128xi32, #tpu.memory_space<vmem>> -> memref<1x1x128xi32, #tpu.memory_space<vmem>>
        %dma_wait3A_114 = tpu.memref_squeeze %dma_wait3A_113 : memref<1x1x128xi32, #tpu.memory_space<vmem>> -> memref<128xi32, #tpu.memory_space<vmem>>
        %dma_wait3A_115 = arith.constant 0 : i32
        %dma_wait3A_116 = arith.constant 0 : i32
        %dma_wait3A_117 = tpu.memref_slice %arg4[%dma_wait3A_115, %dma_wait3A_116] : memref<10000x128xf32, #tpu.memory_space<hbm>> -> memref<10000x128xf32, #tpu.memory_space<hbm>>
        tpu.wait_indirect_dma semaphore(%arg12 : memref<!tpu.dma_semaphore, #tpu.memory_space<semaphore_mem>>) src(%dma_wait3A_117 : memref<10000x128xf32, #tpu.memory_space<hbm>>) dst(%dma_wait3A_111 : memref<128x128xf32, #tpu.memory_space<vmem>>)
        %lt3A_118 = arith.constant 7 : i32
        %lt3A_119 = arith.cmpi slt, %scan3A_79, %lt3A_118 : i32
        %convert_element_type3A_120 = arith.extui %lt3A_119 : i1 to i32
        %cond3A_121 = arith.constant 0 : i32
        %cond3A_122 = arith.cmpi ne, %convert_element_type3A_120, %cond3A_121 : i32
        scf.if %cond3A_122 {
          %add3A_124 = arith.constant 2 : i32
          %add3A_125 = arith.addi %mul3A_81, %add3A_124 : i32
          %dma_start3A_126 = arith.constant 0 : i32
          %dma_start3A_127 = arith.constant 0 : i32
          %dma_start3A_128 = arith.constant 0 : i32
          %dma_start3A_129 = tpu.memref_slice %arg8[%dma_start3A_126, %dma_start3A_127, %dma_start3A_128] : memref<2x128x128xf32, #tpu.memory_space<vmem>> -> memref<1x128x128xf32, #tpu.memory_space<vmem>>
          %dma_start3A_130 = tpu.memref_squeeze %dma_start3A_129 : memref<1x128x128xf32, #tpu.memory_space<vmem>> -> memref<128x128xf32, #tpu.memory_space<vmem>>
          %dma_start3A_131 = arith.constant 0 : i32
          %dma_start3A_132 = tpu.memref_slice %arg6[%rem3A_60, %add3A_125, %dma_start3A_131] : memref<2x16x128xi32, #tpu.memory_space<vmem>> -> memref<1x1x128xi32, #tpu.memory_space<vmem>>
          %dma_start3A_133 = tpu.memref_squeeze %dma_start3A_132 : memref<1x1x128xi32, #tpu.memory_space<vmem>> -> memref<128xi32, #tpu.memory_space<vmem>>
          %dma_start3A_134 = arith.constant 0 : i32
          %dma_start3A_135 = arith.constant 0 : i32
          %dma_start3A_136 = tpu.memref_slice %arg4[%dma_start3A_134, %dma_start3A_135] : memref<10000x128xf32, #tpu.memory_space<hbm>> -> memref<10000x128xf32, #tpu.memory_space<hbm>>
          tpu.enqueue_indirect_dma source(%dma_start3A_136 : memref<10000x128xf32, #tpu.memory_space<hbm>>) target(%dma_start3A_130 : memref<128x128xf32, #tpu.memory_space<vmem>>) offsets(%dma_start3A_133 : memref<128xi32, #tpu.memory_space<vmem>>) semaphore(%arg11 : memref<!tpu.dma_semaphore, #tpu.memory_space<semaphore_mem>>)
        } else {
        }
        %run_scoped3A_123 = arith.constant 1 : i32
        "tpu.region"() ({
          %run_scoped3A_124 = tpu.sem_alloc : memref<!tpu.dma_semaphore, #tpu.memory_space<semaphore_mem>>
          %dma_start3A_125 = arith.constant 0 : i32
          %dma_start3A_126 = arith.constant 0 : i32
          %dma_start3A_127 = tpu.memref_slice %arg8[%run_scoped3A_123, %dma_start3A_125, %dma_start3A_126] : memref<2x128x128xf32, #tpu.memory_space<vmem>> -> memref<1x128x128xf32, #tpu.memory_space<vmem>>
          %dma_start3A_128 = tpu.memref_squeeze %dma_start3A_127 : memref<1x128x128xf32, #tpu.memory_space<vmem>> -> memref<128x128xf32, #tpu.memory_space<vmem>>
          %dma_start3A_129 = arith.constant 0 : i32
          %dma_start3A_130 = tpu.memref_slice %arg7[%rem3A_60, %add3A_85, %dma_start3A_129] : memref<2x16x128xi32, #tpu.memory_space<vmem>> -> memref<1x1x128xi32, #tpu.memory_space<vmem>>
          %dma_start3A_131 = tpu.memref_squeeze %dma_start3A_130 : memref<1x1x128xi32, #tpu.memory_space<vmem>> -> memref<128xi32, #tpu.memory_space<vmem>>
          %dma_start3A_132 = arith.constant 0 : i32
          %dma_start3A_133 = arith.constant 0 : i32
          %dma_start3A_134 = tpu.memref_slice %arg13[%dma_start3A_132, %dma_start3A_133] : memref<10240x128xf32, #tpu.memory_space<vmem_shared>> -> memref<10240x128xf32, #tpu.memory_space<vmem_shared>>
          tpu.enqueue_indirect_dma source(%dma_start3A_128 : memref<128x128xf32, #tpu.memory_space<vmem>>) target(%dma_start3A_134 : memref<10240x128xf32, #tpu.memory_space<vmem_shared>>) offsets(%dma_start3A_131 : memref<128xi32, #tpu.memory_space<vmem>>) semaphore(%run_scoped3A_124 : memref<!tpu.dma_semaphore, #tpu.memory_space<semaphore_mem>>) {add = true}
          %dma_wait3A_135 = arith.constant 0 : i32
          %dma_wait3A_136 = arith.constant 0 : i32
          %dma_wait3A_137 = tpu.memref_slice %arg8[%run_scoped3A_123, %dma_wait3A_135, %dma_wait3A_136] : memref<2x128x128xf32, #tpu.memory_space<vmem>> -> memref<1x128x128xf32, #tpu.memory_space<vmem>>
          %dma_wait3A_138 = tpu.memref_squeeze %dma_wait3A_137 : memref<1x128x128xf32, #tpu.memory_space<vmem>> -> memref<128x128xf32, #tpu.memory_space<vmem>>
          %dma_wait3A_139 = arith.constant 0 : i32
          %dma_wait3A_140 = tpu.memref_slice %arg7[%rem3A_60, %add3A_85, %dma_wait3A_139] : memref<2x16x128xi32, #tpu.memory_space<vmem>> -> memref<1x1x128xi32, #tpu.memory_space<vmem>>
          %dma_wait3A_141 = tpu.memref_squeeze %dma_wait3A_140 : memref<1x1x128xi32, #tpu.memory_space<vmem>> -> memref<128xi32, #tpu.memory_space<vmem>>
          %dma_wait3A_142 = arith.constant 0 : i32
          %dma_wait3A_143 = arith.constant 0 : i32
          %dma_wait3A_144 = tpu.memref_slice %arg13[%dma_wait3A_142, %dma_wait3A_143] : memref<10240x128xf32, #tpu.memory_space<vmem_shared>> -> memref<10240x128xf32, #tpu.memory_space<vmem_shared>>
          tpu.wait_indirect_dma semaphore(%run_scoped3A_124 : memref<!tpu.dma_semaphore, #tpu.memory_space<semaphore_mem>>) src(%dma_wait3A_138 : memref<128x128xf32, #tpu.memory_space<vmem>>) dst(%dma_wait3A_144 : memref<10240x128xf32, #tpu.memory_space<vmem_shared>>)
          tpu.yield
        }) : () -> ()
      }
      %scan3A_72 = arith.constant 8 : i32
      %add3A_73 = arith.constant 1 : i32
      %add3A_74 = arith.addi %while3A_59, %add3A_73 : i32
      %lt3A_75 = arith.cmpi slt, %add3A_74, %select_n3A : i32
      %convert_element_type3A_76 = arith.extui %lt3A_75 : i1 to i32
      %cond3A_77 = arith.constant 0 : i32
      %cond3A_78 = arith.cmpi ne, %convert_element_type3A_76, %cond3A_77 : i32
      scf.if %cond3A_78 {
        %add3A_79 = arith.constant 1 : i32
        %add3A_80 = arith.addi %while3A_59, %add3A_79 : i32
        %mul3A_81 = arith.constant 16 : i32
        %mul3A_82 = arith.muli %add3A_80, %mul3A_81 : i32
        %add3A_83 = arith.addi %select_n3A_8, %mul3A_82 : i32
        %dma_wait3A = arith.constant 0 : i32
        %dma_wait3A_84 = arith.constant 0 : i32
        %dma_wait3A_85 = tpu.memref_slice %arg6[%sub3A_61, %dma_wait3A, %dma_wait3A_84] : memref<2x16x128xi32, #tpu.memory_space<vmem>> -> memref<1x16x128xi32, #tpu.memory_space<vmem>>
        %dma_wait3A_86 = tpu.memref_squeeze %dma_wait3A_85 : memref<1x16x128xi32, #tpu.memory_space<vmem>> -> memref<16x128xi32, #tpu.memory_space<vmem>>
        %dma_wait3A_87 = arith.constant 0 : i32
        %dma_wait3A_88 = tpu.memref_slice %arg2[%add3A_83, %dma_wait3A_87] : memref<2560x128xi32, #tpu.memory_space<hbm>> -> memref<16x128xi32, #tpu.memory_space<hbm>>
        %dma_wait3A_89 = arith.constant 0 : i32
        %dma_wait3A_90 = arith.constant 0 : i32
        %dma_wait3A_91 = tpu.memref_slice %arg6[%sub3A_61, %dma_wait3A_89, %dma_wait3A_90] : memref<2x16x128xi32, #tpu.memory_space<vmem>> -> memref<1x16x128xi32, #tpu.memory_space<vmem>>
        %dma_wait3A_92 = tpu.memref_squeeze %dma_wait3A_91 : memref<1x16x128xi32, #tpu.memory_space<vmem>> -> memref<16x128xi32, #tpu.memory_space<vmem>>
        %dma_wait3A_93 = arith.constant 0 : i32
        %dma_wait3A_94 = tpu.memref_slice %arg2[%add3A_83, %dma_wait3A_93] : memref<2560x128xi32, #tpu.memory_space<hbm>> -> memref<16x128xi32, #tpu.memory_space<hbm>>
        tpu.wait_dma2 semaphore(%arg9 : memref<!tpu.dma_semaphore, #tpu.memory_space<semaphore_mem>>) src(%dma_wait3A_94 : memref<16x128xi32, #tpu.memory_space<hbm>>) dst(%dma_wait3A_92 : memref<16x128xi32, #tpu.memory_space<vmem>>)
        %add3A_95 = arith.constant 1 : i32
        %add3A_96 = arith.addi %while3A_59, %add3A_95 : i32
        %mul3A_97 = arith.constant 16 : i32
        %mul3A_98 = arith.muli %add3A_96, %mul3A_97 : i32
        %add3A_99 = arith.addi %select_n3A_8, %mul3A_98 : i32
        %dma_wait3A_100 = arith.constant 0 : i32
        %dma_wait3A_101 = arith.constant 0 : i32
        %dma_wait3A_102 = tpu.memref_slice %arg7[%sub3A_61, %dma_wait3A_100, %dma_wait3A_101] : memref<2x16x128xi32, #tpu.memory_space<vmem>> -> memref<1x16x128xi32, #tpu.memory_space<vmem>>
        %dma_wait3A_103 = tpu.memref_squeeze %dma_wait3A_102 : memref<1x16x128xi32, #tpu.memory_space<vmem>> -> memref<16x128xi32, #tpu.memory_space<vmem>>
        %dma_wait3A_104 = arith.constant 0 : i32
        %dma_wait3A_105 = tpu.memref_slice %arg3[%add3A_99, %dma_wait3A_104] : memref<2560x128xi32, #tpu.memory_space<hbm>> -> memref<16x128xi32, #tpu.memory_space<hbm>>
        %dma_wait3A_106 = arith.constant 0 : i32
        %dma_wait3A_107 = arith.constant 0 : i32
        %dma_wait3A_108 = tpu.memref_slice %arg7[%sub3A_61, %dma_wait3A_106, %dma_wait3A_107] : memref<2x16x128xi32, #tpu.memory_space<vmem>> -> memref<1x16x128xi32, #tpu.memory_space<vmem>>
        %dma_wait3A_109 = tpu.memref_squeeze %dma_wait3A_108 : memref<1x16x128xi32, #tpu.memory_space<vmem>> -> memref<16x128xi32, #tpu.memory_space<vmem>>
        %dma_wait3A_110 = arith.constant 0 : i32
        %dma_wait3A_111 = tpu.memref_slice %arg3[%add3A_99, %dma_wait3A_110] : memref<2560x128xi32, #tpu.memory_space<hbm>> -> memref<16x128xi32, #tpu.memory_space<hbm>>
        tpu.wait_dma2 semaphore(%arg10 : memref<!tpu.dma_semaphore, #tpu.memory_space<semaphore_mem>>) src(%dma_wait3A_111 : memref<16x128xi32, #tpu.memory_space<hbm>>) dst(%dma_wait3A_109 : memref<16x128xi32, #tpu.memory_space<vmem>>)
        %dma_start3A = arith.constant 0 : i32
        %dma_start3A_112 = arith.constant 0 : i32
        %dma_start3A_113 = arith.constant 0 : i32
        %dma_start3A_114 = arith.constant 0 : i32
        %dma_start3A_115 = tpu.memref_slice %arg8[%dma_start3A_112, %dma_start3A_113, %dma_start3A_114] : memref<2x128x128xf32, #tpu.memory_space<vmem>> -> memref<1x128x128xf32, #tpu.memory_space<vmem>>
        %dma_start3A_116 = tpu.memref_squeeze %dma_start3A_115 : memref<1x128x128xf32, #tpu.memory_space<vmem>> -> memref<128x128xf32, #tpu.memory_space<vmem>>
        %dma_start3A_117 = arith.constant 0 : i32
        %dma_start3A_118 = tpu.memref_slice %arg6[%sub3A_61, %dma_start3A, %dma_start3A_117] : memref<2x16x128xi32, #tpu.memory_space<vmem>> -> memref<1x1x128xi32, #tpu.memory_space<vmem>>
        %dma_start3A_119 = tpu.memref_squeeze %dma_start3A_118 : memref<1x1x128xi32, #tpu.memory_space<vmem>> -> memref<128xi32, #tpu.memory_space<vmem>>
        %dma_start3A_120 = arith.constant 0 : i32
        %dma_start3A_121 = arith.constant 0 : i32
        %dma_start3A_122 = tpu.memref_slice %arg4[%dma_start3A_120, %dma_start3A_121] : memref<10000x128xf32, #tpu.memory_space<hbm>> -> memref<10000x128xf32, #tpu.memory_space<hbm>>
        tpu.enqueue_indirect_dma source(%dma_start3A_122 : memref<10000x128xf32, #tpu.memory_space<hbm>>) target(%dma_start3A_116 : memref<128x128xf32, #tpu.memory_space<vmem>>) offsets(%dma_start3A_119 : memref<128xi32, #tpu.memory_space<vmem>>) semaphore(%arg11 : memref<!tpu.dma_semaphore, #tpu.memory_space<semaphore_mem>>)
      } else {
      }
    }
    %while3A_53 = arith.constant 1 : i32
    scf.for %while3A_59 = %while3A_51 to %while3A_47 step %while3A_53  : i32 {
      %rem3A = arith.constant 2 : i32
      %rem3A_60 = arith.remsi %while3A_59, %rem3A : i32
      %sub3A = arith.constant 1 : i32
      %sub3A_61 = arith.subi %sub3A, %rem3A_60 : i32
      %add3A_62 = arith.constant 1 : i32
      %add3A_63 = arith.addi %while3A_59, %add3A_62 : i32
      %lt3A = arith.cmpi slt, %add3A_63, %select_n3A : i32
      %convert_element_type3A_64 = arith.extui %lt3A : i1 to i32
      %cond3A_65 = arith.constant 0 : i32
      %cond3A_66 = arith.cmpi ne, %convert_element_type3A_64, %cond3A_65 : i32
      scf.if %cond3A_66 {
        %add3A_79 = arith.constant 1 : i32
        %add3A_80 = arith.addi %while3A_59, %add3A_79 : i32
        %mul3A_81 = arith.constant 16 : i32
        %mul3A_82 = arith.muli %add3A_80, %mul3A_81 : i32
        %add3A_83 = arith.addi %select_n3A_8, %mul3A_82 : i32
        %dma_start3A = arith.constant 0 : i32
        %dma_start3A_84 = arith.constant 0 : i32
        %dma_start3A_85 = tpu.memref_slice %arg6[%sub3A_61, %dma_start3A, %dma_start3A_84] : memref<2x16x128xi32, #tpu.memory_space<vmem>> -> memref<1x16x128xi32, #tpu.memory_space<vmem>>
        %dma_start3A_86 = tpu.memref_squeeze %dma_start3A_85 : memref<1x16x128xi32, #tpu.memory_space<vmem>> -> memref<16x128xi32, #tpu.memory_space<vmem>>
        %dma_start3A_87 = arith.constant 0 : i32
        %dma_start3A_88 = tpu.memref_slice %arg2[%add3A_83, %dma_start3A_87] : memref<2560x128xi32, #tpu.memory_space<hbm>> -> memref<16x128xi32, #tpu.memory_space<hbm>>
        %dma_start3A_89 = arith.constant 0 : i32
        %dma_start3A_90 = arith.constant 0 : i32
        %dma_start3A_91 = tpu.memref_slice %arg6[%sub3A_61, %dma_start3A_89, %dma_start3A_90] : memref<2x16x128xi32, #tpu.memory_space<vmem>> -> memref<1x16x128xi32, #tpu.memory_space<vmem>>
        %dma_start3A_92 = tpu.memref_squeeze %dma_start3A_91 : memref<1x16x128xi32, #tpu.memory_space<vmem>> -> memref<16x128xi32, #tpu.memory_space<vmem>>
        %dma_start3A_93 = arith.constant 0 : i32
        %dma_start3A_94 = tpu.memref_slice %arg2[%add3A_83, %dma_start3A_93] : memref<2560x128xi32, #tpu.memory_space<hbm>> -> memref<16x128xi32, #tpu.memory_space<hbm>>
        tpu.enqueue_dma source(%dma_start3A_94 : memref<16x128xi32, #tpu.memory_space<hbm>>) target(%dma_start3A_92 : memref<16x128xi32, #tpu.memory_space<vmem>>) target_semaphore(%arg9 : memref<!tpu.dma_semaphore, #tpu.memory_space<semaphore_mem>>)
        %add3A_95 = arith.constant 1 : i32
        %add3A_96 = arith.addi %while3A_59, %add3A_95 : i32
        %mul3A_97 = arith.constant 16 : i32
        %mul3A_98 = arith.muli %add3A_96, %mul3A_97 : i32
        %add3A_99 = arith.addi %select_n3A_8, %mul3A_98 : i32
        %dma_start3A_100 = arith.constant 0 : i32
        %dma_start3A_101 = arith.constant 0 : i32
        %dma_start3A_102 = tpu.memref_slice %arg7[%sub3A_61, %dma_start3A_100, %dma_start3A_101] : memref<2x16x128xi32, #tpu.memory_space<vmem>> -> memref<1x16x128xi32, #tpu.memory_space<vmem>>
        %dma_start3A_103 = tpu.memref_squeeze %dma_start3A_102 : memref<1x16x128xi32, #tpu.memory_space<vmem>> -> memref<16x128xi32, #tpu.memory_space<vmem>>
        %dma_start3A_104 = arith.constant 0 : i32
        %dma_start3A_105 = tpu.memref_slice %arg3[%add3A_99, %dma_start3A_104] : memref<2560x128xi32, #tpu.memory_space<hbm>> -> memref<16x128xi32, #tpu.memory_space<hbm>>
        %dma_start3A_106 = arith.constant 0 : i32
        %dma_start3A_107 = arith.constant 0 : i32
        %dma_start3A_108 = tpu.memref_slice %arg7[%sub3A_61, %dma_start3A_106, %dma_start3A_107] : memref<2x16x128xi32, #tpu.memory_space<vmem>> -> memref<1x16x128xi32, #tpu.memory_space<vmem>>
        %dma_start3A_109 = tpu.memref_squeeze %dma_start3A_108 : memref<1x16x128xi32, #tpu.memory_space<vmem>> -> memref<16x128xi32, #tpu.memory_space<vmem>>
        %dma_start3A_110 = arith.constant 0 : i32
        %dma_start3A_111 = tpu.memref_slice %arg3[%add3A_99, %dma_start3A_110] : memref<2560x128xi32, #tpu.memory_space<hbm>> -> memref<16x128xi32, #tpu.memory_space<hbm>>
        tpu.enqueue_dma source(%dma_start3A_111 : memref<16x128xi32, #tpu.memory_space<hbm>>) target(%dma_start3A_109 : memref<16x128xi32, #tpu.memory_space<vmem>>) target_semaphore(%arg10 : memref<!tpu.dma_semaphore, #tpu.memory_space<semaphore_mem>>)
      } else {
      }
      %scan3A_67 = arith.constant 0 : i32
      %scan3A_68 = arith.constant 0 : i32
      %scan3A_69 = arith.constant 8 : i32
      %scan3A_70 = arith.addi %scan3A_68, %scan3A_69 : i32
      %scan3A_71 = arith.constant 1 : i32
      scf.for %scan3A_79 = %scan3A_68 to %scan3A_70 step %scan3A_71  : i32 {
        %mul3A_80 = arith.constant 2 : i32
        %mul3A_81 = arith.muli %mul3A_80, %scan3A_79 : i32
        %mul3A_82 = arith.constant 2 : i32
        %mul3A_83 = arith.muli %mul3A_82, %scan3A_79 : i32
        %add3A_84 = arith.constant 1 : i32
        %add3A_85 = arith.addi %mul3A_83, %add3A_84 : i32
        %dma_wait3A = arith.constant 0 : i32
        %dma_wait3A_86 = arith.constant 0 : i32
        %dma_wait3A_87 = arith.constant 0 : i32
        %dma_wait3A_88 = tpu.memref_slice %arg8[%dma_wait3A, %dma_wait3A_86, %dma_wait3A_87] : memref<2x128x128xf32, #tpu.memory_space<vmem>> -> memref<1x128x128xf32, #tpu.memory_space<vmem>>
        %dma_wait3A_89 = tpu.memref_squeeze %dma_wait3A_88 : memref<1x128x128xf32, #tpu.memory_space<vmem>> -> memref<128x128xf32, #tpu.memory_space<vmem>>
        %dma_wait3A_90 = arith.constant 0 : i32
        %dma_wait3A_91 = tpu.memref_slice %arg6[%rem3A_60, %mul3A_81, %dma_wait3A_90] : memref<2x16x128xi32, #tpu.memory_space<vmem>> -> memref<1x1x128xi32, #tpu.memory_space<vmem>>
        %dma_wait3A_92 = tpu.memref_squeeze %dma_wait3A_91 : memref<1x1x128xi32, #tpu.memory_space<vmem>> -> memref<128xi32, #tpu.memory_space<vmem>>
        %dma_wait3A_93 = arith.constant 0 : i32
        %dma_wait3A_94 = arith.constant 0 : i32
        %dma_wait3A_95 = tpu.memref_slice %arg4[%dma_wait3A_93, %dma_wait3A_94] : memref<10000x128xf32, #tpu.memory_space<hbm>> -> memref<10000x128xf32, #tpu.memory_space<hbm>>
        tpu.wait_indirect_dma semaphore(%arg11 : memref<!tpu.dma_semaphore, #tpu.memory_space<semaphore_mem>>) src(%dma_wait3A_95 : memref<10000x128xf32, #tpu.memory_space<hbm>>) dst(%dma_wait3A_89 : memref<128x128xf32, #tpu.memory_space<vmem>>)
        %dma_start3A = arith.constant 1 : i32
        %dma_start3A_96 = arith.constant 0 : i32
        %dma_start3A_97 = arith.constant 0 : i32
        %dma_start3A_98 = tpu.memref_slice %arg8[%dma_start3A, %dma_start3A_96, %dma_start3A_97] : memref<2x128x128xf32, #tpu.memory_space<vmem>> -> memref<1x128x128xf32, #tpu.memory_space<vmem>>
        %dma_start3A_99 = tpu.memref_squeeze %dma_start3A_98 : memref<1x128x128xf32, #tpu.memory_space<vmem>> -> memref<128x128xf32, #tpu.memory_space<vmem>>
        %dma_start3A_100 = arith.constant 0 : i32
        %dma_start3A_101 = tpu.memref_slice %arg6[%rem3A_60, %add3A_85, %dma_start3A_100] : memref<2x16x128xi32, #tpu.memory_space<vmem>> -> memref<1x1x128xi32, #tpu.memory_space<vmem>>
        %dma_start3A_102 = tpu.memref_squeeze %dma_start3A_101 : memref<1x1x128xi32, #tpu.memory_space<vmem>> -> memref<128xi32, #tpu.memory_space<vmem>>
        %dma_start3A_103 = arith.constant 0 : i32
        %dma_start3A_104 = arith.constant 0 : i32
        %dma_start3A_105 = tpu.memref_slice %arg4[%dma_start3A_103, %dma_start3A_104] : memref<10000x128xf32, #tpu.memory_space<hbm>> -> memref<10000x128xf32, #tpu.memory_space<hbm>>
        tpu.enqueue_indirect_dma source(%dma_start3A_105 : memref<10000x128xf32, #tpu.memory_space<hbm>>) target(%dma_start3A_99 : memref<128x128xf32, #tpu.memory_space<vmem>>) offsets(%dma_start3A_102 : memref<128xi32, #tpu.memory_space<vmem>>) semaphore(%arg12 : memref<!tpu.dma_semaphore, #tpu.memory_space<semaphore_mem>>)
        %run_scoped3A_106 = arith.constant 0 : i32
        "tpu.region"() ({
          %run_scoped3A_124 = tpu.sem_alloc : memref<!tpu.dma_semaphore, #tpu.memory_space<semaphore_mem>>
          %dma_start3A_125 = arith.constant 0 : i32
          %dma_start3A_126 = arith.constant 0 : i32
          %dma_start3A_127 = tpu.memref_slice %arg8[%run_scoped3A_106, %dma_start3A_125, %dma_start3A_126] : memref<2x128x128xf32, #tpu.memory_space<vmem>> -> memref<1x128x128xf32, #tpu.memory_space<vmem>>
          %dma_start3A_128 = tpu.memref_squeeze %dma_start3A_127 : memref<1x128x128xf32, #tpu.memory_space<vmem>> -> memref<128x128xf32, #tpu.memory_space<vmem>>
          %dma_start3A_129 = arith.constant 0 : i32
          %dma_start3A_130 = tpu.memref_slice %arg7[%rem3A_60, %mul3A_81, %dma_start3A_129] : memref<2x16x128xi32, #tpu.memory_space<vmem>> -> memref<1x1x128xi32, #tpu.memory_space<vmem>>
          %dma_start3A_131 = tpu.memref_squeeze %dma_start3A_130 : memref<1x1x128xi32, #tpu.memory_space<vmem>> -> memref<128xi32, #tpu.memory_space<vmem>>
          %dma_start3A_132 = arith.constant 0 : i32
          %dma_start3A_133 = arith.constant 0 : i32
          %dma_start3A_134 = tpu.memref_slice %arg13[%dma_start3A_132, %dma_start3A_133] : memref<10240x128xf32, #tpu.memory_space<vmem_shared>> -> memref<10240x128xf32, #tpu.memory_space<vmem_shared>>
          tpu.enqueue_indirect_dma source(%dma_start3A_128 : memref<128x128xf32, #tpu.memory_space<vmem>>) target(%dma_start3A_134 : memref<10240x128xf32, #tpu.memory_space<vmem_shared>>) offsets(%dma_start3A_131 : memref<128xi32, #tpu.memory_space<vmem>>) semaphore(%run_scoped3A_124 : memref<!tpu.dma_semaphore, #tpu.memory_space<semaphore_mem>>) {add = true}
          %dma_wait3A_135 = arith.constant 0 : i32
          %dma_wait3A_136 = arith.constant 0 : i32
          %dma_wait3A_137 = tpu.memref_slice %arg8[%run_scoped3A_106, %dma_wait3A_135, %dma_wait3A_136] : memref<2x128x128xf32, #tpu.memory_space<vmem>> -> memref<1x128x128xf32, #tpu.memory_space<vmem>>
          %dma_wait3A_138 = tpu.memref_squeeze %dma_wait3A_137 : memref<1x128x128xf32, #tpu.memory_space<vmem>> -> memref<128x128xf32, #tpu.memory_space<vmem>>
          %dma_wait3A_139 = arith.constant 0 : i32
          %dma_wait3A_140 = tpu.memref_slice %arg7[%rem3A_60, %mul3A_81, %dma_wait3A_139] : memref<2x16x128xi32, #tpu.memory_space<vmem>> -> memref<1x1x128xi32, #tpu.memory_space<vmem>>
          %dma_wait3A_141 = tpu.memref_squeeze %dma_wait3A_140 : memref<1x1x128xi32, #tpu.memory_space<vmem>> -> memref<128xi32, #tpu.memory_space<vmem>>
          %dma_wait3A_142 = arith.constant 0 : i32
          %dma_wait3A_143 = arith.constant 0 : i32
          %dma_wait3A_144 = tpu.memref_slice %arg13[%dma_wait3A_142, %dma_wait3A_143] : memref<10240x128xf32, #tpu.memory_space<vmem_shared>> -> memref<10240x128xf32, #tpu.memory_space<vmem_shared>>
          tpu.wait_indirect_dma semaphore(%run_scoped3A_124 : memref<!tpu.dma_semaphore, #tpu.memory_space<semaphore_mem>>) src(%dma_wait3A_138 : memref<128x128xf32, #tpu.memory_space<vmem>>) dst(%dma_wait3A_144 : memref<10240x128xf32, #tpu.memory_space<vmem_shared>>)
          tpu.yield
        }) : () -> ()
        %dma_wait3A_107 = arith.constant 1 : i32
        %dma_wait3A_108 = arith.constant 0 : i32
        %dma_wait3A_109 = arith.constant 0 : i32
        %dma_wait3A_110 = tpu.memref_slice %arg8[%dma_wait3A_107, %dma_wait3A_108, %dma_wait3A_109] : memref<2x128x128xf32, #tpu.memory_space<vmem>> -> memref<1x128x128xf32, #tpu.memory_space<vmem>>
        %dma_wait3A_111 = tpu.memref_squeeze %dma_wait3A_110 : memref<1x128x128xf32, #tpu.memory_space<vmem>> -> memref<128x128xf32, #tpu.memory_space<vmem>>
        %dma_wait3A_112 = arith.constant 0 : i32
        %dma_wait3A_113 = tpu.memref_slice %arg6[%rem3A_60, %add3A_85, %dma_wait3A_112] : memref<2x16x128xi32, #tpu.memory_space<vmem>> -> memref<1x1x128xi32, #tpu.memory_space<vmem>>
        %dma_wait3A_114 = tpu.memref_squeeze %dma_wait3A_113 : memref<1x1x128xi32, #tpu.memory_space<vmem>> -> memref<128xi32, #tpu.memory_space<vmem>>
        %dma_wait3A_115 = arith.constant 0 : i32
        %dma_wait3A_116 = arith.constant 0 : i32
        %dma_wait3A_117 = tpu.memref_slice %arg4[%dma_wait3A_115, %dma_wait3A_116] : memref<10000x128xf32, #tpu.memory_space<hbm>> -> memref<10000x128xf32, #tpu.memory_space<hbm>>
        tpu.wait_indirect_dma semaphore(%arg12 : memref<!tpu.dma_semaphore, #tpu.memory_space<semaphore_mem>>) src(%dma_wait3A_117 : memref<10000x128xf32, #tpu.memory_space<hbm>>) dst(%dma_wait3A_111 : memref<128x128xf32, #tpu.memory_space<vmem>>)
        %lt3A_118 = arith.constant 7 : i32
        %lt3A_119 = arith.cmpi slt, %scan3A_79, %lt3A_118 : i32
        %convert_element_type3A_120 = arith.extui %lt3A_119 : i1 to i32
        %cond3A_121 = arith.constant 0 : i32
        %cond3A_122 = arith.cmpi ne, %convert_element_type3A_120, %cond3A_121 : i32
        scf.if %cond3A_122 {
          %add3A_124 = arith.constant 2 : i32
          %add3A_125 = arith.addi %mul3A_81, %add3A_124 : i32
          %dma_start3A_126 = arith.constant 0 : i32
          %dma_start3A_127 = arith.constant 0 : i32
          %dma_start3A_128 = arith.constant 0 : i32
          %dma_start3A_129 = tpu.memref_slice %arg8[%dma_start3A_126, %dma_start3A_127, %dma_start3A_128] : memref<2x128x128xf32, #tpu.memory_space<vmem>> -> memref<1x128x128xf32, #tpu.memory_space<vmem>>
          %dma_start3A_130 = tpu.memref_squeeze %dma_start3A_129 : memref<1x128x128xf32, #tpu.memory_space<vmem>> -> memref<128x128xf32, #tpu.memory_space<vmem>>
          %dma_start3A_131 = arith.constant 0 : i32
          %dma_start3A_132 = tpu.memref_slice %arg6[%rem3A_60, %add3A_125, %dma_start3A_131] : memref<2x16x128xi32, #tpu.memory_space<vmem>> -> memref<1x1x128xi32, #tpu.memory_space<vmem>>
          %dma_start3A_133 = tpu.memref_squeeze %dma_start3A_132 : memref<1x1x128xi32, #tpu.memory_space<vmem>> -> memref<128xi32, #tpu.memory_space<vmem>>
          %dma_start3A_134 = arith.constant 0 : i32
          %dma_start3A_135 = arith.constant 0 : i32
          %dma_start3A_136 = tpu.memref_slice %arg4[%dma_start3A_134, %dma_start3A_135] : memref<10000x128xf32, #tpu.memory_space<hbm>> -> memref<10000x128xf32, #tpu.memory_space<hbm>>
          tpu.enqueue_indirect_dma source(%dma_start3A_136 : memref<10000x128xf32, #tpu.memory_space<hbm>>) target(%dma_start3A_130 : memref<128x128xf32, #tpu.memory_space<vmem>>) offsets(%dma_start3A_133 : memref<128xi32, #tpu.memory_space<vmem>>) semaphore(%arg11 : memref<!tpu.dma_semaphore, #tpu.memory_space<semaphore_mem>>)
        } else {
        }
        %run_scoped3A_123 = arith.constant 1 : i32
        "tpu.region"() ({
          %run_scoped3A_124 = tpu.sem_alloc : memref<!tpu.dma_semaphore, #tpu.memory_space<semaphore_mem>>
          %dma_start3A_125 = arith.constant 0 : i32
          %dma_start3A_126 = arith.constant 0 : i32
          %dma_start3A_127 = tpu.memref_slice %arg8[%run_scoped3A_123, %dma_start3A_125, %dma_start3A_126] : memref<2x128x128xf32, #tpu.memory_space<vmem>> -> memref<1x128x128xf32, #tpu.memory_space<vmem>>
          %dma_start3A_128 = tpu.memref_squeeze %dma_start3A_127 : memref<1x128x128xf32, #tpu.memory_space<vmem>> -> memref<128x128xf32, #tpu.memory_space<vmem>>
          %dma_start3A_129 = arith.constant 0 : i32
          %dma_start3A_130 = tpu.memref_slice %arg7[%rem3A_60, %add3A_85, %dma_start3A_129] : memref<2x16x128xi32, #tpu.memory_space<vmem>> -> memref<1x1x128xi32, #tpu.memory_space<vmem>>
          %dma_start3A_131 = tpu.memref_squeeze %dma_start3A_130 : memref<1x1x128xi32, #tpu.memory_space<vmem>> -> memref<128xi32, #tpu.memory_space<vmem>>
          %dma_start3A_132 = arith.constant 0 : i32
          %dma_start3A_133 = arith.constant 0 : i32
          %dma_start3A_134 = tpu.memref_slice %arg13[%dma_start3A_132, %dma_start3A_133] : memref<10240x128xf32, #tpu.memory_space<vmem_shared>> -> memref<10240x128xf32, #tpu.memory_space<vmem_shared>>
          tpu.enqueue_indirect_dma source(%dma_start3A_128 : memref<128x128xf32, #tpu.memory_space<vmem>>) target(%dma_start3A_134 : memref<10240x128xf32, #tpu.memory_space<vmem_shared>>) offsets(%dma_start3A_131 : memref<128xi32, #tpu.memory_space<vmem>>) semaphore(%run_scoped3A_124 : memref<!tpu.dma_semaphore, #tpu.memory_space<semaphore_mem>>) {add = true}
          %dma_wait3A_135 = arith.constant 0 : i32
          %dma_wait3A_136 = arith.constant 0 : i32
          %dma_wait3A_137 = tpu.memref_slice %arg8[%run_scoped3A_123, %dma_wait3A_135, %dma_wait3A_136] : memref<2x128x128xf32, #tpu.memory_space<vmem>> -> memref<1x128x128xf32, #tpu.memory_space<vmem>>
          %dma_wait3A_138 = tpu.memref_squeeze %dma_wait3A_137 : memref<1x128x128xf32, #tpu.memory_space<vmem>> -> memref<128x128xf32, #tpu.memory_space<vmem>>
          %dma_wait3A_139 = arith.constant 0 : i32
          %dma_wait3A_140 = tpu.memref_slice %arg7[%rem3A_60, %add3A_85, %dma_wait3A_139] : memref<2x16x128xi32, #tpu.memory_space<vmem>> -> memref<1x1x128xi32, #tpu.memory_space<vmem>>
          %dma_wait3A_141 = tpu.memref_squeeze %dma_wait3A_140 : memref<1x1x128xi32, #tpu.memory_space<vmem>> -> memref<128xi32, #tpu.memory_space<vmem>>
          %dma_wait3A_142 = arith.constant 0 : i32
          %dma_wait3A_143 = arith.constant 0 : i32
          %dma_wait3A_144 = tpu.memref_slice %arg13[%dma_wait3A_142, %dma_wait3A_143] : memref<10240x128xf32, #tpu.memory_space<vmem_shared>> -> memref<10240x128xf32, #tpu.memory_space<vmem_shared>>
          tpu.wait_indirect_dma semaphore(%run_scoped3A_124 : memref<!tpu.dma_semaphore, #tpu.memory_space<semaphore_mem>>) src(%dma_wait3A_138 : memref<128x128xf32, #tpu.memory_space<vmem>>) dst(%dma_wait3A_144 : memref<10240x128xf32, #tpu.memory_space<vmem_shared>>)
          tpu.yield
        }) : () -> ()
      }
      %scan3A_72 = arith.constant 8 : i32
      %add3A_73 = arith.constant 1 : i32
      %add3A_74 = arith.addi %while3A_59, %add3A_73 : i32
      %lt3A_75 = arith.cmpi slt, %add3A_74, %select_n3A : i32
      %convert_element_type3A_76 = arith.extui %lt3A_75 : i1 to i32
      %cond3A_77 = arith.constant 0 : i32
      %cond3A_78 = arith.cmpi ne, %convert_element_type3A_76, %cond3A_77 : i32
      scf.if %cond3A_78 {
        %add3A_79 = arith.constant 1 : i32
        %add3A_80 = arith.addi %while3A_59, %add3A_79 : i32
        %mul3A_81 = arith.constant 16 : i32
        %mul3A_82 = arith.muli %add3A_80, %mul3A_81 : i32
        %add3A_83 = arith.addi %select_n3A_8, %mul3A_82 : i32
        %dma_wait3A = arith.constant 0 : i32
        %dma_wait3A_84 = arith.constant 0 : i32
        %dma_wait3A_85 = tpu.memref_slice %arg6[%sub3A_61, %dma_wait3A, %dma_wait3A_84] : memref<2x16x128xi32, #tpu.memory_space<vmem>> -> memref<1x16x128xi32, #tpu.memory_space<vmem>>
        %dma_wait3A_86 = tpu.memref_squeeze %dma_wait3A_85 : memref<1x16x128xi32, #tpu.memory_space<vmem>> -> memref<16x128xi32, #tpu.memory_space<vmem>>
        %dma_wait3A_87 = arith.constant 0 : i32
        %dma_wait3A_88 = tpu.memref_slice %arg2[%add3A_83, %dma_wait3A_87] : memref<2560x128xi32, #tpu.memory_space<hbm>> -> memref<16x128xi32, #tpu.memory_space<hbm>>
        %dma_wait3A_89 = arith.constant 0 : i32
        %dma_wait3A_90 = arith.constant 0 : i32
        %dma_wait3A_91 = tpu.memref_slice %arg6[%sub3A_61, %dma_wait3A_89, %dma_wait3A_90] : memref<2x16x128xi32, #tpu.memory_space<vmem>> -> memref<1x16x128xi32, #tpu.memory_space<vmem>>
        %dma_wait3A_92 = tpu.memref_squeeze %dma_wait3A_91 : memref<1x16x128xi32, #tpu.memory_space<vmem>> -> memref<16x128xi32, #tpu.memory_space<vmem>>
        %dma_wait3A_93 = arith.constant 0 : i32
        %dma_wait3A_94 = tpu.memref_slice %arg2[%add3A_83, %dma_wait3A_93] : memref<2560x128xi32, #tpu.memory_space<hbm>> -> memref<16x128xi32, #tpu.memory_space<hbm>>
        tpu.wait_dma2 semaphore(%arg9 : memref<!tpu.dma_semaphore, #tpu.memory_space<semaphore_mem>>) src(%dma_wait3A_94 : memref<16x128xi32, #tpu.memory_space<hbm>>) dst(%dma_wait3A_92 : memref<16x128xi32, #tpu.memory_space<vmem>>)
        %add3A_95 = arith.constant 1 : i32
        %add3A_96 = arith.addi %while3A_59, %add3A_95 : i32
        %mul3A_97 = arith.constant 16 : i32
        %mul3A_98 = arith.muli %add3A_96, %mul3A_97 : i32
        %add3A_99 = arith.addi %select_n3A_8, %mul3A_98 : i32
        %dma_wait3A_100 = arith.constant 0 : i32
        %dma_wait3A_101 = arith.constant 0 : i32
        %dma_wait3A_102 = tpu.memref_slice %arg7[%sub3A_61, %dma_wait3A_100, %dma_wait3A_101] : memref<2x16x128xi32, #tpu.memory_space<vmem>> -> memref<1x16x128xi32, #tpu.memory_space<vmem>>
        %dma_wait3A_103 = tpu.memref_squeeze %dma_wait3A_102 : memref<1x16x128xi32, #tpu.memory_space<vmem>> -> memref<16x128xi32, #tpu.memory_space<vmem>>
        %dma_wait3A_104 = arith.constant 0 : i32
        %dma_wait3A_105 = tpu.memref_slice %arg3[%add3A_99, %dma_wait3A_104] : memref<2560x128xi32, #tpu.memory_space<hbm>> -> memref<16x128xi32, #tpu.memory_space<hbm>>
        %dma_wait3A_106 = arith.constant 0 : i32
        %dma_wait3A_107 = arith.constant 0 : i32
        %dma_wait3A_108 = tpu.memref_slice %arg7[%sub3A_61, %dma_wait3A_106, %dma_wait3A_107] : memref<2x16x128xi32, #tpu.memory_space<vmem>> -> memref<1x16x128xi32, #tpu.memory_space<vmem>>
        %dma_wait3A_109 = tpu.memref_squeeze %dma_wait3A_108 : memref<1x16x128xi32, #tpu.memory_space<vmem>> -> memref<16x128xi32, #tpu.memory_space<vmem>>
        %dma_wait3A_110 = arith.constant 0 : i32
        %dma_wait3A_111 = tpu.memref_slice %arg3[%add3A_99, %dma_wait3A_110] : memref<2560x128xi32, #tpu.memory_space<hbm>> -> memref<16x128xi32, #tpu.memory_space<hbm>>
        tpu.wait_dma2 semaphore(%arg10 : memref<!tpu.dma_semaphore, #tpu.memory_space<semaphore_mem>>) src(%dma_wait3A_111 : memref<16x128xi32, #tpu.memory_space<hbm>>) dst(%dma_wait3A_109 : memref<16x128xi32, #tpu.memory_space<vmem>>)
        %dma_start3A = arith.constant 0 : i32
        %dma_start3A_112 = arith.constant 0 : i32
        %dma_start3A_113 = arith.constant 0 : i32
        %dma_start3A_114 = arith.constant 0 : i32
        %dma_start3A_115 = tpu.memref_slice %arg8[%dma_start3A_112, %dma_start3A_113, %dma_start3A_114] : memref<2x128x128xf32, #tpu.memory_space<vmem>> -> memref<1x128x128xf32, #tpu.memory_space<vmem>>
        %dma_start3A_116 = tpu.memref_squeeze %dma_start3A_115 : memref<1x128x128xf32, #tpu.memory_space<vmem>> -> memref<128x128xf32, #tpu.memory_space<vmem>>
        %dma_start3A_117 = arith.constant 0 : i32
        %dma_start3A_118 = tpu.memref_slice %arg6[%sub3A_61, %dma_start3A, %dma_start3A_117] : memref<2x16x128xi32, #tpu.memory_space<vmem>> -> memref<1x1x128xi32, #tpu.memory_space<vmem>>
        %dma_start3A_119 = tpu.memref_squeeze %dma_start3A_118 : memref<1x1x128xi32, #tpu.memory_space<vmem>> -> memref<128xi32, #tpu.memory_space<vmem>>
        %dma_start3A_120 = arith.constant 0 : i32
        %dma_start3A_121 = arith.constant 0 : i32
        %dma_start3A_122 = tpu.memref_slice %arg4[%dma_start3A_120, %dma_start3A_121] : memref<10000x128xf32, #tpu.memory_space<hbm>> -> memref<10000x128xf32, #tpu.memory_space<hbm>>
        tpu.enqueue_indirect_dma source(%dma_start3A_122 : memref<10000x128xf32, #tpu.memory_space<hbm>>) target(%dma_start3A_116 : memref<128x128xf32, #tpu.memory_space<vmem>>) offsets(%dma_start3A_119 : memref<128xi32, #tpu.memory_space<vmem>>) semaphore(%arg11 : memref<!tpu.dma_semaphore, #tpu.memory_space<semaphore_mem>>)
      } else {
      }
    }
    %barrier3A_54 = arith.constant 0 : index
    tpu.barrier barrier_id(%barrier3A_54)
    %mul3A_55 = arith.constant 640 : i32
    %mul3A_56 = arith.muli %arg1, %mul3A_55 : i32
    %mul3A_57 = arith.constant 640 : i32
    %mul3A_58 = arith.muli %arg1, %mul3A_57 : i32
    "tpu.region"() ({
      %run_scoped3A_59 = tpu.sem_alloc : memref<!tpu.dma_semaphore, #tpu.memory_space<semaphore_mem>>
      %dma_start3A = arith.constant 0 : i32
      %dma_start3A_60 = tpu.memref_slice %arg5[%arg0, %mul3A_58, %dma_start3A] : memref<2x10240x128xf32, #tpu.memory_space<hbm>> -> memref<1x640x128xf32, #tpu.memory_space<hbm>>
      %dma_start3A_61 = tpu.memref_squeeze %dma_start3A_60 : memref<1x640x128xf32, #tpu.memory_space<hbm>> -> memref<640x128xf32, #tpu.memory_space<hbm>>
      %dma_start3A_62 = arith.constant 0 : i32
      %dma_start3A_63 = tpu.memref_slice %arg13[%mul3A_56, %dma_start3A_62] : memref<10240x128xf32, #tpu.memory_space<vmem_shared>> -> memref<640x128xf32, #tpu.memory_space<vmem_shared>>
      tpu.enqueue_dma source(%dma_start3A_63 : memref<640x128xf32, #tpu.memory_space<vmem_shared>>) target(%dma_start3A_61 : memref<640x128xf32, #tpu.memory_space<hbm>>) target_semaphore(%run_scoped3A_59 : memref<!tpu.dma_semaphore, #tpu.memory_space<semaphore_mem>>)
      %dma_wait3A = arith.constant 0 : i32
      %dma_wait3A_64 = tpu.memref_slice %arg5[%arg0, %mul3A_58, %dma_wait3A] : memref<2x10240x128xf32, #tpu.memory_space<hbm>> -> memref<1x640x128xf32, #tpu.memory_space<hbm>>
      %dma_wait3A_65 = tpu.memref_squeeze %dma_wait3A_64 : memref<1x640x128xf32, #tpu.memory_space<hbm>> -> memref<640x128xf32, #tpu.memory_space<hbm>>
      %dma_wait3A_66 = arith.constant 0 : i32
      %dma_wait3A_67 = tpu.memref_slice %arg13[%mul3A_56, %dma_wait3A_66] : memref<10240x128xf32, #tpu.memory_space<vmem_shared>> -> memref<640x128xf32, #tpu.memory_space<vmem_shared>>
      tpu.wait_dma2 semaphore(%run_scoped3A_59 : memref<!tpu.dma_semaphore, #tpu.memory_space<semaphore_mem>>) src(%dma_wait3A_67 : memref<640x128xf32, #tpu.memory_space<vmem_shared>>) dst(%dma_wait3A_65 : memref<640x128xf32, #tpu.memory_space<hbm>>)
      tpu.yield
    }) : () -> ()
    return
  }
}

module attributes {stable_mosaic.version = 14 : i64} {
  func.func @_mask_body(%arg0: i32, %arg1: memref<256x128xi32, #tpu.memory_space<vmem>>, %arg2: memref<256x128xi32, #tpu.memory_space<vmem>>, %arg3: memref<256x128xi32, #tpu.memory_space<vmem>>) attributes {dimension_semantics = [#tpu.dimension_semantics<arbitrary>], iteration_bounds = array<i64: 10>, scalar_prefetch = 0 : i64, scratch_operands = 0 : i64, tpu.core_type = #tpu.core_type<tc>, window_params = [{transform_indices = @transform_0, window_bounds = array<i64: 256, 128>}, {transform_indices = @transform_1, window_bounds = array<i64: 256, 128>}, {transform_indices = @transform_2, window_bounds = array<i64: 256, 128>}]} {
    %iota3A = tpu.iota {dimensions = array<i32: 1>} : vector<256x128xi32>
    %get3A = arith.constant 0 : index
    %get3A_0 = arith.constant 0 : index
    %get3A_1 = vector.load %arg1[%get3A, %get3A_0] : memref<256x128xi32, #tpu.memory_space<vmem>>, vector<256x128xi32>
    %get3A_2 = arith.constant 0 : index
    %get3A_3 = arith.constant 0 : index
    %get3A_4 = vector.load %arg2[%get3A_2, %get3A_3] : memref<256x128xi32, #tpu.memory_space<vmem>>, vector<256x128xi32>
    %eq3A = arith.cmpi eq, %get3A_1, %get3A_4 : vector<256x128xi32>
    %add3A = arith.constant 10000 : i32
    %add3A_5 = vector.broadcast %add3A : i32 to vector<256x128xi32>
    %add3A_6 = arith.addi %add3A_5, %iota3A : vector<256x128xi32>
    %get3A_7 = arith.constant 0 : index
    %get3A_8 = arith.constant 0 : index
    %get3A_9 = vector.load %arg2[%get3A_7, %get3A_8] : memref<256x128xi32, #tpu.memory_space<vmem>>, vector<256x128xi32>
    %select_n3A = arith.select %eq3A, %add3A_6, %get3A_9 : vector<256x128xi1>, vector<256x128xi32>
    %swap3A = arith.constant 0 : index
    %swap3A_10 = arith.constant 0 : index
    %swap3A_11 = vector.load %arg3[%swap3A, %swap3A_10] : memref<256x128xi32, #tpu.memory_space<vmem>>, vector<256x128xi32>
    tpu.vector_store %arg3[%swap3A, %swap3A_10], %select_n3A {strides = array<i32>} : memref<256x128xi32, #tpu.memory_space<vmem>>, vector<256x128xi32>,
    return
  }
  func.func @transform_0(%arg0: i32) -> (i32, i32) {
    %c0_i32 = arith.constant 0 : i32
    %c0_i32_0 = arith.constant 0 : i32
    return %arg0, %c0_i32 : i32, i32
  }
  func.func @transform_1(%arg0: i32) -> (i32, i32) {
    %c0_i32 = arith.constant 0 : i32
    %c0_i32_0 = arith.constant 0 : i32
    return %arg0, %c0_i32 : i32, i32
  }
  func.func @transform_2(%arg0: i32) -> (i32, i32) {
    %c0_i32 = arith.constant 0 : i32
    %c0_i32_0 = arith.constant 0 : i32
    return %arg0, %c0_i32 : i32, i32
  }
}

module attributes {stable_mosaic.version = 14 : i64} {
  func.func @_linear_body(%arg0: i32, %arg1: memref<400x128xf32, #tpu.memory_space<vmem>>, %arg2: memref<400x1xf32, #tpu.memory_space<vmem>>, %arg3: memref<400x1xf32, #tpu.memory_space<vmem>>, %arg4: memref<128x128xf32, #tpu.memory_space<vmem>>, %arg5: memref<1x128xf32, #tpu.memory_space<vmem>>, %arg6: memref<400x128xf32, #tpu.memory_space<vmem>>, %arg7: memref<400x128xf32, #tpu.memory_space<vmem>>, %arg8: memref<400x1xf32, #tpu.memory_space<vmem>>) attributes {dimension_semantics = [#tpu.dimension_semantics<arbitrary>], iteration_bounds = array<i64: 25>, scalar_prefetch = 0 : i64, scratch_operands = 0 : i64, tpu.core_type = #tpu.core_type<tc>, window_params = [{transform_indices = @transform_0, window_bounds = array<i64: 400, 128>}, {transform_indices = @transform_1, window_bounds = array<i64: 400, 1>}, {transform_indices = @transform_2, window_bounds = array<i64: 400, 1>}, {pipeline_mode = #tpu.pipeline_mode<synchronous>, transform_indices = @transform_3, window_bounds = array<i64: 128, 128>}, {pipeline_mode = #tpu.pipeline_mode<synchronous>, transform_indices = @transform_4, window_bounds = array<i64: 1, 128>}, {transform_indices = @transform_5, window_bounds = array<i64: 400, 128>}, {transform_indices = @transform_6, window_bounds = array<i64: 400, 128>}, {transform_indices = @transform_7, window_bounds = array<i64: 400, 1>}]} {
    %get3A = arith.constant 0 : index
    %get3A_0 = arith.constant 0 : index
    %get3A_1 = vector.load %arg1[%get3A, %get3A_0] : memref<400x128xf32, #tpu.memory_space<vmem>>, vector<400x128xf32>
    %get3A_2 = arith.constant 0 : index
    %get3A_3 = arith.constant 0 : index
    %get3A_4 = vector.load %arg4[%get3A_2, %get3A_3] : memref<128x128xf32, #tpu.memory_space<vmem>>, vector<128x128xf32>
    %dot_general3A = arith.constant dense<0.000000e+00> : vector<400x128xf32>
    %dot_general3A_5 = tpu.matmul %get3A_1, %get3A_4, %dot_general3A {dimension_numbers = #tpu.dot_dimension_numbers<[1], [0], [0], [1], [0, 0, 1, 1], [], []>, transpose_lhs_hint = false} : vector<400x128xf32>, vector<128x128xf32>, vector<400x128xf32> -> vector<400x128xf32>
    %get3A_6 = arith.constant 0 : index
    %get3A_7 = arith.constant 0 : index
    %get3A_8 = vector.load %arg2[%get3A_6, %get3A_7] : memref<400x1xf32, #tpu.memory_space<vmem>>, vector<400x1xf32>
    %add3A = arith.constant 1.000000e+00 : f32
    %add3A_9 = vector.broadcast %add3A : f32 to vector<400x1xf32>
    %add3A_10 = arith.addf %add3A_9, %get3A_8 : vector<400x1xf32>
    %get3A_11 = arith.constant 0 : index
    %get3A_12 = arith.constant 0 : index
    %get3A_13 = vector.load %arg3[%get3A_11, %get3A_12] : memref<400x1xf32, #tpu.memory_space<vmem>>, vector<400x1xf32>
    %add3A_14 = arith.addf %add3A_10, %get3A_13 : vector<400x1xf32>
    %rsqrt3A = math.rsqrt %add3A_14 : vector<400x1xf32>
    %mul3A = vector.broadcast %rsqrt3A : vector<400x1xf32> to vector<400x128xf32>
    %mul3A_15 = arith.mulf %mul3A, %dot_general3A_5 : vector<400x128xf32>
    %swap3A = arith.constant 0 : index
    %swap3A_16 = arith.constant 0 : index
    %swap3A_17 = vector.load %arg6[%swap3A, %swap3A_16] : memref<400x128xf32, #tpu.memory_space<vmem>>, vector<400x128xf32>
    tpu.vector_store %arg6[%swap3A, %swap3A_16], %mul3A_15 {strides = array<i32>} : memref<400x128xf32, #tpu.memory_space<vmem>>, vector<400x128xf32>,
    %div3A = arith.constant 1.000000e+00 : f32
    %div3A_18 = vector.broadcast %div3A : f32 to vector<400x1xf32>
    %div3A_19 = arith.divf %div3A_18, %add3A_14 : vector<400x1xf32>
    %mul3A_20 = vector.broadcast %div3A_19 : vector<400x1xf32> to vector<400x128xf32>
    %mul3A_21 = arith.mulf %dot_general3A_5, %mul3A_20 : vector<400x128xf32>
    %get3A_22 = arith.constant 0 : index
    %get3A_23 = arith.constant 0 : index
    %get3A_24 = vector.load %arg5[%get3A_22, %get3A_23] : memref<1x128xf32, #tpu.memory_space<vmem>>, vector<1x128xf32>
    %add3A_25 = vector.broadcast %get3A_24 : vector<1x128xf32> to vector<400x128xf32>
    %add3A_26 = arith.addf %mul3A_21, %add3A_25 : vector<400x128xf32>
    %swap3A_27 = arith.constant 0 : index
    %swap3A_28 = arith.constant 0 : index
    %swap3A_29 = vector.load %arg7[%swap3A_27, %swap3A_28] : memref<400x128xf32, #tpu.memory_space<vmem>>, vector<400x128xf32>
    tpu.vector_store %arg7[%swap3A_27, %swap3A_28], %add3A_26 {strides = array<i32>} : memref<400x128xf32, #tpu.memory_space<vmem>>, vector<400x128xf32>,
    %swap3A_30 = arith.constant 0 : index
    %swap3A_31 = arith.constant 0 : index
    %swap3A_32 = vector.load %arg8[%swap3A_30, %swap3A_31] : memref<400x1xf32, #tpu.memory_space<vmem>>, vector<400x1xf32>
    tpu.vector_store %arg8[%swap3A_30, %swap3A_31], %rsqrt3A {strides = array<i32>} : memref<400x1xf32, #tpu.memory_space<vmem>>, vector<400x1xf32>,
    return
  }
  func.func @transform_0(%arg0: i32) -> (i32, i32) {
    %c0_i32 = arith.constant 0 : i32
    %c0_i32_0 = arith.constant 0 : i32
    return %arg0, %c0_i32 : i32, i32
  }
  func.func @transform_1(%arg0: i32) -> (i32, i32) {
    %c0_i32 = arith.constant 0 : i32
    %c0_i32_0 = arith.constant 0 : i32
    return %arg0, %c0_i32 : i32, i32
  }
  func.func @transform_2(%arg0: i32) -> (i32, i32) {
    %c0_i32 = arith.constant 0 : i32
    %c0_i32_0 = arith.constant 0 : i32
    return %arg0, %c0_i32 : i32, i32
  }
  func.func @transform_3(%arg0: i32) -> (i32, i32) {
    %c0_i32 = arith.constant 0 : i32
    %c0_i32_0 = arith.constant 0 : i32
    %c0_i32_1 = arith.constant 0 : i32
    return %c0_i32, %c0_i32_0 : i32, i32
  }
  func.func @transform_4(%arg0: i32) -> (i32, i32) {
    %c0_i32 = arith.constant 0 : i32
    %c0_i32_0 = arith.constant 0 : i32
    %c0_i32_1 = arith.constant 0 : i32
    return %c0_i32, %c0_i32_0 : i32, i32
  }
  func.func @transform_5(%arg0: i32) -> (i32, i32) {
    %c0_i32 = arith.constant 0 : i32
    %c0_i32_0 = arith.constant 0 : i32
    return %arg0, %c0_i32 : i32, i32
  }
  func.func @transform_6(%arg0: i32) -> (i32, i32) {
    %c0_i32 = arith.constant 0 : i32
    %c0_i32_0 = arith.constant 0 : i32
    return %arg0, %c0_i32 : i32, i32
  }
  func.func @transform_7(%arg0: i32) -> (i32, i32) {
    %c0_i32 = arith.constant 0 : i32
    %c0_i32_0 = arith.constant 0 : i32
    return %arg0, %c0_i32 : i32, i32
  }
}

module attributes {stable_mosaic.version = 14 : i64} {
  func.func @_final_body(%arg0: i32, %arg1: memref<400x128xf32, #tpu.memory_space<vmem>>, %arg2: memref<400x128xf32, #tpu.memory_space<vmem>>, %arg3: memref<400x128xf32, #tpu.memory_space<vmem>>, %arg4: memref<400x1xf32, #tpu.memory_space<vmem>>, %arg5: memref<400x128xf32, #tpu.memory_space<vmem>>) attributes {dimension_semantics = [#tpu.dimension_semantics<arbitrary>], iteration_bounds = array<i64: 25>, scalar_prefetch = 0 : i64, scratch_operands = 0 : i64, tpu.core_type = #tpu.core_type<tc>, window_params = [{transform_indices = @transform_0, window_bounds = array<i64: 400, 128>}, {transform_indices = @transform_1, window_bounds = array<i64: 400, 128>}, {transform_indices = @transform_2, window_bounds = array<i64: 400, 128>}, {transform_indices = @transform_3, window_bounds = array<i64: 400, 1>}, {transform_indices = @transform_4, window_bounds = array<i64: 400, 128>}]} {
    %get3A = arith.constant 0 : index
    %get3A_0 = arith.constant 0 : index
    %get3A_1 = vector.load %arg4[%get3A, %get3A_0] : memref<400x1xf32, #tpu.memory_space<vmem>>, vector<400x1xf32>
    %get3A_2 = arith.constant 0 : index
    %get3A_3 = arith.constant 0 : index
    %get3A_4 = vector.load %arg1[%get3A_2, %get3A_3] : memref<400x128xf32, #tpu.memory_space<vmem>>, vector<400x128xf32>
    %get3A_5 = arith.constant 0 : index
    %get3A_6 = arith.constant 0 : index
    %get3A_7 = vector.load %arg2[%get3A_5, %get3A_6] : memref<400x128xf32, #tpu.memory_space<vmem>>, vector<400x128xf32>
    %add3A = arith.addf %get3A_4, %get3A_7 : vector<400x128xf32>
    %mul3A = vector.broadcast %get3A_1 : vector<400x1xf32> to vector<400x128xf32>
    %mul3A_8 = arith.mulf %mul3A, %add3A : vector<400x128xf32>
    %get3A_9 = arith.constant 0 : index
    %get3A_10 = arith.constant 0 : index
    %get3A_11 = vector.load %arg3[%get3A_9, %get3A_10] : memref<400x128xf32, #tpu.memory_space<vmem>>, vector<400x128xf32>
    %add3A_12 = arith.addf %mul3A_8, %get3A_11 : vector<400x128xf32>
    %swap3A = arith.constant 0 : index
    %swap3A_13 = arith.constant 0 : index
    %swap3A_14 = vector.load %arg5[%swap3A, %swap3A_13] : memref<400x128xf32, #tpu.memory_space<vmem>>, vector<400x128xf32>
    tpu.vector_store %arg5[%swap3A, %swap3A_13], %add3A_12 {strides = array<i32>} : memref<400x128xf32, #tpu.memory_space<vmem>>, vector<400x128xf32>,
    return
  }
  func.func @transform_0(%arg0: i32) -> (i32, i32) {
    %c0_i32 = arith.constant 0 : i32
    %c0_i32_0 = arith.constant 0 : i32
    return %arg0, %c0_i32 : i32, i32
  }
  func.func @transform_1(%arg0: i32) -> (i32, i32) {
    %c0_i32 = arith.constant 0 : i32
    %c0_i32_0 = arith.constant 0 : i32
    return %arg0, %c0_i32 : i32, i32
  }
  func.func @transform_2(%arg0: i32) -> (i32, i32) {
    %c0_i32 = arith.constant 0 : i32
    %c0_i32_0 = arith.constant 0 : i32
    return %arg0, %c0_i32 : i32, i32
  }
  func.func @transform_3(%arg0: i32) -> (i32, i32) {
    %c0_i32 = arith.constant 0 : i32
    %c0_i32_0 = arith.constant 0 : i32
    return %arg0, %c0_i32 : i32, i32
  }
  func.func @transform_4(%arg0: i32) -> (i32, i32) {
    %c0_i32 = arith.constant 0 : i32
    %c0_i32_0 = arith.constant 0 : i32
    return %arg0, %c0_i32 : i32, i32
  }
}

</mosaic_0001>

<sc_bundles>
// kernel: kernel.10.cloned.1.call-start
scs
__scs_entry_jumppad:
0x0: {  	(pc) =	sbr.rel $0x88, $3  }
0x1: {  	(tag) =	ssettag $0x0;
	lr =	simm.s32 $0x1  }
0x2: {  	[smem:$0x3F9D] =	sst lr;
	_ =	strace $0xD0000000  }
0x3: {  	_ = 	snop  }
0x4: {  	_ = 	snop  }
0x5: {  	_ = 	snop  }
0x6: {  	_ = 	snop  }
0x7: {  	_ = 	snop  }
__scs_overlays_trampoline_lowered:
0x8: {  	[smem:$0x3FAC] =	sst s0  }
0x9: {  	[smem:$0x3FAD] =	sst s1  }
0xa: {  	[smem:$0x3FAE] =	sst s2  }
0xb: {  	[smem:$0x3FAF] =	sst s3  }
0xc: {  	[smem:$0x3FB0] =	sst s4  }
0xd: {  	[smem:$0x3FB1] =	sst s5  }
0xe: {  	[smem:$0x3FB2] =	sst s6  }
0xf: {  	[smem:$0x3FB3] =	sst s7  }
0x10: {  	[smem:$0x3FB4] =	sst s8  }
0x11: {  	[smem:$0x3FB5] =	sst s9;
	s0 =	simm.s32 @!p0 $0x0  }
0x12: {  	s1 =	sld [smem:$0x3F9B];
	s0 =	simm.s32 @p0 $0x1  }
0x13: {  	[smem:$0x3FB6] =	sst s0;
	s0 =	simm.s32 @!p1 $0x0  }
0x14: {  	s2 =	sld [smem:$0x3F9A];
	s0 =	simm.s32 @p1 $0x1  }
0x15: {  	[smem:$0x3FB7] =	sst s0;
	s0 =	simm.s32 @!p2 $0x0  }
0x16: {  	s3 =	sld [smem:$0x3FDB];
	s0 =	simm.s32 @p2 $0x1  }
0x17: {  	s4 =	simm.s32 $0x1BF5;
	[smem:$0x3FB9] =	sst s0  }
0x18: {  	s0 =	sld [smem:$0x3F9C];
	_ =	swait.ge [sflag:s4], $0x0  }
0x19: {  	s7 =	sld [smem:$0x3F9D]  }
0x1a: {  	s8 =	sadd.s32 $0xFFFFE003, lr  }
0x1b: {  	s9 =	sadd.s32 $0xFFFFFEF7, lr;
	s5 =	simm.s32 $0xFFFFFFFF;
	p2 =	slt.u32 s8, $0xFFFFF086  }
0x1c: {  	p1 =	slt.u32 s9, $0xF7A;
	s5 =	simm.s32 @!p2 $0x0  }
0x1d: {  	s5 =	simm.s32 @p1 $0x1;
	p0 =	seq.s32 s7, s2  }
0x1e: {  	s7 =	smul.u32 @!p0 $0xF7A, s2;
	p2 =	seq.s32 @!p0 s5, $0x0  }
0x1f: {  	s9 =	smul.u32 $0xF7A, s1;
	s8 =	simm.s32 @!p0 $0x1BF5;
	p2 =	por !p2, p0  }
0x20: {  	[sflag:s8] =	ssyncset.s32 @!p0 $0xFFFFF086;
	s6 =	sadd.s32 @!p0 s3, s7;
	s7 =	simm.s32 @!p0 $0x108  }
0x21: {  	s3 =	sadd.s32 s3, s9;
	s6 =	sadd.s32 @!p0 $0x88, s6;
	s7 =	simm.s32 @p2 $0x1082  }
0x22: {  	[simem:s7], [sflag:s8] =	dma.local @!p0 [hbm:s6], $0xF7A  }
0x23: {  	s9 =	sor.u32 $0xD0000000, s2;
	s6 =	simm.s32 $0x108;
	_ =	swait.ge @!p0 [sflag:s8], $0x0  }
0x24: {  	s3 =	sadd.s32 $0x88, s3;
	s6 =	simm.s32 @!p1 $0x1082;
	[sflag:s4] =	ssyncset.s32 $0xFFFFF086  }
0x25: {  	[simem:s6], [sflag:s4] =	dma.local [hbm:s3], $0xF7A  }
0x26: {  	[smem:$0x3F9D] =	sst s1;
	(tag) =	ssettag s2;
	_ =	strace s9  }
0x27: {  	s1 =	sld [smem:$0x3FAD]  }
0x28: {  	s2 =	sld [smem:$0x3FAE]  }
0x29: {  	s4 =	sld [smem:$0x3FB0]  }
0x2a: {  	p0 =	seq.s32 s5, $0x0;
	s5 =	sld [smem:$0x3FB1]  }
0x2b: {  	s6 =	sld [smem:$0x3FB2]  }
0x2c: {  	s7 =	sld [smem:$0x3FB3]  }
0x2d: {  	s3 =	simm.s32 $0x108;
	s8 =	sld [smem:$0x3FB4]  }
0x2e: {  	s3 =	simm.s32 @!p0 $0x1082;
	s9 =	sld [smem:$0x3FB5]  }
0x2f: {  	lr =	sadd.s32 s0, s3;
	s0 =	sld [smem:$0x3FAC]  }
0x30: {  	s3 =	sld [smem:$0x3FAF]  }
0x31: {  	[smem:$0x3FB8] =	sst s10  }
0x32: {  	s10 =	sld [smem:$0x3FB6];
	_ =	sdelay $0x3  }
0x33: {  	p0 =	seq.s32 s10, $0x1;
	s10 =	sld [smem:$0x3FB8];
	_ =	sdelay $0x3  }
0x34: {  	[smem:$0x3FB8] =	sst s10  }
0x35: {  	s10 =	sld [smem:$0x3FB7];
	_ =	sdelay $0x3  }
0x36: {  	p1 =	seq.s32 s10, $0x1;
	s10 =	sld [smem:$0x3FB8];
	_ =	sdelay $0x3  }
0x37: {  	[smem:$0x3FB8] =	sst s10  }
0x38: {  	s10 =	sld [smem:$0x3FB9]  }
0x39: {  	_ = 	snop;
	(pc) =	sbr.ind lr, $3  }
0x3a: {  	_ = 	snop  }
0x3b: {  	_ = 	snop  }
0x3c: {  	p2 =	seq.s32 s10, $0x1;
	s10 =	sld [smem:$0x3FB8]  }
0x3d: {  	_ =	shalt  }
0x3e: {  	_ =	shalt  }
0x3f: {  	_ =	shalt  }
0x40: {  	_ =	shalt  }
0x41: {  	_ =	shalt  }
0x42: {  	_ =	shalt  }
0x43: {  	_ =	shalt  }
0x44: {  	_ =	shalt  }
0x45: {  	_ =	shalt  }
0x46: {  	_ =	shalt  }
0x47: {  	_ =	shalt  }
0x48: {  	_ =	shalt  }
0x49: {  	_ =	shalt  }
0x4a: {  	_ =	shalt  }
0x4b: {  	_ =	shalt  }
0x4c: {  	_ =	shalt  }
0x4d: {  	_ =	shalt  }
0x4e: {  	_ =	shalt  }
0x4f: {  	_ =	shalt  }
0x50: {  	_ =	shalt  }
0x51: {  	_ =	shalt  }
0x52: {  	_ =	shalt  }
0x53: {  	_ =	shalt  }
0x54: {  	_ =	shalt  }
0x55: {  	_ =	shalt  }
0x56: {  	_ =	shalt  }
0x57: {  	_ =	shalt  }
0x58: {  	_ =	shalt  }
0x59: {  	_ =	shalt  }
0x5a: {  	_ =	shalt  }
0x5b: {  	_ =	shalt  }
0x5c: {  	_ =	shalt  }
0x5d: {  	_ =	shalt  }
0x5e: {  	_ =	shalt  }
0x5f: {  	_ =	shalt  }
0x60: {  	_ =	shalt  }
0x61: {  	_ =	shalt  }
0x62: {  	_ =	shalt  }
0x63: {  	_ =	shalt  }
0x64: {  	_ =	shalt  }
0x65: {  	_ =	shalt  }
0x66: {  	_ =	shalt  }
0x67: {  	_ =	shalt  }
0x68: {  	_ =	shalt  }
0x69: {  	_ =	shalt  }
0x6a: {  	_ =	shalt  }
0x6b: {  	_ =	shalt  }
0x6c: {  	_ =	shalt  }
0x6d: {  	_ =	shalt  }
0x6e: {  	_ =	shalt  }
0x6f: {  	_ =	shalt  }
0x70: {  	_ =	shalt  }
0x71: {  	_ =	shalt  }
0x72: {  	_ =	shalt  }
0x73: {  	_ =	shalt  }
0x74: {  	_ =	shalt  }
0x75: {  	_ =	shalt  }
0x76: {  	_ =	shalt  }
0x77: {  	_ =	shalt  }
0x78: {  	_ =	shalt  }
0x79: {  	_ =	shalt  }
0x7a: {  	_ =	shalt  }
0x7b: {  	_ =	shalt  }
0x7c: {  	_ =	shalt  }
0x7d: {  	_ =	shalt  }
0x7e: {  	_ =	shalt  }
0x7f: {  	_ =	shalt  }
0x80: {  	_ =	shalt  }
0x81: {  	_ =	shalt  }
0x82: {  	_ =	shalt  }
0x83: {  	_ =	shalt  }
0x84: {  	_ =	shalt  }
0x85: {  	_ =	shalt  }
0x86: {  	_ =	shalt  }
0x87: {  	_ =	shalt  }
.Lfunc_end0:
.L_simem_size_0:
called_computation.1_lowered:
.L_overlay_start_0:
0x88: {  	s2 =	sld [smem:$0x3FD9]  }
0x89: {  	s3 =	sld [smem:$0x3FFE];
	_ =	sdelay $0x1  }
0x8a: {  	s1 =	srdreg.scid  }
0x8b: {  	s0 =	sand.u32 $0x1, s1  }
0x8c: {  	s17 =	sshll.u32 s0, $0xA;
	s2 =	sadd.s32 s3, s2  }
0x8d: {  	s2 =	sadd.s32 s2, s17  }
0x8e: {  	[smem:$0x3FC4] =	sst s2  }
0x8f: {  	_ = 	snop  }
0x90: {  	s2 =	sld [smem:$0x3FD0];
	(tm) =	ssettm $0x1  }
0x91: {  	s18 =	sld [smem:$0x3FFB];
	_ =	sdelay $0x3  }
0x92: {  	_ =	strace s18  }
0x93: {  	s3 =	sld [smem:$0x3FFC];
	_ =	sdelay $0x3  }
0x94: {  	_ =	strace s3  }
0x95: {  	s3 =	sld [smem:$0x3FFD];
	_ =	sdelay $0x3  }
0x96: {  	_ =	strace s3  }
0x97: {  	_ =	strace $0x8FFFFFFF  }
0x98: {  	s19 =	sld [smem:$0x3FDB];
	_ =	sdelay $0x1  }
0x99: {  	s4 =	simm.s32 $_scs_section_size  }
0x9a: {  	s5 =	simm.s32 $_size__tile_overlayer_lowered;
	s6 =	simm.s32 $_tile_overlayer_lowered  }
0x9b: {  	s22 =	simm.s32 $0x1BFF;
	s21 =	sshll.u32 s6, $0x1;
	s3 =	sadd.s32 s4, s19  }
0x9c: {  	s7 =	simm.s32 $0x0;
	s20 =	sshll.u32 s5, $0x1;
	s5 =	sadd.s32 s21, s3  }
0x9d: {  	[timem:s7], [sflag:s22] =	dma.local [hbm:s5], s20  }
0x9e: {  	_ =	swait.ge [sflag:s22], s20  }
0x9f: {  	s4 =	ssub.s32 $0x0, s20;
	[sflag:s22] =	ssyncset.done $0x0  }
0xa0: {  	[sflag:s22] =	ssyncadd.s32 s4;
	_ =	sdelay $0x1  }
0xa1: {  	s23 =	simm.s32 $0x1B8B  }
0xa2: {  	_ =	swait.ge [sflag:s23], $0x1  }
0xa3: {  	[sflag:s23] =	ssyncset.done $0x0  }
0xa4: {  	s25 =	simm.s32 $0x1B8E;
	s24 =	sld [smem:$0x3FFE];
	[sflag:s23] =	ssyncadd.s32 $0xFFFFFFFF  }
0xa5: {  	s26 =	simm.s32 $execute0_lowered;
	[smem:$0x3FD2] =	sst s25  }
0xa6: {  	s5 =	sshll.u32 s26, $0x1;
	_ =	strace $0x80000049;
	[dreg:$0x1] =	wrdreg $0xFFFFFFFF  }
0xa7: {  	s28 =	simm.s32 $_size_execute0_lowered;
	s3 =	sadd.s32 s3, s5;
	[dreg:$0x0] =	wrdreg $0x0  }
0xa8: {  	s5 =	sshll.u32 s28, $0x1;
	[dreg:$0x2] =	wrdreg s3  }
0xa9: {  	[dreg:$0x3] =	wrdreg s5  }
0xaa: {  	[dreg:$0x4] =	wrdreg $0xC0  }
0xab: {  	_ =	task [dreg:s7], $0x5FFFF  }
0xac: {  	[dreg:$0x1] =	wrdreg $0xFFFFFFFF  }
0xad: {  	[dreg:$0x0] =	wrdreg $0x60  }
0xae: {  	[dreg:$0x2] =	wrdreg s24  }
0xaf: {  	[dreg:$0x3] =	wrdreg s2  }
0xb0: {  	[dreg:$0x4] =	wrdreg $0xA0000  }
0xb1: {  	[dreg:$0x5] =	wrdreg $0x9  }
0xb2: {  	_ =	task.clear_ibuf [dreg:s7], $0x6FFFF;
	_ =	strace $0x90000049  }
0xb3: {  	s29 =	simm.s32 $0x9;
	_ =	strace $0x8000004B  }
0xb4: {  	_ =	swait.ge [sflag:s29], $0x1  }
0xb5: {  	[sflag:s29] =	ssyncadd.s32 $0xFFFFFFFF  }
0xb6: {  	_ =	strace $0x9000004B  }
0xb7: {  	_ =	sfence  }
0xb8: {  	s30 =	sld [smem:$0x0];
	_ =	sdelay $0x2  }
0xb9: {  	s31 =	sshll.u32 s1, $0xD;
	s1 =	sshrl.u32 s1, $0x2  }
0xba: {  	s3 =	sand.u32 $0x4000, s31;
	s1 =	sadd.s32 s1, s30  }
0xbb: {  	s0 =	sor.u32 s3, s0;
	s1 =	sshll.u32 s1, $0x11  }
0xbc: {  	s0 =	sor.u32 s1, s0  }
0xbd: {  	s0 =	sadd.s32 $0x8F2B, s0  }
0xbe: {  	[sflag:s0] =	ssyncadd.remote.s32 $0x1  }
0xbf: {  	_ =	sfence.sel $0xFFFF  }
0xc0: {  	[dreg:$0x0] =	wrdreg $0xFFFFFFFF;
	(pc) =	sbr.abs _section_cstart, $3  }
0xc1: {  	[dreg:$0x1] =	wrdreg $0xFFFFFFFF  }
0xc2: {  	_ =	task.clear_ibuf [dreg:s7], $0x2FFFF;
	_ =	strace $0x9FFFFFFF  }
0xc3: {  	(tm) =	ssettm $0x7FFFFFFF  }
tec
execute0_lowered:
.L_overlay_start_1:
0x0: {  	(tag) =	ssettag $0x1  }
0x1: {  	s0 =	rddreg [dreg:$0x0]  }
0x2: {  	s2 =	rddreg [dreg:$0x1]  }
0x3: {  	s3 =	rddreg [dreg:$0x2];
	s1 =	srdreg.scid  }
0x4: {  	s10 =	stileid.u32;
	s4 =	simm.s32 $0x0;
	s18 =	simm.s32 $0x2000  }
0x5: {  	s19 =	simm.s32 $0x5;
	s21 =	simm.s32 $0x80;
	s6 =	smul.u32 $0x60, s10  }
0x6: {  	s22 =	simm.s32 $0x3;
	s23 =	simm.s32 $0x6000;
	s9 =	smul.u32 $0x14000, s10  }
0x7: {  	s24 =	simm.s32 $0x4;
	s1 =	sand.u32 $0x1, s1;
	s26 =	smul.u32 $0x50000, s10  }
0x8: {  	[smem:$0x7FF] =	sst s4;
	s5 =	sshll.u32 s10, $0x6;
	s7 =	smul.u32 $0x140000, s1  }
0x9: {  	p0 =	seq.s32 s1, $0x0;
	s8 =	sadd.s32 $0x600, s5;
	s1 =	ssub.s32 $0x2, s1  }
0xa: {  	_ =	strace $0x8000004A;
	s8 =	smov.u32 @p0 s6;
	s29 =	sshrl.u32 s1, $0x1  }
0xb: {  	s30 =	sshrl.u32 s26, $0x2;
	s6 =	sshll.u32 s8, $0x4;
	s7 =	sadd.s32 s9, s7  }
0xc: {  	s1 =	ssub.s32 s1, s29;
	s17 =	sadd.s32 s6, s0;
	s28 =	sshrl.u32 s7, $0x3  }
0xd: {  	s6 =	simm.s32 $0x6;
	s7 =	sadd.s32 s30, s3;
	s15 =	smax.u32 s1, $0x1  }
0xe: {  	s0 =	sadd.s32 s28, s0;
	s6 =	simm.s32 @!p0 $0x4;
	s31 =	sadd.s32 $0x4000, s7  }
0xf: {  	s9 =	sadd.s32 $0x8000, s7;
	s10 =	sadd.s32 $0xC000, s7;
	s11 =	sadd.s32 $0x10000, s7  }
0x10: {  	s12 =	sadd.s32 $0xBA00, s17;
	s13 =	sadd.s32 $0x16A00, s17;
	s16 =	sadd.s32 $0x16B00, s17  }
0x11: {  	v0 =	vimm.f32 $0.0e+00;
	s17 =	sadd.s32 $0xBB00, s17;
	[dreg:$0x4] =	wrdreg s31;
	s14 =	sadd.s32 $0x20A00, s0  }
.LBB2_1:
0x12: {  	s0 =	simm.s32 $0x0;
	s1 =	simm.s32 $0x200  }
.LBB2_2:
0x13: {  	p0 =	sne.s32 s1, $0xFE00;
	[tilespmem:s0+$0x2070] =	vst v0  }
0x14: {  	[tilespmem:s0+$0x2000] =	vst v0  }
0x15: {  	[tilespmem:s0+$0x2010] =	vst v0  }
.Ltmp0:
0x16: {  	[tilespmem:s0+$0x2020] =	vst v0;
	(pc) =	sbr.rel @p0 .LBB2_2-.Ltmp0, $4  }
0x17: {  	[tilespmem:s0+$0x2030] =	vst v0  }
0x18: {  	[tilespmem:s0+$0x2040] =	vst v0  }
0x19: {  	[tilespmem:s0+$0x2050] =	vst v0  }
0x1a: {  	[tilespmem:s0+$0x2060] =	vst v0;
	s0 =	sshra.s32 s1, $0x2;
	s1 =	sadd.s32 $0x200, s1  }
0x1b: {  	[tilespmem:s0+$0x2070] =	vst v0  }
0x1c: {  	[tilespmem:s0+$0x2000] =	vst v0  }
0x1d: {  	[tilespmem:s0+$0x2010] =	vst v0  }
0x1e: {  	[tilespmem:s0+$0x2020] =	vst v0  }
0x1f: {  	[tilespmem:s0+$0x2030] =	vst v0  }
0x20: {  	[tilespmem:s0+$0x2040] =	vst v0  }
0x21: {  	[tilespmem:s0+$0x2050] =	vst v0  }
0x22: {  	[tilespmem:s0+$0x2060] =	vst v0  }
0x23: {  	[spmem:s7] =	stream.linear.scatter [tilespmem:s18], [sflag:$0x5], $0x4000, $0x38;
	[tilespmem:$0x1E000] =	vst v63  }
0x24: {  	_ =	swait.ge [sflag:s19], $0x4000  }
0x25: {  	[sflag:s19] =	ssyncset.done $0x0  }
0x26: {  	s28 =	rddreg [dreg:$0x4];
	[sflag:s19] =	ssyncadd.s32 $0xFFFFC000  }
0x27: {  	[spmem:s28] =	stream.linear.scatter [tilespmem:s18], [sflag:$0x5], $0x4000, $0x38;
	[tilespmem:$0x1E000] =	vst v63  }
0x28: {  	_ =	swait.ge [sflag:s19], $0x4000  }
0x29: {  	[sflag:s19] =	ssyncset.done $0x0  }
0x2a: {  	[sflag:s19] =	ssyncadd.s32 $0xFFFFC000  }
0x2b: {  	[spmem:s9] =	stream.linear.scatter [tilespmem:s18], [sflag:$0x5], $0x4000, $0x38;
	[tilespmem:$0x1E000] =	vst v63  }
0x2c: {  	_ =	swait.ge [sflag:s19], $0x4000  }
0x2d: {  	[sflag:s19] =	ssyncset.done $0x0  }
0x2e: {  	[sflag:s19] =	ssyncadd.s32 $0xFFFFC000  }
0x2f: {  	[spmem:s10] =	stream.linear.scatter [tilespmem:s18], [sflag:$0x5], $0x4000, $0x38;
	[tilespmem:$0x1E000] =	vst v63  }
0x30: {  	_ =	swait.ge [sflag:s19], $0x4000  }
0x31: {  	[sflag:s19] =	ssyncset.done $0x0  }
0x32: {  	[sflag:s19] =	ssyncadd.s32 $0xFFFFC000  }
0x33: {  	[spmem:s11] =	stream.linear.scatter [tilespmem:s18], [sflag:$0x5], $0x4000, $0x38;
	[tilespmem:$0x1E000] =	vst v63  }
0x34: {  	_ =	swait.ge [sflag:s19], $0x4000  }
0x35: {  	[sflag:s19] =	ssyncset.done $0x0  }
0x36: {  	s29 =	simm.s32 $0x0;
	[sflag:s19] =	ssyncadd.s32 $0xFFFFC000  }
0x37: {  	[tilespmem:s29], [sflag:$0x5] =	stream.linear.gather [hbm4b:s12+s29], $0x800, $0x38;
	[tilespmem:$0x1E000] =	vst v63  }
0x38: {  	_ =	swait.ge [sflag:s19], $0x800  }
0x39: {  	[sflag:s19] =	ssyncset.done $0x0  }
0x3a: {  	s1 =	simm.s32 $0x1000;
	p0 =	sne.s32 s6, $0x1;
	[sflag:s19] =	ssyncadd.s32 $0xFFFFF800  }
0x3b: {  	[tilespmem:s1], [sflag:$0x5] =	stream.linear.gather [hbm4b:s13+s29], $0x800, $0x38;
	[tilespmem:$0x1E000] =	vst v63  }
.Ltmp1:
0x3c: {  	_ =	swait.ge [sflag:s19], $0x800;
	(pc) =	sbr.rel @!p0 .LBB2_4-.Ltmp1, $4  }
0x3d: {  	[sflag:s19] =	ssyncset.done $0x0  }
0x3e: {  	s30 =	simm.s32 $0x1;
	p3 =	sle.u32 s6, $0x1;
	[sflag:s19] =	ssyncadd.s32 $0xFFFFF800  }
0x3f: {  	p1 =	por $0x0, $0x0;
	s31 =	sand.u32 $0x1, s29;
	[bflag:$0x0] =	sbarrier.arrive $0xFFFF  }
0x40: {  	[tilespmem:s18], [sflag:$0x3] =	stream.indirect.gather [hbm4b:s2+s21], $0x80, s29, s21, $0xb8;
	[tilespmem:$0x1E000] =	vst v63  }
0x41: {  	s0 =	sxor.u32 $0x1, s31  }
0x42: {  	s25 =	sshll.u32 @!p3 s0, $0xB;
	s0 =	simm.s32 @!p3 $0x0  }
0x43: {  	[tilespmem:s25], [sflag:$0x1] =	stream.linear.gather @!p3 [hbm4b:s17+s0], $0x800, $0x38;
	[tilespmem:$0x1E000] =	vst v63  }
0x44: {  	p0 =	por p3, p3;
	s1 =	sor.u32 @!p3 $0x1000, s25  }
0x45: {  	[tilespmem:s1], [sflag:$0x2] =	stream.linear.gather @!p0 [hbm4b:s16+s0], $0x800, $0x38;
	[tilespmem:$0x1E000] =	vst v63  }
0x46: {  	_ =	swait.ge [sflag:s22], $0x4000  }
0x47: {  	s26 =	sshll.u32 s31, $0xB;
	[sflag:s22] =	ssyncset.done $0x0  }
0x48: {  	s1 =	sor.u32 $0x80, s26;
	[sflag:s22] =	ssyncadd.s32 $0xFFFFC000  }
0x49: {  	[tilespmem:s23], [sflag:$0x4] =	stream.indirect.gather [hbm4b:s2+s21], $0x80, s1, s21, $0xb8;
	[tilespmem:$0x1E000] =	vst v63  }
0x4a: {  	s8 =	sor.u32 $0x1000, s26  }
0x4b: {  	[spmem:s3] =	stream.indirect.scatter.add.f32 [tilespmem:s18], [sflag:$0x5], $0x80, s8, s21, $0xb8;
	[tilespmem:$0x1E000] =	vst v63  }
0x4c: {  	_ =	swait.ge [sflag:s19], $0x4000  }
0x4d: {  	[sflag:s19] =	ssyncset.done $0x0  }
0x4e: {  	[sflag:s19] =	ssyncadd.s32 $0xFFFFC000  }
0x4f: {  	_ =	swait.ge [sflag:s24], $0x4000  }
0x50: {  	[sflag:s24] =	ssyncset.done $0x0  }
0x51: {  	s20 =	sor.u32 $0x100, s26;
	[sflag:s24] =	ssyncadd.s32 $0xFFFFC000  }
0x52: {  	[tilespmem:s18], [sflag:$0x3] =	stream.indirect.gather [hbm4b:s2+s21], $0x80, s20, s21, $0xb8;
	[tilespmem:$0x1E000] =	vst v63  }
0x53: {  	s1 =	sor.u32 $0x1080, s26  }
0x54: {  	[spmem:s3] =	stream.indirect.scatter.add.f32 [tilespmem:s23], [sflag:$0x5], $0x80, s1, s21, $0xb8;
	[tilespmem:$0x1E000] =	vst v63  }
0x55: {  	_ =	swait.ge [sflag:s19], $0x4000  }
0x56: {  	[sflag:s19] =	ssyncset.done $0x0  }
0x57: {  	[sflag:s19] =	ssyncadd.s32 $0xFFFFC000  }
0x58: {  	_ =	swait.ge [sflag:s22], $0x4000  }
0x59: {  	[sflag:s22] =	ssyncset.done $0x0  }
0x5a: {  	s8 =	sor.u32 $0x180, s26;
	[sflag:s22] =	ssyncadd.s32 $0xFFFFC000  }
0x5b: {  	[tilespmem:s23], [sflag:$0x4] =	stream.indirect.gather [hbm4b:s2+s21], $0x80, s8, s21, $0xb8;
	[tilespmem:$0x1E000] =	vst v63  }
0x5c: {  	s20 =	sor.u32 $0x1100, s26  }
0x5d: {  	[spmem:s3] =	stream.indirect.scatter.add.f32 [tilespmem:s18], [sflag:$0x5], $0x80, s20, s21, $0xb8;
	[tilespmem:$0x1E000] =	vst v63  }
0x5e: {  	_ =	swait.ge [sflag:s19], $0x4000  }
0x5f: {  	[sflag:s19] =	ssyncset.done $0x0  }
0x60: {  	[sflag:s19] =	ssyncadd.s32 $0xFFFFC000  }
0x61: {  	_ =	swait.ge [sflag:s24], $0x4000  }
0x62: {  	[sflag:s24] =	ssyncset.done $0x0  }
0x63: {  	s1 =	sor.u32 $0x200, s26;
	[sflag:s24] =	ssyncadd.s32 $0xFFFFC000  }
0x64: {  	[tilespmem:s18], [sflag:$0x3] =	stream.indirect.gather [hbm4b:s2+s21], $0x80, s1, s21, $0xb8;
	[tilespmem:$0x1E000] =	vst v63  }
0x65: {  	s8 =	sor.u32 $0x1180, s26  }
0x66: {  	[spmem:s3] =	stream.indirect.scatter.add.f32 [tilespmem:s23], [sflag:$0x5], $0x80, s8, s21, $0xb8;
	[tilespmem:$0x1E000] =	vst v63  }
0x67: {  	_ =	swait.ge [sflag:s19], $0x4000  }
0x68: {  	[sflag:s19] =	ssyncset.done $0x0  }
0x69: {  	[sflag:s19] =	ssyncadd.s32 $0xFFFFC000  }
0x6a: {  	_ =	swait.ge [sflag:s22], $0x4000  }
0x6b: {  	[sflag:s22] =	ssyncset.done $0x0  }
0x6c: {  	s20 =	sor.u32 $0x280, s26;
	[sflag:s22] =	ssyncadd.s32 $0xFFFFC000  }
0x6d: {  	[tilespmem:s23], [sflag:$0x4] =	stream.indirect.gather [hbm4b:s2+s21], $0x80, s20, s21, $0xb8;
	[tilespmem:$0x1E000] =	vst v63  }
0x6e: {  	s1 =	sor.u32 $0x1200, s26  }
0x6f: {  	[spmem:s3] =	stream.indirect.scatter.add.f32 [tilespmem:s18], [sflag:$0x5], $0x80, s1, s21, $0xb8;
	[tilespmem:$0x1E000] =	vst v63  }
0x70: {  	_ =	swait.ge [sflag:s19], $0x4000  }
0x71: {  	[sflag:s19] =	ssyncset.done $0x0  }
0x72: {  	[sflag:s19] =	ssyncadd.s32 $0xFFFFC000  }
0x73: {  	_ =	swait.ge [sflag:s24], $0x4000  }
0x74: {  	[sflag:s24] =	ssyncset.done $0x0  }
0x75: {  	s8 =	sor.u32 $0x300, s26;
	[sflag:s24] =	ssyncadd.s32 $0xFFFFC000  }
0x76: {  	[tilespmem:s18], [sflag:$0x3] =	stream.indirect.gather [hbm4b:s2+s21], $0x80, s8, s21, $0xb8;
	[tilespmem:$0x1E000] =	vst v63  }
0x77: {  	s20 =	sor.u32 $0x1280, s26  }
0x78: {  	[spmem:s3] =	stream.indirect.scatter.add.f32 [tilespmem:s23], [sflag:$0x5], $0x80, s20, s21, $0xb8;
	[tilespmem:$0x1E000] =	vst v63  }
0x79: {  	_ =	swait.ge [sflag:s19], $0x4000  }
0x7a: {  	[sflag:s19] =	ssyncset.done $0x0  }
0x7b: {  	[sflag:s19] =	ssyncadd.s32 $0xFFFFC000  }
0x7c: {  	_ =	swait.ge [sflag:s22], $0x4000  }
0x7d: {  	[sflag:s22] =	ssyncset.done $0x0  }
0x7e: {  	s1 =	sor.u32 $0x380, s26;
	[sflag:s22] =	ssyncadd.s32 $0xFFFFC000  }
0x7f: {  	[tilespmem:s23], [sflag:$0x4] =	stream.indirect.gather [hbm4b:s2+s21], $0x80, s1, s21, $0xb8;
	[tilespmem:$0x1E000] =	vst v63  }
0x80: {  	s8 =	sor.u32 $0x1300, s26  }
0x81: {  	[spmem:s3] =	stream.indirect.scatter.add.f32 [tilespmem:s18], [sflag:$0x5], $0x80, s8, s21, $0xb8;
	[tilespmem:$0x1E000] =	vst v63  }
0x82: {  	_ =	swait.ge [sflag:s19], $0x4000  }
0x83: {  	[sflag:s19] =	ssyncset.done $0x0  }
0x84: {  	[sflag:s19] =	ssyncadd.s32 $0xFFFFC000  }
0x85: {  	_ =	swait.ge [sflag:s24], $0x4000  }
0x86: {  	[sflag:s24] =	ssyncset.done $0x0  }
0x87: {  	s20 =	sor.u32 $0x400, s26;
	[sflag:s24] =	ssyncadd.s32 $0xFFFFC000  }
0x88: {  	[tilespmem:s18], [sflag:$0x3] =	stream.indirect.gather [hbm4b:s2+s21], $0x80, s20, s21, $0xb8;
	[tilespmem:$0x1E000] =	vst v63  }
0x89: {  	s1 =	sor.u32 $0x1380, s26  }
0x8a: {  	[spmem:s3] =	stream.indirect.scatter.add.f32 [tilespmem:s23], [sflag:$0x5], $0x80, s1, s21, $0xb8;
	[tilespmem:$0x1E000] =	vst v63  }
0x8b: {  	_ =	swait.ge [sflag:s19], $0x4000  }
0x8c: {  	[sflag:s19] =	ssyncset.done $0x0  }
0x8d: {  	[sflag:s19] =	ssyncadd.s32 $0xFFFFC000  }
0x8e: {  	_ =	swait.ge [sflag:s22], $0x4000  }
0x8f: {  	[sflag:s22] =	ssyncset.done $0x0  }
0x90: {  	s8 =	sor.u32 $0x480, s26;
	[sflag:s22] =	ssyncadd.s32 $0xFFFFC000  }
0x91: {  	[tilespmem:s23], [sflag:$0x4] =	stream.indirect.gather [hbm4b:s2+s21], $0x80, s8, s21, $0xb8;
	[tilespmem:$0x1E000] =	vst v63  }
0x92: {  	s20 =	sor.u32 $0x1400, s26  }
0x93: {  	[spmem:s3] =	stream.indirect.scatter.add.f32 [tilespmem:s18], [sflag:$0x5], $0x80, s20, s21, $0xb8;
	[tilespmem:$0x1E000] =	vst v63  }
0x94: {  	_ =	swait.ge [sflag:s19], $0x4000  }
0x95: {  	[sflag:s19] =	ssyncset.done $0x0  }
0x96: {  	[sflag:s19] =	ssyncadd.s32 $0xFFFFC000  }
0x97: {  	_ =	swait.ge [sflag:s24], $0x4000  }
0x98: {  	[sflag:s24] =	ssyncset.done $0x0  }
0x99: {  	s1 =	sor.u32 $0x500, s26;
	[sflag:s24] =	ssyncadd.s32 $0xFFFFC000  }
0x9a: {  	[tilespmem:s18], [sflag:$0x3] =	stream.indirect.gather [hbm4b:s2+s21], $0x80, s1, s21, $0xb8;
	[tilespmem:$0x1E000] =	vst v63  }
0x9b: {  	s8 =	sor.u32 $0x1480, s26  }
0x9c: {  	[spmem:s3] =	stream.indirect.scatter.add.f32 [tilespmem:s23], [sflag:$0x5], $0x80, s8, s21, $0xb8;
	[tilespmem:$0x1E000] =	vst v63  }
0x9d: {  	_ =	swait.ge [sflag:s19], $0x4000  }
0x9e: {  	[sflag:s19] =	ssyncset.done $0x0  }
0x9f: {  	[sflag:s19] =	ssyncadd.s32 $0xFFFFC000  }
0xa0: {  	_ =	swait.ge [sflag:s22], $0x4000  }
0xa1: {  	[sflag:s22] =	ssyncset.done $0x0  }
0xa2: {  	s20 =	sor.u32 $0x580, s26;
	[sflag:s22] =	ssyncadd.s32 $0xFFFFC000  }
0xa3: {  	[tilespmem:s23], [sflag:$0x4] =	stream.indirect.gather [hbm4b:s2+s21], $0x80, s20, s21, $0xb8;
	[tilespmem:$0x1E000] =	vst v63  }
0xa4: {  	s1 =	sor.u32 $0x1500, s26  }
0xa5: {  	[spmem:s3] =	stream.indirect.scatter.add.f32 [tilespmem:s18], [sflag:$0x5], $0x80, s1, s21, $0xb8;
	[tilespmem:$0x1E000] =	vst v63  }
0xa6: {  	_ =	swait.ge [sflag:s19], $0x4000  }
0xa7: {  	[sflag:s19] =	ssyncset.done $0x0  }
0xa8: {  	[sflag:s19] =	ssyncadd.s32 $0xFFFFC000  }
0xa9: {  	_ =	swait.ge [sflag:s24], $0x4000  }
0xaa: {  	[sflag:s24] =	ssyncset.done $0x0  }
0xab: {  	s8 =	sor.u32 $0x600, s26;
	[sflag:s24] =	ssyncadd.s32 $0xFFFFC000  }
0xac: {  	[tilespmem:s18], [sflag:$0x3] =	stream.indirect.gather [hbm4b:s2+s21], $0x80, s8, s21, $0xb8;
	[tilespmem:$0x1E000] =	vst v63  }
0xad: {  	s20 =	sor.u32 $0x1580, s26  }
0xae: {  	[spmem:s3] =	stream.indirect.scatter.add.f32 [tilespmem:s23], [sflag:$0x5], $0x80, s20, s21, $0xb8;
	[tilespmem:$0x1E000] =	vst v63  }
0xaf: {  	_ =	swait.ge [sflag:s19], $0x4000  }
0xb0: {  	[sflag:s19] =	ssyncset.done $0x0  }
0xb1: {  	[sflag:s19] =	ssyncadd.s32 $0xFFFFC000  }
0xb2: {  	_ =	swait.ge [sflag:s22], $0x4000  }
0xb3: {  	[sflag:s22] =	ssyncset.done $0x0  }
0xb4: {  	s1 =	sor.u32 $0x680, s26;
	[sflag:s22] =	ssyncadd.s32 $0xFFFFC000  }
0xb5: {  	[tilespmem:s23], [sflag:$0x4] =	stream.indirect.gather [hbm4b:s2+s21], $0x80, s1, s21, $0xb8;
	[tilespmem:$0x1E000] =	vst v63  }
0xb6: {  	s8 =	sor.u32 $0x1600, s26  }
0xb7: {  	[spmem:s3] =	stream.indirect.scatter.add.f32 [tilespmem:s18], [sflag:$0x5], $0x80, s8, s21, $0xb8;
	[tilespmem:$0x1E000] =	vst v63  }
0xb8: {  	_ =	swait.ge [sflag:s19], $0x4000  }
0xb9: {  	[sflag:s19] =	ssyncset.done $0x0  }
0xba: {  	[sflag:s19] =	ssyncadd.s32 $0xFFFFC000  }
0xbb: {  	_ =	swait.ge [sflag:s24], $0x4000  }
0xbc: {  	[sflag:s24] =	ssyncset.done $0x0  }
0xbd: {  	s20 =	sor.u32 $0x700, s26;
	[sflag:s24] =	ssyncadd.s32 $0xFFFFC000  }
0xbe: {  	[tilespmem:s18], [sflag:$0x3] =	stream.indirect.gather [hbm4b:s2+s21], $0x80, s20, s21, $0xb8;
	[tilespmem:$0x1E000] =	vst v63  }
0xbf: {  	s1 =	sor.u32 $0x1680, s26  }
0xc0: {  	[spmem:s3] =	stream.indirect.scatter.add.f32 [tilespmem:s23], [sflag:$0x5], $0x80, s1, s21, $0xb8;
	[tilespmem:$0x1E000] =	vst v63  }
0xc1: {  	_ =	swait.ge [sflag:s19], $0x4000  }
0xc2: {  	[sflag:s19] =	ssyncset.done $0x0  }
0xc3: {  	[sflag:s19] =	ssyncadd.s32 $0xFFFFC000  }
0xc4: {  	_ =	swait.ge [sflag:s22], $0x4000  }
0xc5: {  	[sflag:s22] =	ssyncset.done $0x0  }
0xc6: {  	s8 =	sor.u32 $0x780, s26;
	[sflag:s22] =	ssyncadd.s32 $0xFFFFC000  }
0xc7: {  	[tilespmem:s23], [sflag:$0x4] =	stream.indirect.gather [hbm4b:s2+s21], $0x80, s8, s21, $0xb8;
	[tilespmem:$0x1E000] =	vst v63  }
0xc8: {  	s20 =	sor.u32 $0x1700, s26  }
0xc9: {  	[spmem:s3] =	stream.indirect.scatter.add.f32 [tilespmem:s18], [sflag:$0x5], $0x80, s20, s21, $0xb8;
	[tilespmem:$0x1E000] =	vst v63  }
0xca: {  	_ =	swait.ge [sflag:s19], $0x4000  }
0xcb: {  	[sflag:s19] =	ssyncset.done $0x0  }
0xcc: {  	[sflag:s19] =	ssyncadd.s32 $0xFFFFC000  }
0xcd: {  	_ =	swait.ge [sflag:s24], $0x4000  }
0xce: {  	[sflag:s24] =	ssyncset.done $0x0  }
0xcf: {  	s26 =	sor.u32 $0x1780, s26;
	[sflag:s24] =	ssyncadd.s32 $0xFFFFC000  }
0xd0: {  	[spmem:s3] =	stream.indirect.scatter.add.f32 [tilespmem:s23], [sflag:$0x5], $0x80, s26, s21, $0xb8;
	[tilespmem:$0x1E000] =	vst v63  }
0xd1: {  	_ =	swait.ge [sflag:s19], $0x4000  }
0xd2: {  	[sflag:s19] =	ssyncset.done $0x0  }
0xd3: {  	p2 =	sne.s32 s6, $0x2;
	s0 =	simm.s32 @!p0 $0x1;
	[sflag:s19] =	ssyncadd.s32 $0xFFFFC000  }
.Ltmp2:
0xd4: {  	s29 =	simm.s32 $0x2;
	_ =	swait.ge @!p0 [sflag:s0], $0x800;
	(pc) =	sbr.rel @!p2 .LBB2_7-.Ltmp2, $4  }
0xd5: {  	s28 =	sadd.s32 $0x100, s17;
	s31 =	sand.u32 $0x1, s30;
	[sflag:s0] =	ssyncset.done @!p0 $0x0  }
0xd6: {  	p1 =	por $0x1, $0x1;
	[sflag:s0] =	ssyncadd.s32 @!p0 $0xFFFFF800;
	s0 =	simm.s32 @!p0 $0x2  }
0xd7: {  	p3 =	sle.u32 s6, $0x2;
	s1 =	simm.s32 @!p0 $0x2000;
	_ =	swait.ge @!p0 [sflag:s0], $0x800  }
0xd8: {  	s20 =	simm.s32 @!p0 $0x80;
	s26 =	sadd.s32 $0x100, s16;
	[sflag:s0] =	ssyncset.done @!p0 $0x0  }
.LBB2_6:
0xd9: {  	s8 =	sxor.u32 $0x1, s31  }
0xda: {  	[sflag:s0] =	ssyncadd.s32 @!p0 $0xFFFFF800;
	s30 =	smov.u32 s29;
	s29 =	sadd.s32 $0x1, s29  }
0xdb: {  	[tilespmem:s1], [sflag:$0x3] =	stream.indirect.gather @!p0 [hbm4b:s2+s20], $0x80, s25, s20, $0xb8;
	[tilespmem:$0x1E000] =	vst v63  }
0xdc: {  	s0 =	simm.s32 @!p3 $0x0;
	p2 =	sne.s32 s6, s29;
	s25 =	sshll.u32 @!p3 s8, $0xB  }
0xdd: {  	[tilespmem:s25], [sflag:$0x1] =	stream.linear.gather @!p3 [hbm4b:s28+s0], $0x800, $0x38;
	[tilespmem:$0x1E000] =	vst v63  }
0xde: {  	p0 =	por p3, p3;
	s1 =	sor.u32 @!p3 $0x1000, s25  }
0xdf: {  	[tilespmem:s1], [sflag:$0x2] =	stream.linear.gather @!p0 [hbm4b:s26+s0], $0x800, $0x38;
	[tilespmem:$0x1E000] =	vst v63  }
0xe0: {  	_ =	swait.ge [sflag:s22], $0x4000  }
0xe1: {  	s31 =	sshll.u32 s31, $0xB;
	[sflag:s22] =	ssyncset.done $0x0  }
0xe2: {  	s0 =	sor.u32 $0x80, s31;
	[sflag:s22] =	ssyncadd.s32 $0xFFFFC000  }
0xe3: {  	[tilespmem:s23], [sflag:$0x4] =	stream.indirect.gather [hbm4b:s2+s21], $0x80, s0, s21, $0xb8;
	[tilespmem:$0x1E000] =	vst v63  }
0xe4: {  	s0 =	sor.u32 $0x1000, s31  }
0xe5: {  	[spmem:s3] =	stream.indirect.scatter.add.f32 [tilespmem:s18], [sflag:$0x5], $0x80, s0, s21, $0xb8;
	[tilespmem:$0x1E000] =	vst v63  }
0xe6: {  	_ =	swait.ge [sflag:s19], $0x4000  }
0xe7: {  	[sflag:s19] =	ssyncset.done $0x0  }
0xe8: {  	[sflag:s19] =	ssyncadd.s32 $0xFFFFC000  }
0xe9: {  	_ =	swait.ge [sflag:s24], $0x4000  }
0xea: {  	[sflag:s24] =	ssyncset.done $0x0  }
0xeb: {  	s0 =	sor.u32 $0x100, s31;
	[sflag:s24] =	ssyncadd.s32 $0xFFFFC000  }
0xec: {  	[tilespmem:s18], [sflag:$0x3] =	stream.indirect.gather [hbm4b:s2+s21], $0x80, s0, s21, $0xb8;
	[tilespmem:$0x1E000] =	vst v63  }
0xed: {  	s0 =	sor.u32 $0x1080, s31  }
0xee: {  	[spmem:s3] =	stream.indirect.scatter.add.f32 [tilespmem:s23], [sflag:$0x5], $0x80, s0, s21, $0xb8;
	[tilespmem:$0x1E000] =	vst v63  }
0xef: {  	_ =	swait.ge [sflag:s19], $0x4000  }
0xf0: {  	[sflag:s19] =	ssyncset.done $0x0  }
0xf1: {  	[sflag:s19] =	ssyncadd.s32 $0xFFFFC000  }
0xf2: {  	_ =	swait.ge [sflag:s22], $0x4000  }
0xf3: {  	[sflag:s22] =	ssyncset.done $0x0  }
0xf4: {  	s0 =	sor.u32 $0x180, s31;
	[sflag:s22] =	ssyncadd.s32 $0xFFFFC000  }
0xf5: {  	[tilespmem:s23], [sflag:$0x4] =	stream.indirect.gather [hbm4b:s2+s21], $0x80, s0, s21, $0xb8;
	[tilespmem:$0x1E000] =	vst v63  }
0xf6: {  	s0 =	sor.u32 $0x1100, s31  }
0xf7: {  	[spmem:s3] =	stream.indirect.scatter.add.f32 [tilespmem:s18], [sflag:$0x5], $0x80, s0, s21, $0xb8;
	[tilespmem:$0x1E000] =	vst v63  }
0xf8: {  	_ =	swait.ge [sflag:s19], $0x4000  }
0xf9: {  	[sflag:s19] =	ssyncset.done $0x0  }
0xfa: {  	[sflag:s19] =	ssyncadd.s32 $0xFFFFC000  }
0xfb: {  	_ =	swait.ge [sflag:s24], $0x4000  }
0xfc: {  	[sflag:s24] =	ssyncset.done $0x0  }
0xfd: {  	s0 =	sor.u32 $0x200, s31;
	[sflag:s24] =	ssyncadd.s32 $0xFFFFC000  }
0xfe: {  	[tilespmem:s18], [sflag:$0x3] =	stream.indirect.gather [hbm4b:s2+s21], $0x80, s0, s21, $0xb8;
	[tilespmem:$0x1E000] =	vst v63  }
0xff: {  	s0 =	sor.u32 $0x1180, s31  }
0x100: {  	[spmem:s3] =	stream.indirect.scatter.add.f32 [tilespmem:s23], [sflag:$0x5], $0x80, s0, s21, $0xb8;
	[tilespmem:$0x1E000] =	vst v63  }
0x101: {  	_ =	swait.ge [sflag:s19], $0x4000  }
0x102: {  	[sflag:s19] =	ssyncset.done $0x0  }
0x103: {  	[sflag:s19] =	ssyncadd.s32 $0xFFFFC000  }
0x104: {  	_ =	swait.ge [sflag:s22], $0x4000  }
0x105: {  	[sflag:s22] =	ssyncset.done $0x0  }
0x106: {  	s0 =	sor.u32 $0x280, s31;
	[sflag:s22] =	ssyncadd.s32 $0xFFFFC000  }
0x107: {  	[tilespmem:s23], [sflag:$0x4] =	stream.indirect.gather [hbm4b:s2+s21], $0x80, s0, s21, $0xb8;
	[tilespmem:$0x1E000] =	vst v63  }
0x108: {  	s0 =	sor.u32 $0x1200, s31  }
0x109: {  	[spmem:s3] =	stream.indirect.scatter.add.f32 [tilespmem:s18], [sflag:$0x5], $0x80, s0, s21, $0xb8;
	[tilespmem:$0x1E000] =	vst v63  }
0x10a: {  	_ =	swait.ge [sflag:s19], $0x4000  }
0x10b: {  	[sflag:s19] =	ssyncset.done $0x0  }
0x10c: {  	[sflag:s19] =	ssyncadd.s32 $0xFFFFC000  }
0x10d: {  	_ =	swait.ge [sflag:s24], $0x4000  }
0x10e: {  	[sflag:s24] =	ssyncset.done $0x0  }
0x10f: {  	s0 =	sor.u32 $0x300, s31;
	[sflag:s24] =	ssyncadd.s32 $0xFFFFC000  }
0x110: {  	[tilespmem:s18], [sflag:$0x3] =	stream.indirect.gather [hbm4b:s2+s21], $0x80, s0, s21, $0xb8;
	[tilespmem:$0x1E000] =	vst v63  }
0x111: {  	s0 =	sor.u32 $0x1280, s31  }
0x112: {  	[spmem:s3] =	stream.indirect.scatter.add.f32 [tilespmem:s23], [sflag:$0x5], $0x80, s0, s21, $0xb8;
	[tilespmem:$0x1E000] =	vst v63  }
0x113: {  	_ =	swait.ge [sflag:s19], $0x4000  }
0x114: {  	[sflag:s19] =	ssyncset.done $0x0  }
0x115: {  	[sflag:s19] =	ssyncadd.s32 $0xFFFFC000  }
0x116: {  	_ =	swait.ge [sflag:s22], $0x4000  }
0x117: {  	[sflag:s22] =	ssyncset.done $0x0  }
0x118: {  	s0 =	sor.u32 $0x380, s31;
	[sflag:s22] =	ssyncadd.s32 $0xFFFFC000  }
0x119: {  	[tilespmem:s23], [sflag:$0x4] =	stream.indirect.gather [hbm4b:s2+s21], $0x80, s0, s21, $0xb8;
	[tilespmem:$0x1E000] =	vst v63  }
0x11a: {  	s0 =	sor.u32 $0x1300, s31  }
0x11b: {  	[spmem:s3] =	stream.indirect.scatter.add.f32 [tilespmem:s18], [sflag:$0x5], $0x80, s0, s21, $0xb8;
	[tilespmem:$0x1E000] =	vst v63  }
0x11c: {  	_ =	swait.ge [sflag:s19], $0x4000  }
0x11d: {  	[sflag:s19] =	ssyncset.done $0x0  }
0x11e: {  	[sflag:s19] =	ssyncadd.s32 $0xFFFFC000  }
0x11f: {  	_ =	swait.ge [sflag:s24], $0x4000  }
0x120: {  	[sflag:s24] =	ssyncset.done $0x0  }
0x121: {  	s0 =	sor.u32 $0x400, s31;
	[sflag:s24] =	ssyncadd.s32 $0xFFFFC000  }
0x122: {  	[tilespmem:s18], [sflag:$0x3] =	stream.indirect.gather [hbm4b:s2+s21], $0x80, s0, s21, $0xb8;
	[tilespmem:$0x1E000] =	vst v63  }
0x123: {  	s0 =	sor.u32 $0x1380, s31  }
0x124: {  	[spmem:s3] =	stream.indirect.scatter.add.f32 [tilespmem:s23], [sflag:$0x5], $0x80, s0, s21, $0xb8;
	[tilespmem:$0x1E000] =	vst v63  }
0x125: {  	_ =	swait.ge [sflag:s19], $0x4000  }
0x126: {  	[sflag:s19] =	ssyncset.done $0x0  }
0x127: {  	[sflag:s19] =	ssyncadd.s32 $0xFFFFC000  }
0x128: {  	_ =	swait.ge [sflag:s22], $0x4000  }
0x129: {  	[sflag:s22] =	ssyncset.done $0x0  }
0x12a: {  	s0 =	sor.u32 $0x480, s31;
	[sflag:s22] =	ssyncadd.s32 $0xFFFFC000  }
0x12b: {  	[tilespmem:s23], [sflag:$0x4] =	stream.indirect.gather [hbm4b:s2+s21], $0x80, s0, s21, $0xb8;
	[tilespmem:$0x1E000] =	vst v63  }
0x12c: {  	s0 =	sor.u32 $0x1400, s31  }
0x12d: {  	[spmem:s3] =	stream.indirect.scatter.add.f32 [tilespmem:s18], [sflag:$0x5], $0x80, s0, s21, $0xb8;
	[tilespmem:$0x1E000] =	vst v63  }
0x12e: {  	_ =	swait.ge [sflag:s19], $0x4000  }
0x12f: {  	[sflag:s19] =	ssyncset.done $0x0  }
0x130: {  	[sflag:s19] =	ssyncadd.s32 $0xFFFFC000  }
0x131: {  	_ =	swait.ge [sflag:s24], $0x4000  }
0x132: {  	[sflag:s24] =	ssyncset.done $0x0  }
0x133: {  	s0 =	sor.u32 $0x500, s31;
	[sflag:s24] =	ssyncadd.s32 $0xFFFFC000  }
0x134: {  	[tilespmem:s18], [sflag:$0x3] =	stream.indirect.gather [hbm4b:s2+s21], $0x80, s0, s21, $0xb8;
	[tilespmem:$0x1E000] =	vst v63  }
0x135: {  	s0 =	sor.u32 $0x1480, s31  }
0x136: {  	[spmem:s3] =	stream.indirect.scatter.add.f32 [tilespmem:s23], [sflag:$0x5], $0x80, s0, s21, $0xb8;
	[tilespmem:$0x1E000] =	vst v63  }
0x137: {  	_ =	swait.ge [sflag:s19], $0x4000  }
0x138: {  	[sflag:s19] =	ssyncset.done $0x0  }
0x139: {  	[sflag:s19] =	ssyncadd.s32 $0xFFFFC000  }
0x13a: {  	_ =	swait.ge [sflag:s22], $0x4000  }
0x13b: {  	[sflag:s22] =	ssyncset.done $0x0  }
0x13c: {  	s0 =	sor.u32 $0x580, s31;
	[sflag:s22] =	ssyncadd.s32 $0xFFFFC000  }
0x13d: {  	[tilespmem:s23], [sflag:$0x4] =	stream.indirect.gather [hbm4b:s2+s21], $0x80, s0, s21, $0xb8;
	[tilespmem:$0x1E000] =	vst v63  }
0x13e: {  	s0 =	sor.u32 $0x1500, s31  }
0x13f: {  	[spmem:s3] =	stream.indirect.scatter.add.f32 [tilespmem:s18], [sflag:$0x5], $0x80, s0, s21, $0xb8;
	[tilespmem:$0x1E000] =	vst v63  }
0x140: {  	_ =	swait.ge [sflag:s19], $0x4000  }
0x141: {  	[sflag:s19] =	ssyncset.done $0x0  }
0x142: {  	[sflag:s19] =	ssyncadd.s32 $0xFFFFC000  }
0x143: {  	_ =	swait.ge [sflag:s24], $0x4000  }
0x144: {  	[sflag:s24] =	ssyncset.done $0x0  }
0x145: {  	s0 =	sor.u32 $0x600, s31;
	[sflag:s24] =	ssyncadd.s32 $0xFFFFC000  }
0x146: {  	[tilespmem:s18], [sflag:$0x3] =	stream.indirect.gather [hbm4b:s2+s21], $0x80, s0, s21, $0xb8;
	[tilespmem:$0x1E000] =	vst v63  }
0x147: {  	s0 =	sor.u32 $0x1580, s31  }
0x148: {  	[spmem:s3] =	stream.indirect.scatter.add.f32 [tilespmem:s23], [sflag:$0x5], $0x80, s0, s21, $0xb8;
	[tilespmem:$0x1E000] =	vst v63  }
0x149: {  	_ =	swait.ge [sflag:s19], $0x4000  }
0x14a: {  	[sflag:s19] =	ssyncset.done $0x0  }
0x14b: {  	[sflag:s19] =	ssyncadd.s32 $0xFFFFC000  }
0x14c: {  	_ =	swait.ge [sflag:s22], $0x4000  }
0x14d: {  	[sflag:s22] =	ssyncset.done $0x0  }
0x14e: {  	s0 =	sor.u32 $0x680, s31;
	[sflag:s22] =	ssyncadd.s32 $0xFFFFC000  }
0x14f: {  	[tilespmem:s23], [sflag:$0x4] =	stream.indirect.gather [hbm4b:s2+s21], $0x80, s0, s21, $0xb8;
	[tilespmem:$0x1E000] =	vst v63  }
0x150: {  	s0 =	sor.u32 $0x1600, s31  }
0x151: {  	[spmem:s3] =	stream.indirect.scatter.add.f32 [tilespmem:s18], [sflag:$0x5], $0x80, s0, s21, $0xb8;
	[tilespmem:$0x1E000] =	vst v63  }
0x152: {  	_ =	swait.ge [sflag:s19], $0x4000  }
0x153: {  	[sflag:s19] =	ssyncset.done $0x0  }
0x154: {  	[sflag:s19] =	ssyncadd.s32 $0xFFFFC000  }
0x155: {  	_ =	swait.ge [sflag:s24], $0x4000  }
0x156: {  	[sflag:s24] =	ssyncset.done $0x0  }
0x157: {  	s0 =	sor.u32 $0x700, s31;
	[sflag:s24] =	ssyncadd.s32 $0xFFFFC000  }
0x158: {  	[tilespmem:s18], [sflag:$0x3] =	stream.indirect.gather [hbm4b:s2+s21], $0x80, s0, s21, $0xb8;
	[tilespmem:$0x1E000] =	vst v63  }
0x159: {  	s0 =	sor.u32 $0x1680, s31  }
0x15a: {  	[spmem:s3] =	stream.indirect.scatter.add.f32 [tilespmem:s23], [sflag:$0x5], $0x80, s0, s21, $0xb8;
	[tilespmem:$0x1E000] =	vst v63  }
0x15b: {  	_ =	swait.ge [sflag:s19], $0x4000  }
0x15c: {  	[sflag:s19] =	ssyncset.done $0x0  }
0x15d: {  	[sflag:s19] =	ssyncadd.s32 $0xFFFFC000  }
0x15e: {  	_ =	swait.ge [sflag:s22], $0x4000  }
0x15f: {  	[sflag:s22] =	ssyncset.done $0x0  }
0x160: {  	s0 =	sor.u32 $0x780, s31;
	[sflag:s22] =	ssyncadd.s32 $0xFFFFC000  }
0x161: {  	[tilespmem:s23], [sflag:$0x4] =	stream.indirect.gather [hbm4b:s2+s21], $0x80, s0, s21, $0xb8;
	[tilespmem:$0x1E000] =	vst v63  }
0x162: {  	s0 =	sor.u32 $0x1700, s31  }
0x163: {  	[spmem:s3] =	stream.indirect.scatter.add.f32 [tilespmem:s18], [sflag:$0x5], $0x80, s0, s21, $0xb8;
	[tilespmem:$0x1E000] =	vst v63  }
0x164: {  	_ =	swait.ge [sflag:s19], $0x4000  }
0x165: {  	[sflag:s19] =	ssyncset.done $0x0  }
0x166: {  	[sflag:s19] =	ssyncadd.s32 $0xFFFFC000  }
0x167: {  	_ =	swait.ge [sflag:s24], $0x4000  }
0x168: {  	[sflag:s24] =	ssyncset.done $0x0  }
0x169: {  	s0 =	sor.u32 $0x1780, s31;
	[sflag:s24] =	ssyncadd.s32 $0xFFFFC000  }
0x16a: {  	[spmem:s3] =	stream.indirect.scatter.add.f32 [tilespmem:s23], [sflag:$0x5], $0x80, s0, s21, $0xb8;
	[tilespmem:$0x1E000] =	vst v63  }
0x16b: {  	_ =	swait.ge [sflag:s19], $0x4000  }
0x16c: {  	[sflag:s19] =	ssyncset.done $0x0  }
0x16d: {  	s0 =	simm.s32 @!p0 $0x1;
	[sflag:s19] =	ssyncadd.s32 $0xFFFFC000  }
.Ltmp3:
0x16e: {  	_ =	swait.ge @!p0 [sflag:s0], $0x800;
	(pc) =	sbr.rel @p2 .LBB2_6-.Ltmp3, $4  }
0x16f: {  	s28 =	sadd.s32 $0x100, s28;
	[sflag:s0] =	ssyncset.done @!p0 $0x0  }
0x170: {  	s26 =	sadd.s32 $0x100, s26;
	[sflag:s0] =	ssyncadd.s32 @!p0 $0xFFFFF800;
	s0 =	simm.s32 @!p0 $0x2  }
0x171: {  	s20 =	simm.s32 @!p0 $0x80;
	s1 =	simm.s32 @!p0 $0x2000;
	_ =	swait.ge @!p0 [sflag:s0], $0x800  }
0x172: {  	p3 =	sge.u32 s29, s6;
	s31 =	sand.u32 $0x1, s30;
	[sflag:s0] =	ssyncset.done @!p0 $0x0  }
.LBB2_7:
0x173: {  	p0 =	por p0, !p1  }
0x174: {  	s8 =	sxor.u32 $0x1, s31;
	[sflag:s0] =	ssyncadd.s32 @!p0 $0xFFFFF800  }
0x175: {  	[tilespmem:s1], [sflag:$0x3] =	stream.indirect.gather @!p0 [hbm4b:s2+s20], $0x80, s25, s20, $0xb8;
	[tilespmem:$0x1E000] =	vst v63  }
0x176: {  	s0 =	simm.s32 @!p3 $0x0;
	s25 =	sshll.u32 @!p3 s8, $0xB  }
0x177: {  	[tilespmem:s25], [sflag:$0x1] =	stream.linear.gather @!p3 [hbm4b:s28+s0], $0x800, $0x38;
	[tilespmem:$0x1E000] =	vst v63  }
0x178: {  	p0 =	por p3, p3;
	s1 =	sor.u32 @!p3 $0x1000, s25  }
0x179: {  	[tilespmem:s1], [sflag:$0x2] =	stream.linear.gather @!p0 [hbm4b:s26+s0], $0x800, $0x38;
	[tilespmem:$0x1E000] =	vst v63  }
0x17a: {  	_ =	swait.ge [sflag:s22], $0x4000  }
0x17b: {  	s26 =	sshll.u32 s31, $0xB;
	[sflag:s22] =	ssyncset.done $0x0  }
0x17c: {  	s20 =	sor.u32 $0x80, s26;
	[sflag:s22] =	ssyncadd.s32 $0xFFFFC000  }
0x17d: {  	[tilespmem:s23], [sflag:$0x4] =	stream.indirect.gather [hbm4b:s2+s21], $0x80, s20, s21, $0xb8;
	[tilespmem:$0x1E000] =	vst v63  }
0x17e: {  	s28 =	sor.u32 $0x1000, s26  }
0x17f: {  	[spmem:s3] =	stream.indirect.scatter.add.f32 [tilespmem:s18], [sflag:$0x5], $0x80, s28, s21, $0xb8;
	[tilespmem:$0x1E000] =	vst v63  }
0x180: {  	_ =	swait.ge [sflag:s19], $0x4000  }
0x181: {  	[sflag:s19] =	ssyncset.done $0x0  }
0x182: {  	[sflag:s19] =	ssyncadd.s32 $0xFFFFC000  }
0x183: {  	_ =	swait.ge [sflag:s24], $0x4000  }
0x184: {  	[sflag:s24] =	ssyncset.done $0x0  }
0x185: {  	s29 =	sor.u32 $0x100, s26;
	[sflag:s24] =	ssyncadd.s32 $0xFFFFC000  }
0x186: {  	[tilespmem:s18], [sflag:$0x3] =	stream.indirect.gather [hbm4b:s2+s21], $0x80, s29, s21, $0xb8;
	[tilespmem:$0x1E000] =	vst v63  }
0x187: {  	s30 =	sor.u32 $0x1080, s26  }
0x188: {  	[spmem:s3] =	stream.indirect.scatter.add.f32 [tilespmem:s23], [sflag:$0x5], $0x80, s30, s21, $0xb8;
	[tilespmem:$0x1E000] =	vst v63  }
0x189: {  	_ =	swait.ge [sflag:s19], $0x4000  }
0x18a: {  	[sflag:s19] =	ssyncset.done $0x0  }
0x18b: {  	[sflag:s19] =	ssyncadd.s32 $0xFFFFC000  }
0x18c: {  	_ =	swait.ge [sflag:s22], $0x4000  }
0x18d: {  	[sflag:s22] =	ssyncset.done $0x0  }
0x18e: {  	s31 =	sor.u32 $0x180, s26;
	[sflag:s22] =	ssyncadd.s32 $0xFFFFC000  }
0x18f: {  	[tilespmem:s23], [sflag:$0x4] =	stream.indirect.gather [hbm4b:s2+s21], $0x80, s31, s21, $0xb8;
	[tilespmem:$0x1E000] =	vst v63  }
0x190: {  	s1 =	sor.u32 $0x1100, s26  }
0x191: {  	[spmem:s3] =	stream.indirect.scatter.add.f32 [tilespmem:s18], [sflag:$0x5], $0x80, s1, s21, $0xb8;
	[tilespmem:$0x1E000] =	vst v63  }
0x192: {  	_ =	swait.ge [sflag:s19], $0x4000  }
0x193: {  	[sflag:s19] =	ssyncset.done $0x0  }
0x194: {  	[sflag:s19] =	ssyncadd.s32 $0xFFFFC000  }
0x195: {  	_ =	swait.ge [sflag:s24], $0x4000  }
0x196: {  	[sflag:s24] =	ssyncset.done $0x0  }
0x197: {  	s8 =	sor.u32 $0x200, s26;
	[sflag:s24] =	ssyncadd.s32 $0xFFFFC000  }
0x198: {  	[tilespmem:s18], [sflag:$0x3] =	stream.indirect.gather [hbm4b:s2+s21], $0x80, s8, s21, $0xb8;
	[tilespmem:$0x1E000] =	vst v63  }
0x199: {  	s20 =	sor.u32 $0x1180, s26  }
0x19a: {  	[spmem:s3] =	stream.indirect.scatter.add.f32 [tilespmem:s23], [sflag:$0x5], $0x80, s20, s21, $0xb8;
	[tilespmem:$0x1E000] =	vst v63  }
0x19b: {  	_ =	swait.ge [sflag:s19], $0x4000  }
0x19c: {  	[sflag:s19] =	ssyncset.done $0x0  }
0x19d: {  	[sflag:s19] =	ssyncadd.s32 $0xFFFFC000  }
0x19e: {  	_ =	swait.ge [sflag:s22], $0x4000  }
0x19f: {  	[sflag:s22] =	ssyncset.done $0x0  }
0x1a0: {  	s28 =	sor.u32 $0x280, s26;
	[sflag:s22] =	ssyncadd.s32 $0xFFFFC000  }
0x1a1: {  	[tilespmem:s23], [sflag:$0x4] =	stream.indirect.gather [hbm4b:s2+s21], $0x80, s28, s21, $0xb8;
	[tilespmem:$0x1E000] =	vst v63  }
0x1a2: {  	s29 =	sor.u32 $0x1200, s26  }
0x1a3: {  	[spmem:s3] =	stream.indirect.scatter.add.f32 [tilespmem:s18], [sflag:$0x5], $0x80, s29, s21, $0xb8;
	[tilespmem:$0x1E000] =	vst v63  }
0x1a4: {  	_ =	swait.ge [sflag:s19], $0x4000  }
0x1a5: {  	[sflag:s19] =	ssyncset.done $0x0  }
0x1a6: {  	[sflag:s19] =	ssyncadd.s32 $0xFFFFC000  }
0x1a7: {  	_ =	swait.ge [sflag:s24], $0x4000  }
0x1a8: {  	[sflag:s24] =	ssyncset.done $0x0  }
0x1a9: {  	s30 =	sor.u32 $0x300, s26;
	[sflag:s24] =	ssyncadd.s32 $0xFFFFC000  }
0x1aa: {  	[tilespmem:s18], [sflag:$0x3] =	stream.indirect.gather [hbm4b:s2+s21], $0x80, s30, s21, $0xb8;
	[tilespmem:$0x1E000] =	vst v63  }
0x1ab: {  	s31 =	sor.u32 $0x1280, s26  }
0x1ac: {  	[spmem:s3] =	stream.indirect.scatter.add.f32 [tilespmem:s23], [sflag:$0x5], $0x80, s31, s21, $0xb8;
	[tilespmem:$0x1E000] =	vst v63  }
0x1ad: {  	_ =	swait.ge [sflag:s19], $0x4000  }
0x1ae: {  	[sflag:s19] =	ssyncset.done $0x0  }
0x1af: {  	[sflag:s19] =	ssyncadd.s32 $0xFFFFC000  }
0x1b0: {  	_ =	swait.ge [sflag:s22], $0x4000  }
0x1b1: {  	[sflag:s22] =	ssyncset.done $0x0  }
0x1b2: {  	s1 =	sor.u32 $0x380, s26;
	[sflag:s22] =	ssyncadd.s32 $0xFFFFC000  }
0x1b3: {  	[tilespmem:s23], [sflag:$0x4] =	stream.indirect.gather [hbm4b:s2+s21], $0x80, s1, s21, $0xb8;
	[tilespmem:$0x1E000] =	vst v63  }
0x1b4: {  	s8 =	sor.u32 $0x1300, s26  }
0x1b5: {  	[spmem:s3] =	stream.indirect.scatter.add.f32 [tilespmem:s18], [sflag:$0x5], $0x80, s8, s21, $0xb8;
	[tilespmem:$0x1E000] =	vst v63  }
0x1b6: {  	_ =	swait.ge [sflag:s19], $0x4000  }
0x1b7: {  	[sflag:s19] =	ssyncset.done $0x0  }
0x1b8: {  	[sflag:s19] =	ssyncadd.s32 $0xFFFFC000  }
0x1b9: {  	_ =	swait.ge [sflag:s24], $0x4000  }
0x1ba: {  	[sflag:s24] =	ssyncset.done $0x0  }
0x1bb: {  	s20 =	sor.u32 $0x400, s26;
	[sflag:s24] =	ssyncadd.s32 $0xFFFFC000  }
0x1bc: {  	[tilespmem:s18], [sflag:$0x3] =	stream.indirect.gather [hbm4b:s2+s21], $0x80, s20, s21, $0xb8;
	[tilespmem:$0x1E000] =	vst v63  }
0x1bd: {  	s28 =	sor.u32 $0x1380, s26  }
0x1be: {  	[spmem:s3] =	stream.indirect.scatter.add.f32 [tilespmem:s23], [sflag:$0x5], $0x80, s28, s21, $0xb8;
	[tilespmem:$0x1E000] =	vst v63  }
0x1bf: {  	_ =	swait.ge [sflag:s19], $0x4000  }
0x1c0: {  	[sflag:s19] =	ssyncset.done $0x0  }
0x1c1: {  	[sflag:s19] =	ssyncadd.s32 $0xFFFFC000  }
0x1c2: {  	_ =	swait.ge [sflag:s22], $0x4000  }
0x1c3: {  	[sflag:s22] =	ssyncset.done $0x0  }
0x1c4: {  	s29 =	sor.u32 $0x480, s26;
	[sflag:s22] =	ssyncadd.s32 $0xFFFFC000  }
0x1c5: {  	[tilespmem:s23], [sflag:$0x4] =	stream.indirect.gather [hbm4b:s2+s21], $0x80, s29, s21, $0xb8;
	[tilespmem:$0x1E000] =	vst v63  }
0x1c6: {  	s30 =	sor.u32 $0x1400, s26  }
0x1c7: {  	[spmem:s3] =	stream.indirect.scatter.add.f32 [tilespmem:s18], [sflag:$0x5], $0x80, s30, s21, $0xb8;
	[tilespmem:$0x1E000] =	vst v63  }
0x1c8: {  	_ =	swait.ge [sflag:s19], $0x4000  }
0x1c9: {  	[sflag:s19] =	ssyncset.done $0x0  }
0x1ca: {  	[sflag:s19] =	ssyncadd.s32 $0xFFFFC000  }
0x1cb: {  	_ =	swait.ge [sflag:s24], $0x4000  }
0x1cc: {  	[sflag:s24] =	ssyncset.done $0x0  }
0x1cd: {  	s31 =	sor.u32 $0x500, s26;
	[sflag:s24] =	ssyncadd.s32 $0xFFFFC000  }
0x1ce: {  	[tilespmem:s18], [sflag:$0x3] =	stream.indirect.gather [hbm4b:s2+s21], $0x80, s31, s21, $0xb8;
	[tilespmem:$0x1E000] =	vst v63  }
0x1cf: {  	s1 =	sor.u32 $0x1480, s26  }
0x1d0: {  	[spmem:s3] =	stream.indirect.scatter.add.f32 [tilespmem:s23], [sflag:$0x5], $0x80, s1, s21, $0xb8;
	[tilespmem:$0x1E000] =	vst v63  }
0x1d1: {  	_ =	swait.ge [sflag:s19], $0x4000  }
0x1d2: {  	[sflag:s19] =	ssyncset.done $0x0  }
0x1d3: {  	[sflag:s19] =	ssyncadd.s32 $0xFFFFC000  }
0x1d4: {  	_ =	swait.ge [sflag:s22], $0x4000  }
0x1d5: {  	[sflag:s22] =	ssyncset.done $0x0  }
0x1d6: {  	s8 =	sor.u32 $0x580, s26;
	[sflag:s22] =	ssyncadd.s32 $0xFFFFC000  }
0x1d7: {  	[tilespmem:s23], [sflag:$0x4] =	stream.indirect.gather [hbm4b:s2+s21], $0x80, s8, s21, $0xb8;
	[tilespmem:$0x1E000] =	vst v63  }
0x1d8: {  	s20 =	sor.u32 $0x1500, s26  }
0x1d9: {  	[spmem:s3] =	stream.indirect.scatter.add.f32 [tilespmem:s18], [sflag:$0x5], $0x80, s20, s21, $0xb8;
	[tilespmem:$0x1E000] =	vst v63  }
0x1da: {  	_ =	swait.ge [sflag:s19], $0x4000  }
0x1db: {  	[sflag:s19] =	ssyncset.done $0x0  }
0x1dc: {  	[sflag:s19] =	ssyncadd.s32 $0xFFFFC000  }
0x1dd: {  	_ =	swait.ge [sflag:s24], $0x4000  }
0x1de: {  	[sflag:s24] =	ssyncset.done $0x0  }
0x1df: {  	s28 =	sor.u32 $0x600, s26;
	[sflag:s24] =	ssyncadd.s32 $0xFFFFC000  }
0x1e0: {  	[tilespmem:s18], [sflag:$0x3] =	stream.indirect.gather [hbm4b:s2+s21], $0x80, s28, s21, $0xb8;
	[tilespmem:$0x1E000] =	vst v63  }
0x1e1: {  	s29 =	sor.u32 $0x1580, s26  }
0x1e2: {  	[spmem:s3] =	stream.indirect.scatter.add.f32 [tilespmem:s23], [sflag:$0x5], $0x80, s29, s21, $0xb8;
	[tilespmem:$0x1E000] =	vst v63  }
0x1e3: {  	_ =	swait.ge [sflag:s19], $0x4000  }
0x1e4: {  	[sflag:s19] =	ssyncset.done $0x0  }
0x1e5: {  	[sflag:s19] =	ssyncadd.s32 $0xFFFFC000  }
0x1e6: {  	_ =	swait.ge [sflag:s22], $0x4000  }
0x1e7: {  	[sflag:s22] =	ssyncset.done $0x0  }
0x1e8: {  	s30 =	sor.u32 $0x680, s26;
	[sflag:s22] =	ssyncadd.s32 $0xFFFFC000  }
0x1e9: {  	[tilespmem:s23], [sflag:$0x4] =	stream.indirect.gather [hbm4b:s2+s21], $0x80, s30, s21, $0xb8;
	[tilespmem:$0x1E000] =	vst v63  }
0x1ea: {  	s31 =	sor.u32 $0x1600, s26  }
0x1eb: {  	[spmem:s3] =	stream.indirect.scatter.add.f32 [tilespmem:s18], [sflag:$0x5], $0x80, s31, s21, $0xb8;
	[tilespmem:$0x1E000] =	vst v63  }
0x1ec: {  	_ =	swait.ge [sflag:s19], $0x4000  }
0x1ed: {  	[sflag:s19] =	ssyncset.done $0x0  }
0x1ee: {  	[sflag:s19] =	ssyncadd.s32 $0xFFFFC000  }
0x1ef: {  	_ =	swait.ge [sflag:s24], $0x4000  }
0x1f0: {  	[sflag:s24] =	ssyncset.done $0x0  }
0x1f1: {  	s1 =	sor.u32 $0x700, s26;
	[sflag:s24] =	ssyncadd.s32 $0xFFFFC000  }
0x1f2: {  	[tilespmem:s18], [sflag:$0x3] =	stream.indirect.gather [hbm4b:s2+s21], $0x80, s1, s21, $0xb8;
	[tilespmem:$0x1E000] =	vst v63  }
0x1f3: {  	s8 =	sor.u32 $0x1680, s26  }
0x1f4: {  	[spmem:s3] =	stream.indirect.scatter.add.f32 [tilespmem:s23], [sflag:$0x5], $0x80, s8, s21, $0xb8;
	[tilespmem:$0x1E000] =	vst v63  }
0x1f5: {  	_ =	swait.ge [sflag:s19], $0x4000  }
0x1f6: {  	[sflag:s19] =	ssyncset.done $0x0  }
0x1f7: {  	[sflag:s19] =	ssyncadd.s32 $0xFFFFC000  }
0x1f8: {  	_ =	swait.ge [sflag:s22], $0x4000  }
0x1f9: {  	[sflag:s22] =	ssyncset.done $0x0  }
0x1fa: {  	s20 =	sor.u32 $0x780, s26;
	[sflag:s22] =	ssyncadd.s32 $0xFFFFC000  }
0x1fb: {  	[tilespmem:s23], [sflag:$0x4] =	stream.indirect.gather [hbm4b:s2+s21], $0x80, s20, s21, $0xb8;
	[tilespmem:$0x1E000] =	vst v63  }
0x1fc: {  	s28 =	sor.u32 $0x1700, s26  }
0x1fd: {  	[spmem:s3] =	stream.indirect.scatter.add.f32 [tilespmem:s18], [sflag:$0x5], $0x80, s28, s21, $0xb8;
	[tilespmem:$0x1E000] =	vst v63  }
0x1fe: {  	_ =	swait.ge [sflag:s19], $0x4000  }
0x1ff: {  	[sflag:s19] =	ssyncset.done $0x0  }
0x200: {  	[sflag:s19] =	ssyncadd.s32 $0xFFFFC000  }
0x201: {  	_ =	swait.ge [sflag:s24], $0x4000  }
0x202: {  	[sflag:s24] =	ssyncset.done $0x0  }
0x203: {  	s29 =	sor.u32 $0x1780, s26;
	[sflag:s24] =	ssyncadd.s32 $0xFFFFC000  }
0x204: {  	[spmem:s3] =	stream.indirect.scatter.add.f32 [tilespmem:s23], [sflag:$0x5], $0x80, s29, s21, $0xb8;
	[tilespmem:$0x1E000] =	vst v63  }
0x205: {  	_ =	swait.ge [sflag:s19], $0x4000  }
0x206: {  	[sflag:s19] =	ssyncset.done $0x0  }
0x207: {  	s0 =	simm.s32 @!p0 $0x1;
	[sflag:s19] =	ssyncadd.s32 $0xFFFFC000  }
0x208: {  	_ =	swait.ge @!p0 [sflag:s0], $0x800  }
0x209: {  	[sflag:s0] =	ssyncset.done @!p0 $0x0  }
0x20a: {  	[sflag:s0] =	ssyncadd.s32 @!p0 $0xFFFFF800;
	s0 =	simm.s32 @!p0 $0x2  }
0x20b: {  	_ =	swait.ge @!p0 [sflag:s0], $0x800  }
0x20c: {  	s4 =	sadd.s32 $0x1, s4;
	s30 =	sor.u32 $0x1C05, s5;
	[sflag:s0] =	ssyncset.done @!p0 $0x0  }
0x20d: {  	s1 =	simm.s32 @!p0 $0x80;
	s8 =	simm.s32 @!p0 $0x2000;
	[sflag:s0] =	ssyncadd.s32 @!p0 $0xFFFFF800  }
0x20e: {  	[tilespmem:s8], [sflag:$0x3] =	stream.indirect.gather @!p0 [hbm4b:s2+s1], $0x80, s25, s1, $0xb8;
	[tilespmem:$0x1E000] =	vst v63  }
0x20f: {  	s31 =	sshrl.u32 s7, $0x3;
	p0 =	sne.s32 s4, s15;
	[bflag:$0x0] =	sbarrier.arrive $0xFFFF  }
0x210: {  	[hbm:s14], [sflag:s30] =	dma.local [spmem:s31], $0x2800  }
.Ltmp4:
0x211: {  	_ = 	snop;
	(pc) =	sbr.rel @p0 .LBB2_1-.Ltmp4, $4  }
.Ltmp5:
0x212: {  	_ = 	snop;
	(pc) =	sbr.rel @!p0 .LBB2_8-.Ltmp5, $4  }
0x213: {  	_ =	swait.ge [sflag:s19], $0x2800  }
0x214: {  	[sflag:s19] =	ssyncset.done $0x0  }
0x215: {  	[sflag:s19] =	ssyncadd.s32 $0xFFFFD800  }
0x216: {  	_ = 	snop  }
.LBB2_4:
.Ltmp6:
0x217: {  	(pc) =	sbr.rel .LBB2_7-.Ltmp6, $2  }
0x218: {  	_ =	sdelay $0x2  }
0x219: {  	s28 =	smov.u32 s17;
	s26 =	smov.u32 s16  }
.LBB2_8:
0x21a: {  	_ =	sfence.sel $0x180000  }
0x21b: {  	[bflag:$0x0] =	sbarrier.arrive $0xFFFF  }
0x21c: {  	_ =	strace $0x9000004A  }
0x21d: {  	s0 =	stileid.u32;
	[bflag:$0x2] =	sbarrier.arrive $0xFFFF  }
0x21e: {  	p0 =	sne.s32 s0, $0x0;
	s0 =	rddreg [dreg:$0x3]  }
0x21f: {  	s0 =	sadd.s32 @!p0 $0x100000, s0  }
0x220: {  	[sflag:s0] =	ssyncadd.tile.s32 @!p0 $0x1;
	_ =	shalt  }
.Lfunc_end2:
_tile_overlayer_lowered:
.L_overlay_start_2:
0x221: {  	(tag) =	ssettag $0x2  }
0x222: {  	s0 =	rddreg [dreg:$0x0];
	s2 =	stileid.u32  }
0x223: {  	s1 =	rddreg [dreg:$0x1];
	p0 =	sne.s32 s2, $0x0  }
0x224: {  	s3 =	rddreg [dreg:$0x2];
	[bflag:$0x3] =	sbarrier.arrive $0xFFFF;
	s2 =	simm.s32 @!p0 $0x1C05  }
0x225: {  	[timem:s3], [sflag:s2] =	dma.local @!p0 [hbm:s0], s1  }
0x226: {  	s0 =	simm.s32 @!p0 $0x5  }
0x227: {  	_ =	swait.ge @!p0 [sflag:s0], s1  }
0x228: {  	s1 =	ssub.s32 @!p0 $0x0, s1;
	[sflag:s0] =	ssyncset.done @!p0 $0x0  }
0x229: {  	[sflag:s0] =	ssyncadd.s32 @!p0 s1  }
0x22a: {  	[bflag:$0x3] =	sbarrier.arrive $0xFFFF  }
0x22b: {  	_ =	shalt  }

// kernel: kernel.7.cloned.1.call-start
scs
__scs_entry_jumppad:
0x0: {  	(pc) =	sbr.rel $0x88, $3  }
0x1: {  	(tag) =	ssettag $0x0;
	lr =	simm.s32 $0x1  }
0x2: {  	[smem:$0x3F9D] =	sst lr;
	_ =	strace $0xD0000000  }
0x3: {  	_ = 	snop  }
0x4: {  	_ = 	snop  }
0x5: {  	_ = 	snop  }
0x6: {  	_ = 	snop  }
0x7: {  	_ = 	snop  }
__scs_overlays_trampoline_lowered:
0x8: {  	[smem:$0x3FAC] =	sst s0  }
0x9: {  	[smem:$0x3FAD] =	sst s1  }
0xa: {  	[smem:$0x3FAE] =	sst s2  }
0xb: {  	[smem:$0x3FAF] =	sst s3  }
0xc: {  	[smem:$0x3FB0] =	sst s4  }
0xd: {  	[smem:$0x3FB1] =	sst s5  }
0xe: {  	[smem:$0x3FB2] =	sst s6  }
0xf: {  	[smem:$0x3FB3] =	sst s7  }
0x10: {  	[smem:$0x3FB4] =	sst s8  }
0x11: {  	[smem:$0x3FB5] =	sst s9;
	s0 =	simm.s32 @!p0 $0x0  }
0x12: {  	s1 =	sld [smem:$0x3F9B];
	s0 =	simm.s32 @p0 $0x1  }
0x13: {  	[smem:$0x3FB6] =	sst s0;
	s0 =	simm.s32 @!p1 $0x0  }
0x14: {  	s2 =	sld [smem:$0x3F9A];
	s0 =	simm.s32 @p1 $0x1  }
0x15: {  	[smem:$0x3FB7] =	sst s0;
	s0 =	simm.s32 @!p2 $0x0  }
0x16: {  	s3 =	sld [smem:$0x3FDB];
	s0 =	simm.s32 @p2 $0x1  }
0x17: {  	s4 =	simm.s32 $0x1BF5;
	[smem:$0x3FB9] =	sst s0  }
0x18: {  	s0 =	sld [smem:$0x3F9C];
	_ =	swait.ge [sflag:s4], $0x0  }
0x19: {  	s7 =	sld [smem:$0x3F9D]  }
0x1a: {  	s8 =	sadd.s32 $0xFFFFE003, lr  }
0x1b: {  	s9 =	sadd.s32 $0xFFFFFEF7, lr;
	s5 =	simm.s32 $0xFFFFFFFF;
	p2 =	slt.u32 s8, $0xFFFFF086  }
0x1c: {  	p1 =	slt.u32 s9, $0xF7A;
	s5 =	simm.s32 @!p2 $0x0  }
0x1d: {  	s5 =	simm.s32 @p1 $0x1;
	p0 =	seq.s32 s7, s2  }
0x1e: {  	s7 =	smul.u32 @!p0 $0xF7A, s2;
	p2 =	seq.s32 @!p0 s5, $0x0  }
0x1f: {  	s9 =	smul.u32 $0xF7A, s1;
	s8 =	simm.s32 @!p0 $0x1BF5;
	p2 =	por !p2, p0  }
0x20: {  	[sflag:s8] =	ssyncset.s32 @!p0 $0xFFFFF086;
	s6 =	sadd.s32 @!p0 s3, s7;
	s7 =	simm.s32 @!p0 $0x108  }
0x21: {  	s3 =	sadd.s32 s3, s9;
	s6 =	sadd.s32 @!p0 $0x88, s6;
	s7 =	simm.s32 @p2 $0x1082  }
0x22: {  	[simem:s7], [sflag:s8] =	dma.local @!p0 [hbm:s6], $0xF7A  }
0x23: {  	s9 =	sor.u32 $0xD0000000, s2;
	s6 =	simm.s32 $0x108;
	_ =	swait.ge @!p0 [sflag:s8], $0x0  }
0x24: {  	s3 =	sadd.s32 $0x88, s3;
	s6 =	simm.s32 @!p1 $0x1082;
	[sflag:s4] =	ssyncset.s32 $0xFFFFF086  }
0x25: {  	[simem:s6], [sflag:s4] =	dma.local [hbm:s3], $0xF7A  }
0x26: {  	[smem:$0x3F9D] =	sst s1;
	(tag) =	ssettag s2;
	_ =	strace s9  }
0x27: {  	s1 =	sld [smem:$0x3FAD]  }
0x28: {  	s2 =	sld [smem:$0x3FAE]  }
0x29: {  	s4 =	sld [smem:$0x3FB0]  }
0x2a: {  	p0 =	seq.s32 s5, $0x0;
	s5 =	sld [smem:$0x3FB1]  }
0x2b: {  	s6 =	sld [smem:$0x3FB2]  }
0x2c: {  	s7 =	sld [smem:$0x3FB3]  }
0x2d: {  	s3 =	simm.s32 $0x108;
	s8 =	sld [smem:$0x3FB4]  }
0x2e: {  	s3 =	simm.s32 @!p0 $0x1082;
	s9 =	sld [smem:$0x3FB5]  }
0x2f: {  	lr =	sadd.s32 s0, s3;
	s0 =	sld [smem:$0x3FAC]  }
0x30: {  	s3 =	sld [smem:$0x3FAF]  }
0x31: {  	[smem:$0x3FB8] =	sst s10  }
0x32: {  	s10 =	sld [smem:$0x3FB6];
	_ =	sdelay $0x3  }
0x33: {  	p0 =	seq.s32 s10, $0x1;
	s10 =	sld [smem:$0x3FB8];
	_ =	sdelay $0x3  }
0x34: {  	[smem:$0x3FB8] =	sst s10  }
0x35: {  	s10 =	sld [smem:$0x3FB7];
	_ =	sdelay $0x3  }
0x36: {  	p1 =	seq.s32 s10, $0x1;
	s10 =	sld [smem:$0x3FB8];
	_ =	sdelay $0x3  }
0x37: {  	[smem:$0x3FB8] =	sst s10  }
0x38: {  	s10 =	sld [smem:$0x3FB9]  }
0x39: {  	_ = 	snop;
	(pc) =	sbr.ind lr, $3  }
0x3a: {  	_ = 	snop  }
0x3b: {  	_ = 	snop  }
0x3c: {  	p2 =	seq.s32 s10, $0x1;
	s10 =	sld [smem:$0x3FB8]  }
0x3d: {  	_ =	shalt  }
0x3e: {  	_ =	shalt  }
0x3f: {  	_ =	shalt  }
0x40: {  	_ =	shalt  }
0x41: {  	_ =	shalt  }
0x42: {  	_ =	shalt  }
0x43: {  	_ =	shalt  }
0x44: {  	_ =	shalt  }
0x45: {  	_ =	shalt  }
0x46: {  	_ =	shalt  }
0x47: {  	_ =	shalt  }
0x48: {  	_ =	shalt  }
0x49: {  	_ =	shalt  }
0x4a: {  	_ =	shalt  }
0x4b: {  	_ =	shalt  }
0x4c: {  	_ =	shalt  }
0x4d: {  	_ =	shalt  }
0x4e: {  	_ =	shalt  }
0x4f: {  	_ =	shalt  }
0x50: {  	_ =	shalt  }
0x51: {  	_ =	shalt  }
0x52: {  	_ =	shalt  }
0x53: {  	_ =	shalt  }
0x54: {  	_ =	shalt  }
0x55: {  	_ =	shalt  }
0x56: {  	_ =	shalt  }
0x57: {  	_ =	shalt  }
0x58: {  	_ =	shalt  }
0x59: {  	_ =	shalt  }
0x5a: {  	_ =	shalt  }
0x5b: {  	_ =	shalt  }
0x5c: {  	_ =	shalt  }
0x5d: {  	_ =	shalt  }
0x5e: {  	_ =	shalt  }
0x5f: {  	_ =	shalt  }
0x60: {  	_ =	shalt  }
0x61: {  	_ =	shalt  }
0x62: {  	_ =	shalt  }
0x63: {  	_ =	shalt  }
0x64: {  	_ =	shalt  }
0x65: {  	_ =	shalt  }
0x66: {  	_ =	shalt  }
0x67: {  	_ =	shalt  }
0x68: {  	_ =	shalt  }
0x69: {  	_ =	shalt  }
0x6a: {  	_ =	shalt  }
0x6b: {  	_ =	shalt  }
0x6c: {  	_ =	shalt  }
0x6d: {  	_ =	shalt  }
0x6e: {  	_ =	shalt  }
0x6f: {  	_ =	shalt  }
0x70: {  	_ =	shalt  }
0x71: {  	_ =	shalt  }
0x72: {  	_ =	shalt  }
0x73: {  	_ =	shalt  }
0x74: {  	_ =	shalt  }
0x75: {  	_ =	shalt  }
0x76: {  	_ =	shalt  }
0x77: {  	_ =	shalt  }
0x78: {  	_ =	shalt  }
0x79: {  	_ =	shalt  }
0x7a: {  	_ =	shalt  }
0x7b: {  	_ =	shalt  }
0x7c: {  	_ =	shalt  }
0x7d: {  	_ =	shalt  }
0x7e: {  	_ =	shalt  }
0x7f: {  	_ =	shalt  }
0x80: {  	_ =	shalt  }
0x81: {  	_ =	shalt  }
0x82: {  	_ =	shalt  }
0x83: {  	_ =	shalt  }
0x84: {  	_ =	shalt  }
0x85: {  	_ =	shalt  }
0x86: {  	_ =	shalt  }
0x87: {  	_ =	shalt  }
.Lfunc_end0:
.L_simem_size_0:
called_computation_lowered:
.L_overlay_start_0:
0x88: {  	s2 =	sld [smem:$0x3FD9]  }
0x89: {  	s3 =	sld [smem:$0x3FFE];
	_ =	sdelay $0x1  }
0x8a: {  	s1 =	srdreg.scid  }
0x8b: {  	s0 =	sand.u32 $0x1, s1  }
0x8c: {  	s17 =	sshll.u32 s0, $0xA;
	s2 =	sadd.s32 s3, s2  }
0x8d: {  	s2 =	sadd.s32 s2, s17  }
0x8e: {  	[smem:$0x3FC4] =	sst s2  }
0x8f: {  	_ = 	snop  }
0x90: {  	s2 =	sld [smem:$0x3FD0];
	(tm) =	ssettm $0x1  }
0x91: {  	s18 =	sld [smem:$0x3FFB];
	_ =	sdelay $0x3  }
0x92: {  	_ =	strace s18  }
0x93: {  	s3 =	sld [smem:$0x3FFC];
	_ =	sdelay $0x3  }
0x94: {  	_ =	strace s3  }
0x95: {  	s3 =	sld [smem:$0x3FFD];
	_ =	sdelay $0x3  }
0x96: {  	_ =	strace s3  }
0x97: {  	_ =	strace $0x8FFFFFFF  }
0x98: {  	s19 =	sld [smem:$0x3FDB];
	_ =	sdelay $0x1  }
0x99: {  	s4 =	simm.s32 $_scs_section_size  }
0x9a: {  	s5 =	simm.s32 $_size__tile_overlayer_lowered;
	s6 =	simm.s32 $_tile_overlayer_lowered  }
0x9b: {  	s22 =	simm.s32 $0x1BFF;
	s21 =	sshll.u32 s6, $0x1;
	s3 =	sadd.s32 s4, s19  }
0x9c: {  	s7 =	simm.s32 $0x0;
	s20 =	sshll.u32 s5, $0x1;
	s5 =	sadd.s32 s21, s3  }
0x9d: {  	[timem:s7], [sflag:s22] =	dma.local [hbm:s5], s20  }
0x9e: {  	_ =	swait.ge [sflag:s22], s20  }
0x9f: {  	s4 =	ssub.s32 $0x0, s20;
	[sflag:s22] =	ssyncset.done $0x0  }
0xa0: {  	[sflag:s22] =	ssyncadd.s32 s4;
	_ =	sdelay $0x1  }
0xa1: {  	s23 =	simm.s32 $0x1B8B  }
0xa2: {  	_ =	swait.ge [sflag:s23], $0x1  }
0xa3: {  	[sflag:s23] =	ssyncset.done $0x0  }
0xa4: {  	s25 =	simm.s32 $0x1B8E;
	s24 =	sld [smem:$0x3FFE];
	[sflag:s23] =	ssyncadd.s32 $0xFFFFFFFF  }
0xa5: {  	s26 =	simm.s32 $execute0_lowered;
	[smem:$0x3FD2] =	sst s25  }
0xa6: {  	s5 =	sshll.u32 s26, $0x1;
	_ =	strace $0x80000046;
	[dreg:$0x1] =	wrdreg $0xFFFFFFFF  }
0xa7: {  	s28 =	simm.s32 $_size_execute0_lowered;
	s3 =	sadd.s32 s3, s5;
	[dreg:$0x0] =	wrdreg $0x0  }
0xa8: {  	s5 =	sshll.u32 s28, $0x1;
	[dreg:$0x2] =	wrdreg s3  }
0xa9: {  	[dreg:$0x3] =	wrdreg s5  }
0xaa: {  	[dreg:$0x4] =	wrdreg $0xC0  }
0xab: {  	_ =	task [dreg:s7], $0x5FFFF  }
0xac: {  	[dreg:$0x1] =	wrdreg $0xFFFFFFFF  }
0xad: {  	[dreg:$0x0] =	wrdreg $0x60  }
0xae: {  	[dreg:$0x2] =	wrdreg s24  }
0xaf: {  	[dreg:$0x3] =	wrdreg s2  }
0xb0: {  	[dreg:$0x4] =	wrdreg $0xA0000  }
0xb1: {  	[dreg:$0x5] =	wrdreg $0x9  }
0xb2: {  	_ =	task.clear_ibuf [dreg:s7], $0x6FFFF;
	_ =	strace $0x90000046  }
0xb3: {  	s29 =	simm.s32 $0x9;
	_ =	strace $0x80000048  }
0xb4: {  	_ =	swait.ge [sflag:s29], $0x1  }
0xb5: {  	[sflag:s29] =	ssyncadd.s32 $0xFFFFFFFF  }
0xb6: {  	_ =	strace $0x90000048  }
0xb7: {  	_ =	sfence  }
0xb8: {  	s30 =	sld [smem:$0x0];
	_ =	sdelay $0x2  }
0xb9: {  	s31 =	sshll.u32 s1, $0xD;
	s1 =	sshrl.u32 s1, $0x2  }
0xba: {  	s3 =	sand.u32 $0x4000, s31;
	s1 =	sadd.s32 s1, s30  }
0xbb: {  	s0 =	sor.u32 s3, s0;
	s1 =	sshll.u32 s1, $0x11  }
0xbc: {  	s0 =	sor.u32 s1, s0  }
0xbd: {  	s0 =	sadd.s32 $0x8F2B, s0  }
0xbe: {  	[sflag:s0] =	ssyncadd.remote.s32 $0x1  }
0xbf: {  	_ =	sfence.sel $0xFFFF  }
0xc0: {  	[dreg:$0x0] =	wrdreg $0xFFFFFFFF;
	(pc) =	sbr.abs _section_cstart, $3  }
0xc1: {  	[dreg:$0x1] =	wrdreg $0xFFFFFFFF  }
0xc2: {  	_ =	task.clear_ibuf [dreg:s7], $0x2FFFF;
	_ =	strace $0x9FFFFFFF  }
0xc3: {  	(tm) =	ssettm $0x7FFFFFFF  }
tec
execute0_lowered:
.L_overlay_start_1:
0x0: {  	(tag) =	ssettag $0x1  }
0x1: {  	s4 =	rddreg [dreg:$0x0]  }
0x2: {  	s7 =	rddreg [dreg:$0x1]  }
0x3: {  	s0 =	srdreg.scid;
	s2 =	rddreg [dreg:$0x2]  }
0x4: {  	s3 =	simm.s32 $0x0;
	s5 =	sand.u32 $0x1, s0;
	s0 =	stileid.u32  }
0x5: {  	s15 =	simm.s32 $0x10;
	s16 =	simm.s32 $0x0;
	s29 =	smul.u32 $0x500, s0  }
0x6: {  	[smem:$0x7FF] =	sst s3;
	s1 =	sshll.u32 s5, $0x4;
	s9 =	smul.u32 $0x280, s0  }
0x7: {  	s10 =	sshll.u32 s5, $0x7;
	s5 =	ssub.s32 $0x2, s5;
	s31 =	sshll.u32 s0, $0x6  }
0x8: {  	s6 =	sor.u32 s0, s1;
	s1 =	rddreg [dreg:$0x3];
	_ =	strace $0x80000047  }
0x9: {  	s12 =	sshrl.u32 s5, $0x1;
	s8 =	smul.u32 $0x500, s6;
	s6 =	sor.u32 s10, s29  }
0xa: {  	s30 =	sshrl.u32 s9, $0x3;
	s12 =	ssub.s32 s5, s12;
	s14 =	sadd.s32 s9, s2  }
0xb: {  	s5 =	sor.u32 $0x1C01, s31;
	s6 =	sshrl.u32 s6, $0x3;
	s10 =	sadd.s32 s30, s4  }
0xc: {  	s9 =	smax.u32 s12, $0x1;
	s12 =	simm.s32 $0x2800;
	s11 =	sadd.s32 s8, s4  }
0xd: {  	s13 =	sadd.s32 s6, s4;
	s4 =	sadd.s32 $0x15A00, s10;
	s7 =	sadd.s32 s7, s8  }
0xe: {  	s10 =	sshrl.u32 s14, $0x3;
	s14 =	simm.s32 $0x20;
	s6 =	sadd.s32 $0x1A00, s11  }
0xf: {  	v0 =	vimm.f32 $1.000000000e+00;
	s8 =	sadd.s32 $0x16000, s13;
	s11 =	simm.s32 $0x1;
	s13 =	simm.s32 $0x80  }
.LBB2_1:
0x10: {  	[spmem:s10], [sflag:s5] =	dma.local [hbm:s4], $0x50  }
0x11: {  	_ =	swait.ge [sflag:s11], $0x50  }
0x12: {  	[sflag:s11] =	ssyncset.done $0x0  }
0x13: {  	[sflag:s11] =	ssyncadd.s32 $0xFFFFFFB0  }
0x14: {  	[tilespmem:s3], [sflag:$0x1] =	stream.linear.gather [hbm4b:s6+s3], $0x2800, $0x38;
	[tilespmem:$0xA280] =	vst v63  }
0x15: {  	_ =	swait.ge [sflag:s11], $0x2800  }
0x16: {  	[sflag:s11] =	ssyncset.done $0x0  }
0x17: {  	[sflag:s11] =	ssyncadd.s32 $0xFFFFD800  }
0x18: {  	[tilespmem:s12], [sflag:$0x1] =	stream.linear.gather [hbm4b:s7+s3], $0x2800, $0x38;
	[tilespmem:$0xA280] =	vst v63  }
0x19: {  	_ =	swait.ge [sflag:s11], $0x2800  }
0x1a: {  	[sflag:s11] =	ssyncset.done $0x0  }
0x1b: {  	s17 =	simm.s32 $0x0;
	[sflag:s11] =	ssyncadd.s32 $0xFFFFD800  }
0x1c: {  	v1 =	vld [tilespmem:s17+$0x70]  }
0x1d: {  	v2 =	vld [tilespmem:s17+$0x2870]  }
0x1e: {  	v3 =	vld [tilespmem:s17+$0x0]  }
0x1f: {  	v4 =	vld [tilespmem:s17+$0x2800]  }
0x20: {  	v6 =	vld [tilespmem:s17+$0x2810]  }
0x21: {  	v8 =	vld [tilespmem:s17+$0x2820]  }
0x22: {  	v5 =	vld [tilespmem:s17+$0x10]  }
0x23: {  	v7 =	vld [tilespmem:s17+$0x20];
	[tilespmem:s17+$0x7870] =	vst v2  }
0x24: {  	v9 =	vld [tilespmem:s17+$0x30];
	vm0 =	veq.s32 v1, v2;
	[tilespmem:s17+$0x7800] =	vst v4  }
0x25: {  	[tilespmem:s17+$0x7810] =	vst v6;
	v1 =	vsel vm0, $0x0, v0;
	vm0 =	veq.s32 v3, v4;
	v3 =	vld [tilespmem:s17+$0x2830]  }
0x26: {  	v10 =	vld [tilespmem:s17+$0x40];
	[tilespmem:s17+$0x7820] =	vst v8  }
0x27: {  	v4 =	vld [tilespmem:s17+$0x2840];
	[tilespmem:s17+$0x5070] =	vst v1;
	v1 =	vsel vm0, $0x0, v0;
	vm0 =	veq.s32 v5, v6  }
0x28: {  	v5 =	vld [tilespmem:s17+$0x2850];
	[tilespmem:s17+$0x5000] =	vst v1;
	v1 =	vsel vm0, $0x0, v0;
	vm0 =	veq.s32 v7, v8  }
0x29: {  	[tilespmem:s17+$0x5010] =	vst v1;
	v1 =	vld [tilespmem:s17+$0x50];
	v2 =	vsel vm0, $0x0, v0  }
0x2a: {  	v6 =	vld [tilespmem:s17+$0x2860];
	[tilespmem:s17+$0x5020] =	vst v2;
	vm0 =	veq.s32 v9, v3  }
0x2b: {  	s18 =	simm.s32 $0x80;
	v2 =	vld [tilespmem:s17+$0x60];
	[tilespmem:s17+$0x7830] =	vst v3;
	v7 =	vsel vm0, $0x0, v0  }
0x2c: {  	s19 =	simm.s32 $0x400;
	v3 =	vld [tilespmem:s18+$0x70];
	vm0 =	veq.s32 v10, v4;
	[tilespmem:s17+$0x5030] =	vst v7  }
.LBB2_2:
0x2d: {  	p0 =	sne.s32 s19, $0x9E00;
	v7 =	vld [tilespmem:s18+$0x2870];
	v8 =	vsel vm0, $0x0, v0;
	[tilespmem:s17+$0x7840] =	vst v4  }
0x2e: {  	v4 =	vld [tilespmem:s18+$0x0];
	[tilespmem:s17+$0x5040] =	vst v8;
	vm0 =	veq.s32 v1, v5  }
0x2f: {  	v1 =	vld [tilespmem:s18+$0x2800];
	v8 =	vsel vm0, $0x0, v0;
	[tilespmem:s17+$0x7850] =	vst v5  }
0x30: {  	v5 =	vld [tilespmem:s18+$0x10];
	[tilespmem:s17+$0x5050] =	vst v8;
	vm0 =	veq.s32 v2, v6  }
0x31: {  	v2 =	vld [tilespmem:s18+$0x2810];
	v8 =	vsel vm0, $0x0, v0;
	[tilespmem:s17+$0x7860] =	vst v6  }
0x32: {  	v6 =	vld [tilespmem:s18+$0x20];
	vm0 =	veq.s32 v3, v7;
	[tilespmem:s17+$0x5060] =	vst v8;
	s17 =	smov.u32 s18  }
0x33: {  	v3 =	vld [tilespmem:s17+$0x2820];
	v8 =	vsel vm0, $0x0, v0;
	[tilespmem:s17+$0x7870] =	vst v7  }
0x34: {  	vm0 =	veq.s32 v4, v1;
	v7 =	vld [tilespmem:s17+$0x30];
	[tilespmem:s17+$0x5070] =	vst v8  }
0x35: {  	v4 =	vsel vm0, $0x0, v0;
	[tilespmem:s17+$0x7800] =	vst v1;
	v8 =	vld [tilespmem:s17+$0x2830]  }
0x36: {  	[tilespmem:s17+$0x5000] =	vst v4;
	vm0 =	veq.s32 v5, v2;
	v9 =	vld [tilespmem:s17+$0x40]  }
0x37: {  	v1 =	vsel vm0, $0x0, v0;
	[tilespmem:s17+$0x7810] =	vst v2;
	v4 =	vld [tilespmem:s17+$0x2840]  }
.Ltmp0:
0x38: {  	[tilespmem:s17+$0x5010] =	vst v1;
	vm0 =	veq.s32 v6, v3;
	v1 =	vld [tilespmem:s17+$0x50];
	(pc) =	sbr.rel @p0 .LBB2_2-.Ltmp0, $4  }
0x39: {  	v2 =	vsel vm0, $0x0, v0;
	[tilespmem:s17+$0x7820] =	vst v3;
	v5 =	vld [tilespmem:s17+$0x2850]  }
0x3a: {  	[tilespmem:s17+$0x5020] =	vst v2;
	vm0 =	veq.s32 v7, v8;
	v2 =	vld [tilespmem:s17+$0x60]  }
0x3b: {  	s18 =	sshra.s32 s19, $0x2;
	v7 =	vsel vm0, $0x0, v0;
	[tilespmem:s17+$0x7830] =	vst v8;
	v6 =	vld [tilespmem:s17+$0x2860]  }
0x3c: {  	s19 =	sadd.s32 $0x200, s19;
	v3 =	vld [tilespmem:s18+$0x70];
	[tilespmem:s17+$0x5030] =	vst v7;
	vm0 =	veq.s32 v9, v4  }
0x3d: {  	v7 =	vld [tilespmem:s18+$0x2870];
	[tilespmem:s17+$0x7840] =	vst v4;
	v57 =	vsel vm0, $0x0, v0  }
0x3e: {  	v8 =	vld [tilespmem:s18+$0x0];
	[tilespmem:s17+$0x5040] =	vst v57;
	vm6 =	veq.s32 v1, v5  }
0x3f: {  	v4 =	vld [tilespmem:s18+$0x2800];
	[tilespmem:s17+$0x7850] =	vst v5;
	v1 =	vsel vm6, $0x0, v0  }
0x40: {  	v5 =	vld [tilespmem:s18+$0x10];
	[tilespmem:s17+$0x5050] =	vst v1;
	vm7 =	veq.s32 v2, v6  }
0x41: {  	v1 =	vld [tilespmem:s18+$0x2810];
	[tilespmem:s17+$0x7860] =	vst v6;
	v2 =	vsel vm7, $0x0, v0  }
0x42: {  	v6 =	vld [tilespmem:s18+$0x20];
	[tilespmem:s17+$0x5060] =	vst v2;
	vm8 =	veq.s32 v3, v7  }
0x43: {  	v2 =	vld [tilespmem:s18+$0x2820];
	[tilespmem:s18+$0x7870] =	vst v7;
	v3 =	vsel vm8, $0x0, v0  }
0x44: {  	v58 =	vld [tilespmem:s18+$0x30];
	[tilespmem:s18+$0x5070] =	vst v3;
	vm9 =	veq.s32 v8, v4  }
0x45: {  	v59 =	vld [tilespmem:s18+$0x2830];
	[tilespmem:s18+$0x7800] =	vst v4;
	v3 =	vsel vm9, $0x0, v0  }
0x46: {  	v60 =	vld [tilespmem:s18+$0x2840];
	[tilespmem:s18+$0x5000] =	vst v3;
	vm10 =	veq.s32 v5, v1  }
0x47: {  	v61 =	vld [tilespmem:s18+$0x2850];
	[tilespmem:s18+$0x7810] =	vst v1;
	v1 =	vsel vm10, $0x0, v0  }
0x48: {  	v63 =	vld [tilespmem:s18+$0x2860];
	[tilespmem:s18+$0x5010] =	vst v1  }
0x49: {  	v3 =	vld [tilespmem:s18+$0x40];
	vm11 =	veq.s32 v6, v2;
	[tilespmem:s18+$0x7820] =	vst v2  }
0x4a: {  	v1 =	vld [tilespmem:s18+$0x50];
	[tilespmem:s18+$0x7830] =	vst v59;
	v2 =	vsel vm11, $0x0, v0  }
0x4b: {  	[tilespmem:s18+$0x5020] =	vst v2;
	v2 =	vld [tilespmem:s18+$0x60]  }
0x4c: {  	[tilespmem:s18+$0x7840] =	vst v60  }
0x4d: {  	vm12 =	veq.s32 v58, v59;
	[tilespmem:s18+$0x7850] =	vst v61  }
0x4e: {  	[tilespmem:s18+$0x7860] =	vst v63;
	v62 =	vsel vm12, $0x0, v0;
	vm13 =	veq.s32 v3, v60  }
0x4f: {  	[tilespmem:s18+$0x5030] =	vst v62;
	v3 =	vsel vm13, $0x0, v0;
	vm14 =	veq.s32 v1, v61  }
0x50: {  	[tilespmem:s18+$0x5040] =	vst v3;
	v1 =	vsel vm14, $0x0, v0;
	vm15 =	veq.s32 v2, v63  }
0x51: {  	[tilespmem:s18+$0x5050] =	vst v1;
	v1 =	vsel vm15, $0x0, v0  }
0x52: {  	[tilespmem:s18+$0x5060] =	vst v1  }
0x53: {  	s30 =	simm.s32 $0x5000;
	s31 =	simm.s32 $0x7800;
	[bflag:$0x0] =	sbarrier.arrive $0xFFFF  }
0x54: {  	[spmem:s2] =	stream.indirect.scatter.add.f32 [tilespmem:s30], [sflag:$0x1], $0x1, s31, s13, $0xb8;
	[tilespmem:$0xA280] =	vst v63  }
0x55: {  	s17 =	simm.s32 $0x200;
	_ =	swait.ge [sflag:s11], $0x80  }
.LBB2_4:
0x56: {  	s18 =	sshra.s32 s17, $0x2  }
0x57: {  	[sflag:s11] =	ssyncset.done $0x0;
	p0 =	sne.s32 s17, $0x9E00;
	s19 =	sadd.s32 $0x5000, s18  }
.Ltmp1:
0x58: {  	s18 =	sadd.s32 $0x7800, s18;
	[sflag:s11] =	ssyncadd.s32 $0xFFFFFF80;
	(pc) =	sbr.rel @p0 .LBB2_4-.Ltmp1, $3  }
0x59: {  	[spmem:s2] =	stream.indirect.scatter.add.f32 [tilespmem:s19], [sflag:$0x1], $0x1, s18, s13, $0xb8;
	[tilespmem:$0xA280] =	vst v63  }
0x5a: {  	s17 =	sadd.s32 $0x200, s17;
	_ =	sdelay $0x1  }
0x5b: {  	_ =	swait.ge [sflag:s11], $0x80  }
0x5c: {  	[sflag:s11] =	ssyncset.done $0x0;
	s16 =	sadd.s32 $0x1, s16  }
0x5d: {  	[sflag:s11] =	ssyncadd.s32 $0xFFFFFF80;
	p0 =	sne.s32 s16, s9  }
.Ltmp2:
0x5e: {  	[bflag:$0x0] =	sbarrier.arrive $0xFFFF;
	(pc) =	sbr.rel @p0 .LBB2_1-.Ltmp2, $4  }
0x5f: {  	[hbm:s8@s14], [sflag:s5] =	dma.strided [spmem:s10@s15], $0x50, s11, $0x10   }
0x60: {  	_ =	swait.ge [sflag:s11], $0x50  }
0x61: {  	[sflag:s11] =	ssyncset.done $0x0  }
0x62: {  	[sflag:s11] =	ssyncadd.s32 $0xFFFFFFB0  }
0x63: {  	_ =	sfence.sel $0x180000  }
0x64: {  	[bflag:$0x0] =	sbarrier.arrive $0xFFFF  }
0x65: {  	p0 =	sne.s32 s0, $0x0;
	_ =	strace $0x90000047  }
0x66: {  	s0 =	sadd.s32 @!p0 $0x100000, s1;
	[bflag:$0x2] =	sbarrier.arrive $0xFFFF  }
0x67: {  	[sflag:s0] =	ssyncadd.tile.s32 @!p0 $0x1;
	_ =	shalt  }
.Lfunc_end2:
_tile_overlayer_lowered:
.L_overlay_start_2:
0x68: {  	(tag) =	ssettag $0x2  }
0x69: {  	s0 =	rddreg [dreg:$0x0];
	s2 =	stileid.u32  }
0x6a: {  	s1 =	rddreg [dreg:$0x1];
	p0 =	sne.s32 s2, $0x0  }
0x6b: {  	s3 =	rddreg [dreg:$0x2];
	[bflag:$0x3] =	sbarrier.arrive $0xFFFF;
	s2 =	simm.s32 @!p0 $0x1C01  }
0x6c: {  	[timem:s3], [sflag:s2] =	dma.local @!p0 [hbm:s0], s1  }
0x6d: {  	s0 =	simm.s32 @!p0 $0x1  }
0x6e: {  	_ =	swait.ge @!p0 [sflag:s0], s1  }
0x6f: {  	s1 =	ssub.s32 @!p0 $0x0, s1;
	[sflag:s0] =	ssyncset.done @!p0 $0x0  }
0x70: {  	[sflag:s0] =	ssyncadd.s32 @!p0 s1  }
0x71: {  	[bflag:$0x3] =	sbarrier.arrive $0xFFFF  }
0x72: {  	_ =	shalt  }

</sc_bundles>
